<compile_context>
chip_gen: v7x
topology: tpu7x:2x2x1
jax: 0.10.2.dev20260603
libtpu: 0.0.44.dev20260713+nightly
codegen_flags: <defaults>
</compile_context>

<pallas_src>
import functools

import jax
import jax.numpy as jnp
from jax import lax
from jax.experimental import pallas as pl
from jax.experimental.pallas import tpu as pltpu
from jax.experimental.pallas import tpu_sc as plsc

BB, SS, DD = 4, 4096, 2048
KCAP = 512
HID = DD // 4

_SBLK = 512


def _scores_body(x_ref, w1_ref, b1_ref, w2_ref, b2_ref, s_ref):
    xb = x_ref[...]
    hT = lax.dot_general(w1_ref[...], xb, (((0,), (1,)), ((), ())),
                         precision=lax.Precision.DEFAULT,
                         preferred_element_type=jnp.float32)
    hT = jnp.maximum(hT + b1_ref[...].reshape(HID, 1), 0.0)
    sT = lax.dot_general(w2_ref[...], hT, (((0,), (0,)), ((), ())),
                         precision=lax.Precision.DEFAULT,
                         preferred_element_type=jnp.float32)
    s_ref[...] = sT + b2_ref[0]


def _scores(xf, w1, b1, w2, b2):
    n = (BB * SS) // _SBLK
    return pl.pallas_call(
        _scores_body,
        grid=(n,),
        in_specs=[
            pl.BlockSpec((_SBLK, DD), lambda i: (i, 0)),
            pl.BlockSpec((DD, HID), lambda i: (0, 0)),
            pl.BlockSpec((HID,), lambda i: (0,)),
            pl.BlockSpec((HID, 1), lambda i: (0, 0)),
            pl.BlockSpec((1,), lambda i: (0,)),
        ],
        out_specs=pl.BlockSpec((1, _SBLK), lambda i: (0, i)),
        out_shape=jax.ShapeDtypeStruct((1, BB * SS), jnp.float32),
    )(xf, w1, b1, w2, b2)


def _row_cumsum(m):
    c = m
    sh = 1
    while sh < SS:
        z = jnp.zeros((BB, sh), jnp.float32)
        c = c + jnp.concatenate([z, c[:, : SS - sh]], axis=1)
        sh *= 2
    return c


def _route_body(s_ref, mask_ref, idx_ref):
    s = s_ref[...]
    u = lax.bitcast_convert_type(s, jnp.uint32)
    big = jnp.uint32(0x80000000)
    key = jnp.where(u < big, u | big, ~u)
    kf = jnp.float32(KCAP)
    t = jnp.zeros((BB, 1), jnp.uint32)
    for bit in range(31, -1, -1):
        cand = t | jnp.uint32(1 << bit)
        cnt = jnp.sum((key >= cand).astype(jnp.float32), axis=1, keepdims=True)
        t = jnp.where(cnt >= kf, cand, t)
    mask_gt = key > t
    mask_eq = key == t
    ngt = jnp.sum(mask_gt.astype(jnp.float32), axis=1, keepdims=True)
    r = kf - ngt
    cum_eq = _row_cumsum(mask_eq.astype(jnp.float32))
    mask = mask_gt | (mask_eq & (cum_eq <= r))
    mask_ref[...] = mask.astype(jnp.int32)
    pos = _row_cumsum(mask.astype(jnp.float32))
    iota_r = lax.broadcasted_iota(jnp.int32, (1, SS), 1).astype(jnp.float32)
    jrow = lax.broadcasted_iota(jnp.int32, (KCAP, 1), 0).astype(jnp.float32) + 1.0
    for b in range(BB):
        pos_b = pos[b : b + 1, :]
        m_b = mask[b : b + 1, :]
        sel = jnp.where((pos_b == jrow) & m_b, iota_r, 0.0)
        idx_f = jnp.sum(sel, axis=1, keepdims=True)
        idx_ref[b * KCAP : (b + 1) * KCAP, :] = idx_f.astype(jnp.int32) + b * SS


def _route(scores):
    return pl.pallas_call(
        _route_body,
        out_shape=(
            jax.ShapeDtypeStruct((BB, SS), jnp.int32),
            jax.ShapeDtypeStruct((BB * KCAP, 1), jnp.int32),
        ),
    )(scores)


_MBLK, _NBLK = 512, 1024


def _layer_body(a_ref, w_ref, b_ref, o_ref):
    o_ref[...] = (
        jnp.dot(a_ref[...], w_ref[...], precision=lax.Precision.DEFAULT,
                preferred_element_type=jnp.float32)
        + b_ref[...]
    )


def _layer(a, wl, bl):
    m = BB * KCAP
    return pl.pallas_call(
        _layer_body,
        grid=(m // _MBLK, DD // _NBLK),
        in_specs=[
            pl.BlockSpec((_MBLK, DD), lambda i, j: (i, 0)),
            pl.BlockSpec((DD, _NBLK), lambda i, j: (0, j)),
            pl.BlockSpec((_NBLK,), lambda i, j: (j,)),
        ],
        out_specs=pl.BlockSpec((_MBLK, _NBLK), lambda i, j: (i, j)),
        out_shape=jax.ShapeDtypeStruct((m, DD), jnp.float32),
    )(a, wl, bl)


_NC, _NSUB = 2, 16
_NW = _NC * _NSUB
_RPW = (BB * KCAP) // _NW
_CHUNK = 32

@functools.lru_cache(maxsize=None)
def _sc_kernels():
    mesh = plsc.VectorSubcoreMesh(
        core_axis_name="c", subcore_axis_name="s",
        num_cores=_NC, num_subcores=_NSUB,
    )
    scratch = [
        pltpu.VMEM((_CHUNK,), jnp.int32),
        pltpu.VMEM((_CHUNK, DD), jnp.float32),
        pltpu.SemaphoreType.DMA,
    ]

    @functools.partial(
        pl.kernel,
        out_type=jax.ShapeDtypeStruct((BB * KCAP, DD), jnp.float32),
        mesh=mesh,
        scratch_types=scratch,
    )
    def sc_gather(x_hbm, idx_hbm, out_hbm, idx_v, rows_v, sem):
        wid = lax.axis_index("s") * _NC + lax.axis_index("c")
        base = wid * _RPW
        for c in range(_RPW // _CHUNK):
            b0 = base + c * _CHUNK
            pltpu.sync_copy(idx_hbm.at[pl.ds(b0, _CHUNK)], idx_v)
            pltpu.async_copy(x_hbm.at[idx_v], rows_v, sem).wait()
            pltpu.sync_copy(rows_v, out_hbm.at[pl.ds(b0, _CHUNK)])

    _CROWS = 32
    _RPWC = (BB * SS) // _NW
    _NCH = _RPWC // 2 // _CROWS

    def _copy_half(half):
        @functools.partial(
            pl.kernel, out_type=(), mesh=mesh,
            name=f"sc_copy_{half}",
            scratch_types=[
                pltpu.VMEM((_CROWS, DD), jnp.float32),
                pltpu.VMEM((_CROWS, DD), jnp.float32),
                pltpu.SemaphoreType.DMA,
                pltpu.SemaphoreType.DMA,
                pltpu.SemaphoreType.DMA,
                pltpu.SemaphoreType.DMA,
            ],
        )
        def sc_copy(x_hbm, out_ref, buf0, buf1, si0, si1, so0, so1):
            wid = lax.axis_index("s") * _NC + lax.axis_index("c")
            base = wid * _RPWC + half * (_NCH * _CROWS)
            bufs = (buf0, buf1)
            isems = (si0, si1)
            osems = (so0, so1)
            h_in = [None, None]
            h_out = [None, None]
            h_in[0] = pltpu.async_copy(
                x_hbm.at[pl.ds(base, _CROWS)], bufs[0], isems[0])
            for c in range(_NCH):
                cb = c % 2
                nb = (c + 1) % 2
                if c + 1 < _NCH:
                    if h_out[nb] is not None:
                        h_out[nb].wait()
                        h_out[nb] = None
                    h_in[nb] = pltpu.async_copy(
                        x_hbm.at[pl.ds(base + (c + 1) * _CROWS, _CROWS)],
                        bufs[nb], isems[nb])
                h_in[cb].wait()
                h_out[cb] = pltpu.async_copy(
                    bufs[cb], out_ref.at[pl.ds(base + c * _CROWS, _CROWS)],
                    osems[cb])
            for h in h_out:
                if h is not None:
                    h.wait()

        return sc_copy

    sc_copy_a = _copy_half(0)
    sc_copy_b = _copy_half(1)

    @functools.partial(
        pl.kernel,
        out_type=(),
        mesh=mesh,
        scratch_types=scratch,
    )
    def sc_scatter(proc_hbm, idx_hbm, out_ref, idx_v, rows_v, sem):
        wid = lax.axis_index("s") * _NC + lax.axis_index("c")
        base = wid * _RPW
        for c in range(_RPW // _CHUNK):
            b0 = base + c * _CHUNK
            pltpu.sync_copy(idx_hbm.at[pl.ds(b0, _CHUNK)], idx_v)
            pltpu.sync_copy(proc_hbm.at[pl.ds(b0, _CHUNK)], rows_v)
            pltpu.async_copy(rows_v, out_ref.at[idx_v], sem).wait()

    return sc_gather, sc_copy_a, sc_copy_b, sc_scatter


def _sc_gather(x, idx):
    return _sc_kernels()[0](x, idx)


def _sc_copy_a(x, out_ref):
    return _sc_kernels()[1](x, out_ref)


def _sc_copy_b(x, out_ref):
    return _sc_kernels()[2](x, out_ref)


def _sc_scatter(proc, idx, out_ref):
    return _sc_kernels()[3](proc, idx, out_ref)


def kernel(x, w1, b1, w2, b2, wl, bl):
    xf = x.reshape(BB * SS, DD)
    out_ref = jax.new_ref(lax.empty((BB * SS, DD), jnp.float32))
    _sc_copy_a(xf, out_ref)
    scores = _scores(xf, w1, b1, w2, b2).reshape(BB, SS)
    mask_i, idx_col = _route(scores)
    idx_flat = idx_col.reshape(BB * KCAP)
    gathered = _sc_gather(xf, idx_flat)
    _sc_copy_b(xf, out_ref)
    proc = _layer(gathered, wl, bl)
    _sc_scatter(proc, idx_flat, out_ref)
    out = jax.freeze(out_ref).reshape(BB, SS, DD)
    return out, mask_i.astype(jnp.bool_)

# --- scband reference (transcript-rebuilt; emitter-appended) ---
"""Pipeline reference for scband-mixture-of-depths-27685359190825 (READ-ONLY COPY).

The authoritative reference and input builder live on the scoring server;
editing this copy changes nothing except your own understanding.
"""

import jax, jax.numpy as jnp
import numpy as np

B, S, D = 4, 4096, 2048
CAPACITY = 0.125


def setup_inputs(seed: int = 0) -> dict:
    key = jax.random.key(seed)
    k1, k2, k3, k4 = jax.random.split(key, 4)
    x = jax.random.normal(k1, (B, S, D), dtype=jnp.float32)
    # router: Linear(D, D//4) -> ReLU -> Linear(D//4, 1)
    w1 = jax.random.normal(k2, (D, D // 4), dtype=jnp.float32) * 0.02
    b1 = jnp.zeros((D // 4,), dtype=jnp.float32)
    w2 = jax.random.normal(k3, (D // 4, 1), dtype=jnp.float32) * 0.02
    b2 = jnp.zeros((1,), dtype=jnp.float32)
    # layer_fn realized as a dense layer D -> D (the layer the selected tokens route through)
    wl = jax.random.normal(k4, (D, D), dtype=jnp.float32) * 0.02
    bl = jnp.zeros((D,), dtype=jnp.float32)
    return {"x": x, "w1": w1, "b1": b1, "w2": w2, "b2": b2, "wl": wl, "bl": bl}


def reference(x, w1, b1, w2, b2, wl, bl):
    batch, seq_len, dim = x.shape
    # router scores
    h = jax.nn.relu(x @ w1 + b1)
    scores = (h @ w2 + b2)[..., 0]  # [B, S]
    k = max(1, int(CAPACITY * seq_len))
    topk_scores, topk_indices = jax.lax.top_k(scores, k)  # [B, k]
    batch_indices = jnp.arange(batch, dtype=jnp.int32)[:, None]  # [B, 1] broadcast to [B, k]
    # gather selected tokens
    selected_tokens = jnp.take_along_axis(x, topk_indices[..., None], axis=1)  # [B, k, D]
    # layer_fn on selected tokens
    processed_tokens = selected_tokens @ wl + bl
    # scatter-overwrite processed tokens back
    output = x.at[batch_indices, topk_indices].set(processed_tokens)
    mask = jnp.zeros((batch, seq_len), dtype=bool).at[batch_indices, topk_indices].set(True)
    return output, mask

if __name__ == "__main__":
    import jax
    _d = setup_inputs()
    print(jax.jit(kernel)(*tuple(_d.values())))

</pallas_src>

<mosaic_0001>
#map = affine_map<(d0, d1) -> (0, 0)>
module attributes {stable_mosaic.version = 14 : i64} {
  func.func @new_body(%arg0: i32, %arg1: i32, %arg2: memref<16384x2048xf32, #tpu.memory_space<hbm>>, %arg3: memref<16384x2048xf32, #tpu.memory_space<hbm>>, %arg4: memref<16384x2048xf32, #tpu.memory_space<hbm>>, %arg5: memref<32x2048xf32, #tpu.memory_space<vmem>>, %arg6: memref<32x2048xf32, #tpu.memory_space<vmem>>, %arg7: memref<!tpu.dma_semaphore, #tpu.memory_space<semaphore_mem>>, %arg8: memref<!tpu.dma_semaphore, #tpu.memory_space<semaphore_mem>>, %arg9: memref<!tpu.dma_semaphore, #tpu.memory_space<semaphore_mem>>, %arg10: memref<!tpu.dma_semaphore, #tpu.memory_space<semaphore_mem>>) attributes {dimension_semantics = [#tpu.dimension_semantics<core_parallel>, #tpu.dimension_semantics<subcore_parallel>], iteration_bounds = array<i64: 2, 16>, scalar_prefetch = 0 : i64, scratch_operands = 6 : i64, tpu.core_type = #tpu.core_type<sc_vector_subcore>, window_params = [{transform_indices = #map}, {transform_indices = #map}, {transform_indices = #map}]} {
    %mul3A = arith.constant 2 : i32
    %mul3A_0 = arith.muli %arg1, %mul3A : i32
    %add3A = arith.addi %mul3A_0, %arg0 : i32
    %mul3A_1 = arith.constant 512 : i32
    %mul3A_2 = arith.muli %add3A, %mul3A_1 : i32
    %add3A_3 = arith.constant 256 : i32
    %add3A_4 = arith.addi %mul3A_2, %add3A_3 : i32
    %dma_start3A = arith.constant 0 : i32
    %dma_start3A_5 = tpu.memref_slice %arg2[%add3A_4, %dma_start3A] : memref<16384x2048xf32, #tpu.memory_space<hbm>> -> memref<32x2048xf32, #tpu.memory_space<hbm>>
    %dma_start3A_6 = arith.constant 0 : i32
    %dma_start3A_7 = tpu.memref_slice %arg2[%add3A_4, %dma_start3A_6] : memref<16384x2048xf32, #tpu.memory_space<hbm>> -> memref<32x2048xf32, #tpu.memory_space<hbm>>
    tpu.enqueue_dma source(%dma_start3A_7 : memref<32x2048xf32, #tpu.memory_space<hbm>>) target(%arg5 : memref<32x2048xf32, #tpu.memory_space<vmem>>) target_semaphore(%arg7 : memref<!tpu.dma_semaphore, #tpu.memory_space<semaphore_mem>>)
    %add3A_8 = arith.constant 32 : i32
    %add3A_9 = arith.addi %add3A_4, %add3A_8 : i32
    %dma_start3A_10 = arith.constant 0 : i32
    %dma_start3A_11 = tpu.memref_slice %arg2[%add3A_9, %dma_start3A_10] : memref<16384x2048xf32, #tpu.memory_space<hbm>> -> memref<32x2048xf32, #tpu.memory_space<hbm>>
    %dma_start3A_12 = arith.constant 0 : i32
    %dma_start3A_13 = tpu.memref_slice %arg2[%add3A_9, %dma_start3A_12] : memref<16384x2048xf32, #tpu.memory_space<hbm>> -> memref<32x2048xf32, #tpu.memory_space<hbm>>
    tpu.enqueue_dma source(%dma_start3A_13 : memref<32x2048xf32, #tpu.memory_space<hbm>>) target(%arg6 : memref<32x2048xf32, #tpu.memory_space<vmem>>) target_semaphore(%arg8 : memref<!tpu.dma_semaphore, #tpu.memory_space<semaphore_mem>>)
    %dma_wait3A = arith.constant 0 : i32
    %dma_wait3A_14 = tpu.memref_slice %arg2[%add3A_4, %dma_wait3A] : memref<16384x2048xf32, #tpu.memory_space<hbm>> -> memref<32x2048xf32, #tpu.memory_space<hbm>>
    %dma_wait3A_15 = arith.constant 0 : i32
    %dma_wait3A_16 = tpu.memref_slice %arg2[%add3A_4, %dma_wait3A_15] : memref<16384x2048xf32, #tpu.memory_space<hbm>> -> memref<32x2048xf32, #tpu.memory_space<hbm>>
    tpu.wait_dma2 semaphore(%arg7 : memref<!tpu.dma_semaphore, #tpu.memory_space<semaphore_mem>>) src(%dma_wait3A_16 : memref<32x2048xf32, #tpu.memory_space<hbm>>) dst(%arg5 : memref<32x2048xf32, #tpu.memory_space<vmem>>)
    %add3A_17 = arith.constant 0 : i32
    %add3A_18 = arith.addi %add3A_4, %add3A_17 : i32
    %dma_start3A_19 = arith.constant 0 : i32
    %dma_start3A_20 = tpu.memref_slice %arg3[%add3A_18, %dma_start3A_19] : memref<16384x2048xf32, #tpu.memory_space<hbm>> -> memref<32x2048xf32, #tpu.memory_space<hbm>>
    %dma_start3A_21 = arith.constant 0 : i32
    %dma_start3A_22 = tpu.memref_slice %arg3[%add3A_18, %dma_start3A_21] : memref<16384x2048xf32, #tpu.memory_space<hbm>> -> memref<32x2048xf32, #tpu.memory_space<hbm>>
    tpu.enqueue_dma source(%arg5 : memref<32x2048xf32, #tpu.memory_space<vmem>>) target(%dma_start3A_22 : memref<32x2048xf32, #tpu.memory_space<hbm>>) target_semaphore(%arg9 : memref<!tpu.dma_semaphore, #tpu.memory_space<semaphore_mem>>)
    %dma_wait3A_23 = arith.constant 0 : i32
    %dma_wait3A_24 = tpu.memref_slice %arg3[%add3A_18, %dma_wait3A_23] : memref<16384x2048xf32, #tpu.memory_space<hbm>> -> memref<32x2048xf32, #tpu.memory_space<hbm>>
    %dma_wait3A_25 = arith.constant 0 : i32
    %dma_wait3A_26 = tpu.memref_slice %arg3[%add3A_18, %dma_wait3A_25] : memref<16384x2048xf32, #tpu.memory_space<hbm>> -> memref<32x2048xf32, #tpu.memory_space<hbm>>
    tpu.wait_dma2 semaphore(%arg9 : memref<!tpu.dma_semaphore, #tpu.memory_space<semaphore_mem>>) src(%arg5 : memref<32x2048xf32, #tpu.memory_space<vmem>>) dst(%dma_wait3A_26 : memref<32x2048xf32, #tpu.memory_space<hbm>>)
    %add3A_27 = arith.constant 64 : i32
    %add3A_28 = arith.addi %add3A_4, %add3A_27 : i32
    %dma_start3A_29 = arith.constant 0 : i32
    %dma_start3A_30 = tpu.memref_slice %arg2[%add3A_28, %dma_start3A_29] : memref<16384x2048xf32, #tpu.memory_space<hbm>> -> memref<32x2048xf32, #tpu.memory_space<hbm>>
    %dma_start3A_31 = arith.constant 0 : i32
    %dma_start3A_32 = tpu.memref_slice %arg2[%add3A_28, %dma_start3A_31] : memref<16384x2048xf32, #tpu.memory_space<hbm>> -> memref<32x2048xf32, #tpu.memory_space<hbm>>
    tpu.enqueue_dma source(%dma_start3A_32 : memref<32x2048xf32, #tpu.memory_space<hbm>>) target(%arg5 : memref<32x2048xf32, #tpu.memory_space<vmem>>) target_semaphore(%arg7 : memref<!tpu.dma_semaphore, #tpu.memory_space<semaphore_mem>>)
    %dma_wait3A_33 = arith.constant 0 : i32
    %dma_wait3A_34 = tpu.memref_slice %arg2[%add3A_9, %dma_wait3A_33] : memref<16384x2048xf32, #tpu.memory_space<hbm>> -> memref<32x2048xf32, #tpu.memory_space<hbm>>
    %dma_wait3A_35 = arith.constant 0 : i32
    %dma_wait3A_36 = tpu.memref_slice %arg2[%add3A_9, %dma_wait3A_35] : memref<16384x2048xf32, #tpu.memory_space<hbm>> -> memref<32x2048xf32, #tpu.memory_space<hbm>>
    tpu.wait_dma2 semaphore(%arg8 : memref<!tpu.dma_semaphore, #tpu.memory_space<semaphore_mem>>) src(%dma_wait3A_36 : memref<32x2048xf32, #tpu.memory_space<hbm>>) dst(%arg6 : memref<32x2048xf32, #tpu.memory_space<vmem>>)
    %add3A_37 = arith.constant 32 : i32
    %add3A_38 = arith.addi %add3A_4, %add3A_37 : i32
    %dma_start3A_39 = arith.constant 0 : i32
    %dma_start3A_40 = tpu.memref_slice %arg3[%add3A_38, %dma_start3A_39] : memref<16384x2048xf32, #tpu.memory_space<hbm>> -> memref<32x2048xf32, #tpu.memory_space<hbm>>
    %dma_start3A_41 = arith.constant 0 : i32
    %dma_start3A_42 = tpu.memref_slice %arg3[%add3A_38, %dma_start3A_41] : memref<16384x2048xf32, #tpu.memory_space<hbm>> -> memref<32x2048xf32, #tpu.memory_space<hbm>>
    tpu.enqueue_dma source(%arg6 : memref<32x2048xf32, #tpu.memory_space<vmem>>) target(%dma_start3A_42 : memref<32x2048xf32, #tpu.memory_space<hbm>>) target_semaphore(%arg10 : memref<!tpu.dma_semaphore, #tpu.memory_space<semaphore_mem>>)
    %dma_wait3A_43 = arith.constant 0 : i32
    %dma_wait3A_44 = tpu.memref_slice %arg3[%add3A_38, %dma_wait3A_43] : memref<16384x2048xf32, #tpu.memory_space<hbm>> -> memref<32x2048xf32, #tpu.memory_space<hbm>>
    %dma_wait3A_45 = arith.constant 0 : i32
    %dma_wait3A_46 = tpu.memref_slice %arg3[%add3A_38, %dma_wait3A_45] : memref<16384x2048xf32, #tpu.memory_space<hbm>> -> memref<32x2048xf32, #tpu.memory_space<hbm>>
    tpu.wait_dma2 semaphore(%arg10 : memref<!tpu.dma_semaphore, #tpu.memory_space<semaphore_mem>>) src(%arg6 : memref<32x2048xf32, #tpu.memory_space<vmem>>) dst(%dma_wait3A_46 : memref<32x2048xf32, #tpu.memory_space<hbm>>)
    %add3A_47 = arith.constant 96 : i32
    %add3A_48 = arith.addi %add3A_4, %add3A_47 : i32
    %dma_start3A_49 = arith.constant 0 : i32
    %dma_start3A_50 = tpu.memref_slice %arg2[%add3A_48, %dma_start3A_49] : memref<16384x2048xf32, #tpu.memory_space<hbm>> -> memref<32x2048xf32, #tpu.memory_space<hbm>>
    %dma_start3A_51 = arith.constant 0 : i32
    %dma_start3A_52 = tpu.memref_slice %arg2[%add3A_48, %dma_start3A_51] : memref<16384x2048xf32, #tpu.memory_space<hbm>> -> memref<32x2048xf32, #tpu.memory_space<hbm>>
    tpu.enqueue_dma source(%dma_start3A_52 : memref<32x2048xf32, #tpu.memory_space<hbm>>) target(%arg6 : memref<32x2048xf32, #tpu.memory_space<vmem>>) target_semaphore(%arg8 : memref<!tpu.dma_semaphore, #tpu.memory_space<semaphore_mem>>)
    %dma_wait3A_53 = arith.constant 0 : i32
    %dma_wait3A_54 = tpu.memref_slice %arg2[%add3A_28, %dma_wait3A_53] : memref<16384x2048xf32, #tpu.memory_space<hbm>> -> memref<32x2048xf32, #tpu.memory_space<hbm>>
    %dma_wait3A_55 = arith.constant 0 : i32
    %dma_wait3A_56 = tpu.memref_slice %arg2[%add3A_28, %dma_wait3A_55] : memref<16384x2048xf32, #tpu.memory_space<hbm>> -> memref<32x2048xf32, #tpu.memory_space<hbm>>
    tpu.wait_dma2 semaphore(%arg7 : memref<!tpu.dma_semaphore, #tpu.memory_space<semaphore_mem>>) src(%dma_wait3A_56 : memref<32x2048xf32, #tpu.memory_space<hbm>>) dst(%arg5 : memref<32x2048xf32, #tpu.memory_space<vmem>>)
    %add3A_57 = arith.constant 64 : i32
    %add3A_58 = arith.addi %add3A_4, %add3A_57 : i32
    %dma_start3A_59 = arith.constant 0 : i32
    %dma_start3A_60 = tpu.memref_slice %arg3[%add3A_58, %dma_start3A_59] : memref<16384x2048xf32, #tpu.memory_space<hbm>> -> memref<32x2048xf32, #tpu.memory_space<hbm>>
    %dma_start3A_61 = arith.constant 0 : i32
    %dma_start3A_62 = tpu.memref_slice %arg3[%add3A_58, %dma_start3A_61] : memref<16384x2048xf32, #tpu.memory_space<hbm>> -> memref<32x2048xf32, #tpu.memory_space<hbm>>
    tpu.enqueue_dma source(%arg5 : memref<32x2048xf32, #tpu.memory_space<vmem>>) target(%dma_start3A_62 : memref<32x2048xf32, #tpu.memory_space<hbm>>) target_semaphore(%arg9 : memref<!tpu.dma_semaphore, #tpu.memory_space<semaphore_mem>>)
    %dma_wait3A_63 = arith.constant 0 : i32
    %dma_wait3A_64 = tpu.memref_slice %arg3[%add3A_58, %dma_wait3A_63] : memref<16384x2048xf32, #tpu.memory_space<hbm>> -> memref<32x2048xf32, #tpu.memory_space<hbm>>
    %dma_wait3A_65 = arith.constant 0 : i32
    %dma_wait3A_66 = tpu.memref_slice %arg3[%add3A_58, %dma_wait3A_65] : memref<16384x2048xf32, #tpu.memory_space<hbm>> -> memref<32x2048xf32, #tpu.memory_space<hbm>>
    tpu.wait_dma2 semaphore(%arg9 : memref<!tpu.dma_semaphore, #tpu.memory_space<semaphore_mem>>) src(%arg5 : memref<32x2048xf32, #tpu.memory_space<vmem>>) dst(%dma_wait3A_66 : memref<32x2048xf32, #tpu.memory_space<hbm>>)
    %add3A_67 = arith.constant 128 : i32
    %add3A_68 = arith.addi %add3A_4, %add3A_67 : i32
    %dma_start3A_69 = arith.constant 0 : i32
    %dma_start3A_70 = tpu.memref_slice %arg2[%add3A_68, %dma_start3A_69] : memref<16384x2048xf32, #tpu.memory_space<hbm>> -> memref<32x2048xf32, #tpu.memory_space<hbm>>
    %dma_start3A_71 = arith.constant 0 : i32
    %dma_start3A_72 = tpu.memref_slice %arg2[%add3A_68, %dma_start3A_71] : memref<16384x2048xf32, #tpu.memory_space<hbm>> -> memref<32x2048xf32, #tpu.memory_space<hbm>>
    tpu.enqueue_dma source(%dma_start3A_72 : memref<32x2048xf32, #tpu.memory_space<hbm>>) target(%arg5 : memref<32x2048xf32, #tpu.memory_space<vmem>>) target_semaphore(%arg7 : memref<!tpu.dma_semaphore, #tpu.memory_space<semaphore_mem>>)
    %dma_wait3A_73 = arith.constant 0 : i32
    %dma_wait3A_74 = tpu.memref_slice %arg2[%add3A_48, %dma_wait3A_73] : memref<16384x2048xf32, #tpu.memory_space<hbm>> -> memref<32x2048xf32, #tpu.memory_space<hbm>>
    %dma_wait3A_75 = arith.constant 0 : i32
    %dma_wait3A_76 = tpu.memref_slice %arg2[%add3A_48, %dma_wait3A_75] : memref<16384x2048xf32, #tpu.memory_space<hbm>> -> memref<32x2048xf32, #tpu.memory_space<hbm>>
    tpu.wait_dma2 semaphore(%arg8 : memref<!tpu.dma_semaphore, #tpu.memory_space<semaphore_mem>>) src(%dma_wait3A_76 : memref<32x2048xf32, #tpu.memory_space<hbm>>) dst(%arg6 : memref<32x2048xf32, #tpu.memory_space<vmem>>)
    %add3A_77 = arith.constant 96 : i32
    %add3A_78 = arith.addi %add3A_4, %add3A_77 : i32
    %dma_start3A_79 = arith.constant 0 : i32
    %dma_start3A_80 = tpu.memref_slice %arg3[%add3A_78, %dma_start3A_79] : memref<16384x2048xf32, #tpu.memory_space<hbm>> -> memref<32x2048xf32, #tpu.memory_space<hbm>>
    %dma_start3A_81 = arith.constant 0 : i32
    %dma_start3A_82 = tpu.memref_slice %arg3[%add3A_78, %dma_start3A_81] : memref<16384x2048xf32, #tpu.memory_space<hbm>> -> memref<32x2048xf32, #tpu.memory_space<hbm>>
    tpu.enqueue_dma source(%arg6 : memref<32x2048xf32, #tpu.memory_space<vmem>>) target(%dma_start3A_82 : memref<32x2048xf32, #tpu.memory_space<hbm>>) target_semaphore(%arg10 : memref<!tpu.dma_semaphore, #tpu.memory_space<semaphore_mem>>)
    %dma_wait3A_83 = arith.constant 0 : i32
    %dma_wait3A_84 = tpu.memref_slice %arg3[%add3A_78, %dma_wait3A_83] : memref<16384x2048xf32, #tpu.memory_space<hbm>> -> memref<32x2048xf32, #tpu.memory_space<hbm>>
    %dma_wait3A_85 = arith.constant 0 : i32
    %dma_wait3A_86 = tpu.memref_slice %arg3[%add3A_78, %dma_wait3A_85] : memref<16384x2048xf32, #tpu.memory_space<hbm>> -> memref<32x2048xf32, #tpu.memory_space<hbm>>
    tpu.wait_dma2 semaphore(%arg10 : memref<!tpu.dma_semaphore, #tpu.memory_space<semaphore_mem>>) src(%arg6 : memref<32x2048xf32, #tpu.memory_space<vmem>>) dst(%dma_wait3A_86 : memref<32x2048xf32, #tpu.memory_space<hbm>>)
    %add3A_87 = arith.constant 160 : i32
    %add3A_88 = arith.addi %add3A_4, %add3A_87 : i32
    %dma_start3A_89 = arith.constant 0 : i32
    %dma_start3A_90 = tpu.memref_slice %arg2[%add3A_88, %dma_start3A_89] : memref<16384x2048xf32, #tpu.memory_space<hbm>> -> memref<32x2048xf32, #tpu.memory_space<hbm>>
    %dma_start3A_91 = arith.constant 0 : i32
    %dma_start3A_92 = tpu.memref_slice %arg2[%add3A_88, %dma_start3A_91] : memref<16384x2048xf32, #tpu.memory_space<hbm>> -> memref<32x2048xf32, #tpu.memory_space<hbm>>
    tpu.enqueue_dma source(%dma_start3A_92 : memref<32x2048xf32, #tpu.memory_space<hbm>>) target(%arg6 : memref<32x2048xf32, #tpu.memory_space<vmem>>) target_semaphore(%arg8 : memref<!tpu.dma_semaphore, #tpu.memory_space<semaphore_mem>>)
    %dma_wait3A_93 = arith.constant 0 : i32
    %dma_wait3A_94 = tpu.memref_slice %arg2[%add3A_68, %dma_wait3A_93] : memref<16384x2048xf32, #tpu.memory_space<hbm>> -> memref<32x2048xf32, #tpu.memory_space<hbm>>
    %dma_wait3A_95 = arith.constant 0 : i32
    %dma_wait3A_96 = tpu.memref_slice %arg2[%add3A_68, %dma_wait3A_95] : memref<16384x2048xf32, #tpu.memory_space<hbm>> -> memref<32x2048xf32, #tpu.memory_space<hbm>>
    tpu.wait_dma2 semaphore(%arg7 : memref<!tpu.dma_semaphore, #tpu.memory_space<semaphore_mem>>) src(%dma_wait3A_96 : memref<32x2048xf32, #tpu.memory_space<hbm>>) dst(%arg5 : memref<32x2048xf32, #tpu.memory_space<vmem>>)
    %add3A_97 = arith.constant 128 : i32
    %add3A_98 = arith.addi %add3A_4, %add3A_97 : i32
    %dma_start3A_99 = arith.constant 0 : i32
    %dma_start3A_100 = tpu.memref_slice %arg3[%add3A_98, %dma_start3A_99] : memref<16384x2048xf32, #tpu.memory_space<hbm>> -> memref<32x2048xf32, #tpu.memory_space<hbm>>
    %dma_start3A_101 = arith.constant 0 : i32
    %dma_start3A_102 = tpu.memref_slice %arg3[%add3A_98, %dma_start3A_101] : memref<16384x2048xf32, #tpu.memory_space<hbm>> -> memref<32x2048xf32, #tpu.memory_space<hbm>>
    tpu.enqueue_dma source(%arg5 : memref<32x2048xf32, #tpu.memory_space<vmem>>) target(%dma_start3A_102 : memref<32x2048xf32, #tpu.memory_space<hbm>>) target_semaphore(%arg9 : memref<!tpu.dma_semaphore, #tpu.memory_space<semaphore_mem>>)
    %dma_wait3A_103 = arith.constant 0 : i32
    %dma_wait3A_104 = tpu.memref_slice %arg3[%add3A_98, %dma_wait3A_103] : memref<16384x2048xf32, #tpu.memory_space<hbm>> -> memref<32x2048xf32, #tpu.memory_space<hbm>>
    %dma_wait3A_105 = arith.constant 0 : i32
    %dma_wait3A_106 = tpu.memref_slice %arg3[%add3A_98, %dma_wait3A_105] : memref<16384x2048xf32, #tpu.memory_space<hbm>> -> memref<32x2048xf32, #tpu.memory_space<hbm>>
    tpu.wait_dma2 semaphore(%arg9 : memref<!tpu.dma_semaphore, #tpu.memory_space<semaphore_mem>>) src(%arg5 : memref<32x2048xf32, #tpu.memory_space<vmem>>) dst(%dma_wait3A_106 : memref<32x2048xf32, #tpu.memory_space<hbm>>)
    %add3A_107 = arith.constant 192 : i32
    %add3A_108 = arith.addi %add3A_4, %add3A_107 : i32
    %dma_start3A_109 = arith.constant 0 : i32
    %dma_start3A_110 = tpu.memref_slice %arg2[%add3A_108, %dma_start3A_109] : memref<16384x2048xf32, #tpu.memory_space<hbm>> -> memref<32x2048xf32, #tpu.memory_space<hbm>>
    %dma_start3A_111 = arith.constant 0 : i32
    %dma_start3A_112 = tpu.memref_slice %arg2[%add3A_108, %dma_start3A_111] : memref<16384x2048xf32, #tpu.memory_space<hbm>> -> memref<32x2048xf32, #tpu.memory_space<hbm>>
    tpu.enqueue_dma source(%dma_start3A_112 : memref<32x2048xf32, #tpu.memory_space<hbm>>) target(%arg5 : memref<32x2048xf32, #tpu.memory_space<vmem>>) target_semaphore(%arg7 : memref<!tpu.dma_semaphore, #tpu.memory_space<semaphore_mem>>)
    %dma_wait3A_113 = arith.constant 0 : i32
    %dma_wait3A_114 = tpu.memref_slice %arg2[%add3A_88, %dma_wait3A_113] : memref<16384x2048xf32, #tpu.memory_space<hbm>> -> memref<32x2048xf32, #tpu.memory_space<hbm>>
    %dma_wait3A_115 = arith.constant 0 : i32
    %dma_wait3A_116 = tpu.memref_slice %arg2[%add3A_88, %dma_wait3A_115] : memref<16384x2048xf32, #tpu.memory_space<hbm>> -> memref<32x2048xf32, #tpu.memory_space<hbm>>
    tpu.wait_dma2 semaphore(%arg8 : memref<!tpu.dma_semaphore, #tpu.memory_space<semaphore_mem>>) src(%dma_wait3A_116 : memref<32x2048xf32, #tpu.memory_space<hbm>>) dst(%arg6 : memref<32x2048xf32, #tpu.memory_space<vmem>>)
    %add3A_117 = arith.constant 160 : i32
    %add3A_118 = arith.addi %add3A_4, %add3A_117 : i32
    %dma_start3A_119 = arith.constant 0 : i32
    %dma_start3A_120 = tpu.memref_slice %arg3[%add3A_118, %dma_start3A_119] : memref<16384x2048xf32, #tpu.memory_space<hbm>> -> memref<32x2048xf32, #tpu.memory_space<hbm>>
    %dma_start3A_121 = arith.constant 0 : i32
    %dma_start3A_122 = tpu.memref_slice %arg3[%add3A_118, %dma_start3A_121] : memref<16384x2048xf32, #tpu.memory_space<hbm>> -> memref<32x2048xf32, #tpu.memory_space<hbm>>
    tpu.enqueue_dma source(%arg6 : memref<32x2048xf32, #tpu.memory_space<vmem>>) target(%dma_start3A_122 : memref<32x2048xf32, #tpu.memory_space<hbm>>) target_semaphore(%arg10 : memref<!tpu.dma_semaphore, #tpu.memory_space<semaphore_mem>>)
    %dma_wait3A_123 = arith.constant 0 : i32
    %dma_wait3A_124 = tpu.memref_slice %arg3[%add3A_118, %dma_wait3A_123] : memref<16384x2048xf32, #tpu.memory_space<hbm>> -> memref<32x2048xf32, #tpu.memory_space<hbm>>
    %dma_wait3A_125 = arith.constant 0 : i32
    %dma_wait3A_126 = tpu.memref_slice %arg3[%add3A_118, %dma_wait3A_125] : memref<16384x2048xf32, #tpu.memory_space<hbm>> -> memref<32x2048xf32, #tpu.memory_space<hbm>>
    tpu.wait_dma2 semaphore(%arg10 : memref<!tpu.dma_semaphore, #tpu.memory_space<semaphore_mem>>) src(%arg6 : memref<32x2048xf32, #tpu.memory_space<vmem>>) dst(%dma_wait3A_126 : memref<32x2048xf32, #tpu.memory_space<hbm>>)
    %add3A_127 = arith.constant 224 : i32
    %add3A_128 = arith.addi %add3A_4, %add3A_127 : i32
    %dma_start3A_129 = arith.constant 0 : i32
    %dma_start3A_130 = tpu.memref_slice %arg2[%add3A_128, %dma_start3A_129] : memref<16384x2048xf32, #tpu.memory_space<hbm>> -> memref<32x2048xf32, #tpu.memory_space<hbm>>
    %dma_start3A_131 = arith.constant 0 : i32
    %dma_start3A_132 = tpu.memref_slice %arg2[%add3A_128, %dma_start3A_131] : memref<16384x2048xf32, #tpu.memory_space<hbm>> -> memref<32x2048xf32, #tpu.memory_space<hbm>>
    tpu.enqueue_dma source(%dma_start3A_132 : memref<32x2048xf32, #tpu.memory_space<hbm>>) target(%arg6 : memref<32x2048xf32, #tpu.memory_space<vmem>>) target_semaphore(%arg8 : memref<!tpu.dma_semaphore, #tpu.memory_space<semaphore_mem>>)
    %dma_wait3A_133 = arith.constant 0 : i32
    %dma_wait3A_134 = tpu.memref_slice %arg2[%add3A_108, %dma_wait3A_133] : memref<16384x2048xf32, #tpu.memory_space<hbm>> -> memref<32x2048xf32, #tpu.memory_space<hbm>>
    %dma_wait3A_135 = arith.constant 0 : i32
    %dma_wait3A_136 = tpu.memref_slice %arg2[%add3A_108, %dma_wait3A_135] : memref<16384x2048xf32, #tpu.memory_space<hbm>> -> memref<32x2048xf32, #tpu.memory_space<hbm>>
    tpu.wait_dma2 semaphore(%arg7 : memref<!tpu.dma_semaphore, #tpu.memory_space<semaphore_mem>>) src(%dma_wait3A_136 : memref<32x2048xf32, #tpu.memory_space<hbm>>) dst(%arg5 : memref<32x2048xf32, #tpu.memory_space<vmem>>)
    %add3A_137 = arith.constant 192 : i32
    %add3A_138 = arith.addi %add3A_4, %add3A_137 : i32
    %dma_start3A_139 = arith.constant 0 : i32
    %dma_start3A_140 = tpu.memref_slice %arg3[%add3A_138, %dma_start3A_139] : memref<16384x2048xf32, #tpu.memory_space<hbm>> -> memref<32x2048xf32, #tpu.memory_space<hbm>>
    %dma_start3A_141 = arith.constant 0 : i32
    %dma_start3A_142 = tpu.memref_slice %arg3[%add3A_138, %dma_start3A_141] : memref<16384x2048xf32, #tpu.memory_space<hbm>> -> memref<32x2048xf32, #tpu.memory_space<hbm>>
    tpu.enqueue_dma source(%arg5 : memref<32x2048xf32, #tpu.memory_space<vmem>>) target(%dma_start3A_142 : memref<32x2048xf32, #tpu.memory_space<hbm>>) target_semaphore(%arg9 : memref<!tpu.dma_semaphore, #tpu.memory_space<semaphore_mem>>)
    %dma_wait3A_143 = arith.constant 0 : i32
    %dma_wait3A_144 = tpu.memref_slice %arg2[%add3A_128, %dma_wait3A_143] : memref<16384x2048xf32, #tpu.memory_space<hbm>> -> memref<32x2048xf32, #tpu.memory_space<hbm>>
    %dma_wait3A_145 = arith.constant 0 : i32
    %dma_wait3A_146 = tpu.memref_slice %arg2[%add3A_128, %dma_wait3A_145] : memref<16384x2048xf32, #tpu.memory_space<hbm>> -> memref<32x2048xf32, #tpu.memory_space<hbm>>
    tpu.wait_dma2 semaphore(%arg8 : memref<!tpu.dma_semaphore, #tpu.memory_space<semaphore_mem>>) src(%dma_wait3A_146 : memref<32x2048xf32, #tpu.memory_space<hbm>>) dst(%arg6 : memref<32x2048xf32, #tpu.memory_space<vmem>>)
    %add3A_147 = arith.constant 224 : i32
    %add3A_148 = arith.addi %add3A_4, %add3A_147 : i32
    %dma_start3A_149 = arith.constant 0 : i32
    %dma_start3A_150 = tpu.memref_slice %arg3[%add3A_148, %dma_start3A_149] : memref<16384x2048xf32, #tpu.memory_space<hbm>> -> memref<32x2048xf32, #tpu.memory_space<hbm>>
    %dma_start3A_151 = arith.constant 0 : i32
    %dma_start3A_152 = tpu.memref_slice %arg3[%add3A_148, %dma_start3A_151] : memref<16384x2048xf32, #tpu.memory_space<hbm>> -> memref<32x2048xf32, #tpu.memory_space<hbm>>
    tpu.enqueue_dma source(%arg6 : memref<32x2048xf32, #tpu.memory_space<vmem>>) target(%dma_start3A_152 : memref<32x2048xf32, #tpu.memory_space<hbm>>) target_semaphore(%arg10 : memref<!tpu.dma_semaphore, #tpu.memory_space<semaphore_mem>>)
    %dma_wait3A_153 = arith.constant 0 : i32
    %dma_wait3A_154 = tpu.memref_slice %arg3[%add3A_138, %dma_wait3A_153] : memref<16384x2048xf32, #tpu.memory_space<hbm>> -> memref<32x2048xf32, #tpu.memory_space<hbm>>
    %dma_wait3A_155 = arith.constant 0 : i32
    %dma_wait3A_156 = tpu.memref_slice %arg3[%add3A_138, %dma_wait3A_155] : memref<16384x2048xf32, #tpu.memory_space<hbm>> -> memref<32x2048xf32, #tpu.memory_space<hbm>>
    tpu.wait_dma2 semaphore(%arg9 : memref<!tpu.dma_semaphore, #tpu.memory_space<semaphore_mem>>) src(%arg5 : memref<32x2048xf32, #tpu.memory_space<vmem>>) dst(%dma_wait3A_156 : memref<32x2048xf32, #tpu.memory_space<hbm>>)
    %dma_wait3A_157 = arith.constant 0 : i32
    %dma_wait3A_158 = tpu.memref_slice %arg3[%add3A_148, %dma_wait3A_157] : memref<16384x2048xf32, #tpu.memory_space<hbm>> -> memref<32x2048xf32, #tpu.memory_space<hbm>>
    %dma_wait3A_159 = arith.constant 0 : i32
    %dma_wait3A_160 = tpu.memref_slice %arg3[%add3A_148, %dma_wait3A_159] : memref<16384x2048xf32, #tpu.memory_space<hbm>> -> memref<32x2048xf32, #tpu.memory_space<hbm>>
    tpu.wait_dma2 semaphore(%arg10 : memref<!tpu.dma_semaphore, #tpu.memory_space<semaphore_mem>>) src(%arg6 : memref<32x2048xf32, #tpu.memory_space<vmem>>) dst(%dma_wait3A_160 : memref<32x2048xf32, #tpu.memory_space<hbm>>)
    return
  }
}

#map = affine_map<(d0, d1) -> (0, 0)>
#map1 = affine_map<(d0, d1) -> (0)>
module attributes {stable_mosaic.version = 14 : i64} {
  func.func @sc_gather(%arg0: i32, %arg1: i32, %arg2: memref<16384x2048xf32, #tpu.memory_space<hbm>>, %arg3: memref<2048xi32, #tpu.memory_space<hbm>>, %arg4: memref<2048x2048xf32, #tpu.memory_space<hbm>>, %arg5: memref<32xi32, #tpu.memory_space<vmem>>, %arg6: memref<32x2048xf32, #tpu.memory_space<vmem>>, %arg7: memref<!tpu.dma_semaphore, #tpu.memory_space<semaphore_mem>>) attributes {dimension_semantics = [#tpu.dimension_semantics<core_parallel>, #tpu.dimension_semantics<subcore_parallel>], iteration_bounds = array<i64: 2, 16>, scalar_prefetch = 0 : i64, scratch_operands = 3 : i64, tpu.core_type = #tpu.core_type<sc_vector_subcore>, window_params = [{transform_indices = #map}, {transform_indices = #map1}, {transform_indices = #map}]} {
    %mul3A = arith.constant 2 : i32
    %mul3A_0 = arith.muli %arg1, %mul3A : i32
    %add3A = arith.addi %mul3A_0, %arg0 : i32
    %mul3A_1 = arith.constant 64 : i32
    %mul3A_2 = arith.muli %add3A, %mul3A_1 : i32
    %add3A_3 = arith.constant 0 : i32
    %add3A_4 = arith.addi %mul3A_2, %add3A_3 : i32
    "tpu.region"() ({
      %run_scoped3A = tpu.sem_alloc : memref<!tpu.dma_semaphore, #tpu.memory_space<semaphore_mem>>
      %dma_start3A_17 = tpu.memref_slice %arg3[%add3A_4] : memref<2048xi32, #tpu.memory_space<hbm>> -> memref<32xi32, #tpu.memory_space<hbm>>
      %dma_start3A_18 = tpu.memref_slice %arg3[%add3A_4] : memref<2048xi32, #tpu.memory_space<hbm>> -> memref<32xi32, #tpu.memory_space<hbm>>
      tpu.enqueue_dma source(%dma_start3A_18 : memref<32xi32, #tpu.memory_space<hbm>>) target(%arg5 : memref<32xi32, #tpu.memory_space<vmem>>) target_semaphore(%run_scoped3A : memref<!tpu.dma_semaphore, #tpu.memory_space<semaphore_mem>>)
      %dma_wait3A_19 = tpu.memref_slice %arg3[%add3A_4] : memref<2048xi32, #tpu.memory_space<hbm>> -> memref<32xi32, #tpu.memory_space<hbm>>
      %dma_wait3A_20 = tpu.memref_slice %arg3[%add3A_4] : memref<2048xi32, #tpu.memory_space<hbm>> -> memref<32xi32, #tpu.memory_space<hbm>>
      tpu.wait_dma2 semaphore(%run_scoped3A : memref<!tpu.dma_semaphore, #tpu.memory_space<semaphore_mem>>) src(%dma_wait3A_20 : memref<32xi32, #tpu.memory_space<hbm>>) dst(%arg5 : memref<32xi32, #tpu.memory_space<vmem>>)
      tpu.yield
    }) : () -> ()
    %dma_start3A = arith.constant 0 : i32
    %dma_start3A_5 = arith.constant 0 : i32
    %dma_start3A_6 = tpu.memref_slice %arg2[%dma_start3A, %dma_start3A_5] : memref<16384x2048xf32, #tpu.memory_space<hbm>> -> memref<16384x2048xf32, #tpu.memory_space<hbm>>
    tpu.enqueue_indirect_dma source(%dma_start3A_6 : memref<16384x2048xf32, #tpu.memory_space<hbm>>) target(%arg6 : memref<32x2048xf32, #tpu.memory_space<vmem>>) offsets(%arg5 : memref<32xi32, #tpu.memory_space<vmem>>) semaphore(%arg7 : memref<!tpu.dma_semaphore, #tpu.memory_space<semaphore_mem>>)
    %dma_wait3A = arith.constant 0 : i32
    %dma_wait3A_7 = arith.constant 0 : i32
    %dma_wait3A_8 = tpu.memref_slice %arg2[%dma_wait3A, %dma_wait3A_7] : memref<16384x2048xf32, #tpu.memory_space<hbm>> -> memref<16384x2048xf32, #tpu.memory_space<hbm>>
    tpu.wait_indirect_dma semaphore(%arg7 : memref<!tpu.dma_semaphore, #tpu.memory_space<semaphore_mem>>) src(%dma_wait3A_8 : memref<16384x2048xf32, #tpu.memory_space<hbm>>) dst(%arg6 : memref<32x2048xf32, #tpu.memory_space<vmem>>)
    "tpu.region"() ({
      %run_scoped3A = tpu.sem_alloc : memref<!tpu.dma_semaphore, #tpu.memory_space<semaphore_mem>>
      %dma_start3A_17 = arith.constant 0 : i32
      %dma_start3A_18 = tpu.memref_slice %arg4[%add3A_4, %dma_start3A_17] : memref<2048x2048xf32, #tpu.memory_space<hbm>> -> memref<32x2048xf32, #tpu.memory_space<hbm>>
      %dma_start3A_19 = arith.constant 0 : i32
      %dma_start3A_20 = tpu.memref_slice %arg4[%add3A_4, %dma_start3A_19] : memref<2048x2048xf32, #tpu.memory_space<hbm>> -> memref<32x2048xf32, #tpu.memory_space<hbm>>
      tpu.enqueue_dma source(%arg6 : memref<32x2048xf32, #tpu.memory_space<vmem>>) target(%dma_start3A_20 : memref<32x2048xf32, #tpu.memory_space<hbm>>) target_semaphore(%run_scoped3A : memref<!tpu.dma_semaphore, #tpu.memory_space<semaphore_mem>>)
      %dma_wait3A_21 = arith.constant 0 : i32
      %dma_wait3A_22 = tpu.memref_slice %arg4[%add3A_4, %dma_wait3A_21] : memref<2048x2048xf32, #tpu.memory_space<hbm>> -> memref<32x2048xf32, #tpu.memory_space<hbm>>
      %dma_wait3A_23 = arith.constant 0 : i32
      %dma_wait3A_24 = tpu.memref_slice %arg4[%add3A_4, %dma_wait3A_23] : memref<2048x2048xf32, #tpu.memory_space<hbm>> -> memref<32x2048xf32, #tpu.memory_space<hbm>>
      tpu.wait_dma2 semaphore(%run_scoped3A : memref<!tpu.dma_semaphore, #tpu.memory_space<semaphore_mem>>) src(%arg6 : memref<32x2048xf32, #tpu.memory_space<vmem>>) dst(%dma_wait3A_24 : memref<32x2048xf32, #tpu.memory_space<hbm>>)
      tpu.yield
    }) : () -> ()
    %add3A_9 = arith.constant 32 : i32
    %add3A_10 = arith.addi %mul3A_2, %add3A_9 : i32
    "tpu.region"() ({
      %run_scoped3A = tpu.sem_alloc : memref<!tpu.dma_semaphore, #tpu.memory_space<semaphore_mem>>
      %dma_start3A_17 = tpu.memref_slice %arg3[%add3A_10] : memref<2048xi32, #tpu.memory_space<hbm>> -> memref<32xi32, #tpu.memory_space<hbm>>
      %dma_start3A_18 = tpu.memref_slice %arg3[%add3A_10] : memref<2048xi32, #tpu.memory_space<hbm>> -> memref<32xi32, #tpu.memory_space<hbm>>
      tpu.enqueue_dma source(%dma_start3A_18 : memref<32xi32, #tpu.memory_space<hbm>>) target(%arg5 : memref<32xi32, #tpu.memory_space<vmem>>) target_semaphore(%run_scoped3A : memref<!tpu.dma_semaphore, #tpu.memory_space<semaphore_mem>>)
      %dma_wait3A_19 = tpu.memref_slice %arg3[%add3A_10] : memref<2048xi32, #tpu.memory_space<hbm>> -> memref<32xi32, #tpu.memory_space<hbm>>
      %dma_wait3A_20 = tpu.memref_slice %arg3[%add3A_10] : memref<2048xi32, #tpu.memory_space<hbm>> -> memref<32xi32, #tpu.memory_space<hbm>>
      tpu.wait_dma2 semaphore(%run_scoped3A : memref<!tpu.dma_semaphore, #tpu.memory_space<semaphore_mem>>) src(%dma_wait3A_20 : memref<32xi32, #tpu.memory_space<hbm>>) dst(%arg5 : memref<32xi32, #tpu.memory_space<vmem>>)
      tpu.yield
    }) : () -> ()
    %dma_start3A_11 = arith.constant 0 : i32
    %dma_start3A_12 = arith.constant 0 : i32
    %dma_start3A_13 = tpu.memref_slice %arg2[%dma_start3A_11, %dma_start3A_12] : memref<16384x2048xf32, #tpu.memory_space<hbm>> -> memref<16384x2048xf32, #tpu.memory_space<hbm>>
    tpu.enqueue_indirect_dma source(%dma_start3A_13 : memref<16384x2048xf32, #tpu.memory_space<hbm>>) target(%arg6 : memref<32x2048xf32, #tpu.memory_space<vmem>>) offsets(%arg5 : memref<32xi32, #tpu.memory_space<vmem>>) semaphore(%arg7 : memref<!tpu.dma_semaphore, #tpu.memory_space<semaphore_mem>>)
    %dma_wait3A_14 = arith.constant 0 : i32
    %dma_wait3A_15 = arith.constant 0 : i32
    %dma_wait3A_16 = tpu.memref_slice %arg2[%dma_wait3A_14, %dma_wait3A_15] : memref<16384x2048xf32, #tpu.memory_space<hbm>> -> memref<16384x2048xf32, #tpu.memory_space<hbm>>
    tpu.wait_indirect_dma semaphore(%arg7 : memref<!tpu.dma_semaphore, #tpu.memory_space<semaphore_mem>>) src(%dma_wait3A_16 : memref<16384x2048xf32, #tpu.memory_space<hbm>>) dst(%arg6 : memref<32x2048xf32, #tpu.memory_space<vmem>>)
    "tpu.region"() ({
      %run_scoped3A = tpu.sem_alloc : memref<!tpu.dma_semaphore, #tpu.memory_space<semaphore_mem>>
      %dma_start3A_17 = arith.constant 0 : i32
      %dma_start3A_18 = tpu.memref_slice %arg4[%add3A_10, %dma_start3A_17] : memref<2048x2048xf32, #tpu.memory_space<hbm>> -> memref<32x2048xf32, #tpu.memory_space<hbm>>
      %dma_start3A_19 = arith.constant 0 : i32
      %dma_start3A_20 = tpu.memref_slice %arg4[%add3A_10, %dma_start3A_19] : memref<2048x2048xf32, #tpu.memory_space<hbm>> -> memref<32x2048xf32, #tpu.memory_space<hbm>>
      tpu.enqueue_dma source(%arg6 : memref<32x2048xf32, #tpu.memory_space<vmem>>) target(%dma_start3A_20 : memref<32x2048xf32, #tpu.memory_space<hbm>>) target_semaphore(%run_scoped3A : memref<!tpu.dma_semaphore, #tpu.memory_space<semaphore_mem>>)
      %dma_wait3A_21 = arith.constant 0 : i32
      %dma_wait3A_22 = tpu.memref_slice %arg4[%add3A_10, %dma_wait3A_21] : memref<2048x2048xf32, #tpu.memory_space<hbm>> -> memref<32x2048xf32, #tpu.memory_space<hbm>>
      %dma_wait3A_23 = arith.constant 0 : i32
      %dma_wait3A_24 = tpu.memref_slice %arg4[%add3A_10, %dma_wait3A_23] : memref<2048x2048xf32, #tpu.memory_space<hbm>> -> memref<32x2048xf32, #tpu.memory_space<hbm>>
      tpu.wait_dma2 semaphore(%run_scoped3A : memref<!tpu.dma_semaphore, #tpu.memory_space<semaphore_mem>>) src(%arg6 : memref<32x2048xf32, #tpu.memory_space<vmem>>) dst(%dma_wait3A_24 : memref<32x2048xf32, #tpu.memory_space<hbm>>)
      tpu.yield
    }) : () -> ()
    return
  }
}

#map = affine_map<(d0, d1) -> (0, 0)>
module attributes {stable_mosaic.version = 14 : i64} {
  func.func @new_body(%arg0: i32, %arg1: i32, %arg2: memref<16384x2048xf32, #tpu.memory_space<hbm>>, %arg3: memref<16384x2048xf32, #tpu.memory_space<hbm>>, %arg4: memref<16384x2048xf32, #tpu.memory_space<hbm>>, %arg5: memref<32x2048xf32, #tpu.memory_space<vmem>>, %arg6: memref<32x2048xf32, #tpu.memory_space<vmem>>, %arg7: memref<!tpu.dma_semaphore, #tpu.memory_space<semaphore_mem>>, %arg8: memref<!tpu.dma_semaphore, #tpu.memory_space<semaphore_mem>>, %arg9: memref<!tpu.dma_semaphore, #tpu.memory_space<semaphore_mem>>, %arg10: memref<!tpu.dma_semaphore, #tpu.memory_space<semaphore_mem>>) attributes {dimension_semantics = [#tpu.dimension_semantics<core_parallel>, #tpu.dimension_semantics<subcore_parallel>], iteration_bounds = array<i64: 2, 16>, scalar_prefetch = 0 : i64, scratch_operands = 6 : i64, tpu.core_type = #tpu.core_type<sc_vector_subcore>, window_params = [{transform_indices = #map}, {transform_indices = #map}, {transform_indices = #map}]} {
    %mul3A = arith.constant 2 : i32
    %mul3A_0 = arith.muli %arg1, %mul3A : i32
    %add3A = arith.addi %mul3A_0, %arg0 : i32
    %mul3A_1 = arith.constant 512 : i32
    %mul3A_2 = arith.muli %add3A, %mul3A_1 : i32
    %add3A_3 = arith.constant 0 : i32
    %add3A_4 = arith.addi %mul3A_2, %add3A_3 : i32
    %dma_start3A = arith.constant 0 : i32
    %dma_start3A_5 = tpu.memref_slice %arg2[%add3A_4, %dma_start3A] : memref<16384x2048xf32, #tpu.memory_space<hbm>> -> memref<32x2048xf32, #tpu.memory_space<hbm>>
    %dma_start3A_6 = arith.constant 0 : i32
    %dma_start3A_7 = tpu.memref_slice %arg2[%add3A_4, %dma_start3A_6] : memref<16384x2048xf32, #tpu.memory_space<hbm>> -> memref<32x2048xf32, #tpu.memory_space<hbm>>
    tpu.enqueue_dma source(%dma_start3A_7 : memref<32x2048xf32, #tpu.memory_space<hbm>>) target(%arg5 : memref<32x2048xf32, #tpu.memory_space<vmem>>) target_semaphore(%arg7 : memref<!tpu.dma_semaphore, #tpu.memory_space<semaphore_mem>>)
    %add3A_8 = arith.constant 32 : i32
    %add3A_9 = arith.addi %add3A_4, %add3A_8 : i32
    %dma_start3A_10 = arith.constant 0 : i32
    %dma_start3A_11 = tpu.memref_slice %arg2[%add3A_9, %dma_start3A_10] : memref<16384x2048xf32, #tpu.memory_space<hbm>> -> memref<32x2048xf32, #tpu.memory_space<hbm>>
    %dma_start3A_12 = arith.constant 0 : i32
    %dma_start3A_13 = tpu.memref_slice %arg2[%add3A_9, %dma_start3A_12] : memref<16384x2048xf32, #tpu.memory_space<hbm>> -> memref<32x2048xf32, #tpu.memory_space<hbm>>
    tpu.enqueue_dma source(%dma_start3A_13 : memref<32x2048xf32, #tpu.memory_space<hbm>>) target(%arg6 : memref<32x2048xf32, #tpu.memory_space<vmem>>) target_semaphore(%arg8 : memref<!tpu.dma_semaphore, #tpu.memory_space<semaphore_mem>>)
    %dma_wait3A = arith.constant 0 : i32
    %dma_wait3A_14 = tpu.memref_slice %arg2[%add3A_4, %dma_wait3A] : memref<16384x2048xf32, #tpu.memory_space<hbm>> -> memref<32x2048xf32, #tpu.memory_space<hbm>>
    %dma_wait3A_15 = arith.constant 0 : i32
    %dma_wait3A_16 = tpu.memref_slice %arg2[%add3A_4, %dma_wait3A_15] : memref<16384x2048xf32, #tpu.memory_space<hbm>> -> memref<32x2048xf32, #tpu.memory_space<hbm>>
    tpu.wait_dma2 semaphore(%arg7 : memref<!tpu.dma_semaphore, #tpu.memory_space<semaphore_mem>>) src(%dma_wait3A_16 : memref<32x2048xf32, #tpu.memory_space<hbm>>) dst(%arg5 : memref<32x2048xf32, #tpu.memory_space<vmem>>)
    %add3A_17 = arith.constant 0 : i32
    %add3A_18 = arith.addi %add3A_4, %add3A_17 : i32
    %dma_start3A_19 = arith.constant 0 : i32
    %dma_start3A_20 = tpu.memref_slice %arg3[%add3A_18, %dma_start3A_19] : memref<16384x2048xf32, #tpu.memory_space<hbm>> -> memref<32x2048xf32, #tpu.memory_space<hbm>>
    %dma_start3A_21 = arith.constant 0 : i32
    %dma_start3A_22 = tpu.memref_slice %arg3[%add3A_18, %dma_start3A_21] : memref<16384x2048xf32, #tpu.memory_space<hbm>> -> memref<32x2048xf32, #tpu.memory_space<hbm>>
    tpu.enqueue_dma source(%arg5 : memref<32x2048xf32, #tpu.memory_space<vmem>>) target(%dma_start3A_22 : memref<32x2048xf32, #tpu.memory_space<hbm>>) target_semaphore(%arg9 : memref<!tpu.dma_semaphore, #tpu.memory_space<semaphore_mem>>)
    %dma_wait3A_23 = arith.constant 0 : i32
    %dma_wait3A_24 = tpu.memref_slice %arg3[%add3A_18, %dma_wait3A_23] : memref<16384x2048xf32, #tpu.memory_space<hbm>> -> memref<32x2048xf32, #tpu.memory_space<hbm>>
    %dma_wait3A_25 = arith.constant 0 : i32
    %dma_wait3A_26 = tpu.memref_slice %arg3[%add3A_18, %dma_wait3A_25] : memref<16384x2048xf32, #tpu.memory_space<hbm>> -> memref<32x2048xf32, #tpu.memory_space<hbm>>
    tpu.wait_dma2 semaphore(%arg9 : memref<!tpu.dma_semaphore, #tpu.memory_space<semaphore_mem>>) src(%arg5 : memref<32x2048xf32, #tpu.memory_space<vmem>>) dst(%dma_wait3A_26 : memref<32x2048xf32, #tpu.memory_space<hbm>>)
    %add3A_27 = arith.constant 64 : i32
    %add3A_28 = arith.addi %add3A_4, %add3A_27 : i32
    %dma_start3A_29 = arith.constant 0 : i32
    %dma_start3A_30 = tpu.memref_slice %arg2[%add3A_28, %dma_start3A_29] : memref<16384x2048xf32, #tpu.memory_space<hbm>> -> memref<32x2048xf32, #tpu.memory_space<hbm>>
    %dma_start3A_31 = arith.constant 0 : i32
    %dma_start3A_32 = tpu.memref_slice %arg2[%add3A_28, %dma_start3A_31] : memref<16384x2048xf32, #tpu.memory_space<hbm>> -> memref<32x2048xf32, #tpu.memory_space<hbm>>
    tpu.enqueue_dma source(%dma_start3A_32 : memref<32x2048xf32, #tpu.memory_space<hbm>>) target(%arg5 : memref<32x2048xf32, #tpu.memory_space<vmem>>) target_semaphore(%arg7 : memref<!tpu.dma_semaphore, #tpu.memory_space<semaphore_mem>>)
    %dma_wait3A_33 = arith.constant 0 : i32
    %dma_wait3A_34 = tpu.memref_slice %arg2[%add3A_9, %dma_wait3A_33] : memref<16384x2048xf32, #tpu.memory_space<hbm>> -> memref<32x2048xf32, #tpu.memory_space<hbm>>
    %dma_wait3A_35 = arith.constant 0 : i32
    %dma_wait3A_36 = tpu.memref_slice %arg2[%add3A_9, %dma_wait3A_35] : memref<16384x2048xf32, #tpu.memory_space<hbm>> -> memref<32x2048xf32, #tpu.memory_space<hbm>>
    tpu.wait_dma2 semaphore(%arg8 : memref<!tpu.dma_semaphore, #tpu.memory_space<semaphore_mem>>) src(%dma_wait3A_36 : memref<32x2048xf32, #tpu.memory_space<hbm>>) dst(%arg6 : memref<32x2048xf32, #tpu.memory_space<vmem>>)
    %add3A_37 = arith.constant 32 : i32
    %add3A_38 = arith.addi %add3A_4, %add3A_37 : i32
    %dma_start3A_39 = arith.constant 0 : i32
    %dma_start3A_40 = tpu.memref_slice %arg3[%add3A_38, %dma_start3A_39] : memref<16384x2048xf32, #tpu.memory_space<hbm>> -> memref<32x2048xf32, #tpu.memory_space<hbm>>
    %dma_start3A_41 = arith.constant 0 : i32
    %dma_start3A_42 = tpu.memref_slice %arg3[%add3A_38, %dma_start3A_41] : memref<16384x2048xf32, #tpu.memory_space<hbm>> -> memref<32x2048xf32, #tpu.memory_space<hbm>>
    tpu.enqueue_dma source(%arg6 : memref<32x2048xf32, #tpu.memory_space<vmem>>) target(%dma_start3A_42 : memref<32x2048xf32, #tpu.memory_space<hbm>>) target_semaphore(%arg10 : memref<!tpu.dma_semaphore, #tpu.memory_space<semaphore_mem>>)
    %dma_wait3A_43 = arith.constant 0 : i32
    %dma_wait3A_44 = tpu.memref_slice %arg3[%add3A_38, %dma_wait3A_43] : memref<16384x2048xf32, #tpu.memory_space<hbm>> -> memref<32x2048xf32, #tpu.memory_space<hbm>>
    %dma_wait3A_45 = arith.constant 0 : i32
    %dma_wait3A_46 = tpu.memref_slice %arg3[%add3A_38, %dma_wait3A_45] : memref<16384x2048xf32, #tpu.memory_space<hbm>> -> memref<32x2048xf32, #tpu.memory_space<hbm>>
    tpu.wait_dma2 semaphore(%arg10 : memref<!tpu.dma_semaphore, #tpu.memory_space<semaphore_mem>>) src(%arg6 : memref<32x2048xf32, #tpu.memory_space<vmem>>) dst(%dma_wait3A_46 : memref<32x2048xf32, #tpu.memory_space<hbm>>)
    %add3A_47 = arith.constant 96 : i32
    %add3A_48 = arith.addi %add3A_4, %add3A_47 : i32
    %dma_start3A_49 = arith.constant 0 : i32
    %dma_start3A_50 = tpu.memref_slice %arg2[%add3A_48, %dma_start3A_49] : memref<16384x2048xf32, #tpu.memory_space<hbm>> -> memref<32x2048xf32, #tpu.memory_space<hbm>>
    %dma_start3A_51 = arith.constant 0 : i32
    %dma_start3A_52 = tpu.memref_slice %arg2[%add3A_48, %dma_start3A_51] : memref<16384x2048xf32, #tpu.memory_space<hbm>> -> memref<32x2048xf32, #tpu.memory_space<hbm>>
    tpu.enqueue_dma source(%dma_start3A_52 : memref<32x2048xf32, #tpu.memory_space<hbm>>) target(%arg6 : memref<32x2048xf32, #tpu.memory_space<vmem>>) target_semaphore(%arg8 : memref<!tpu.dma_semaphore, #tpu.memory_space<semaphore_mem>>)
    %dma_wait3A_53 = arith.constant 0 : i32
    %dma_wait3A_54 = tpu.memref_slice %arg2[%add3A_28, %dma_wait3A_53] : memref<16384x2048xf32, #tpu.memory_space<hbm>> -> memref<32x2048xf32, #tpu.memory_space<hbm>>
    %dma_wait3A_55 = arith.constant 0 : i32
    %dma_wait3A_56 = tpu.memref_slice %arg2[%add3A_28, %dma_wait3A_55] : memref<16384x2048xf32, #tpu.memory_space<hbm>> -> memref<32x2048xf32, #tpu.memory_space<hbm>>
    tpu.wait_dma2 semaphore(%arg7 : memref<!tpu.dma_semaphore, #tpu.memory_space<semaphore_mem>>) src(%dma_wait3A_56 : memref<32x2048xf32, #tpu.memory_space<hbm>>) dst(%arg5 : memref<32x2048xf32, #tpu.memory_space<vmem>>)
    %add3A_57 = arith.constant 64 : i32
    %add3A_58 = arith.addi %add3A_4, %add3A_57 : i32
    %dma_start3A_59 = arith.constant 0 : i32
    %dma_start3A_60 = tpu.memref_slice %arg3[%add3A_58, %dma_start3A_59] : memref<16384x2048xf32, #tpu.memory_space<hbm>> -> memref<32x2048xf32, #tpu.memory_space<hbm>>
    %dma_start3A_61 = arith.constant 0 : i32
    %dma_start3A_62 = tpu.memref_slice %arg3[%add3A_58, %dma_start3A_61] : memref<16384x2048xf32, #tpu.memory_space<hbm>> -> memref<32x2048xf32, #tpu.memory_space<hbm>>
    tpu.enqueue_dma source(%arg5 : memref<32x2048xf32, #tpu.memory_space<vmem>>) target(%dma_start3A_62 : memref<32x2048xf32, #tpu.memory_space<hbm>>) target_semaphore(%arg9 : memref<!tpu.dma_semaphore, #tpu.memory_space<semaphore_mem>>)
    %dma_wait3A_63 = arith.constant 0 : i32
    %dma_wait3A_64 = tpu.memref_slice %arg3[%add3A_58, %dma_wait3A_63] : memref<16384x2048xf32, #tpu.memory_space<hbm>> -> memref<32x2048xf32, #tpu.memory_space<hbm>>
    %dma_wait3A_65 = arith.constant 0 : i32
    %dma_wait3A_66 = tpu.memref_slice %arg3[%add3A_58, %dma_wait3A_65] : memref<16384x2048xf32, #tpu.memory_space<hbm>> -> memref<32x2048xf32, #tpu.memory_space<hbm>>
    tpu.wait_dma2 semaphore(%arg9 : memref<!tpu.dma_semaphore, #tpu.memory_space<semaphore_mem>>) src(%arg5 : memref<32x2048xf32, #tpu.memory_space<vmem>>) dst(%dma_wait3A_66 : memref<32x2048xf32, #tpu.memory_space<hbm>>)
    %add3A_67 = arith.constant 128 : i32
    %add3A_68 = arith.addi %add3A_4, %add3A_67 : i32
    %dma_start3A_69 = arith.constant 0 : i32
    %dma_start3A_70 = tpu.memref_slice %arg2[%add3A_68, %dma_start3A_69] : memref<16384x2048xf32, #tpu.memory_space<hbm>> -> memref<32x2048xf32, #tpu.memory_space<hbm>>
    %dma_start3A_71 = arith.constant 0 : i32
    %dma_start3A_72 = tpu.memref_slice %arg2[%add3A_68, %dma_start3A_71] : memref<16384x2048xf32, #tpu.memory_space<hbm>> -> memref<32x2048xf32, #tpu.memory_space<hbm>>
    tpu.enqueue_dma source(%dma_start3A_72 : memref<32x2048xf32, #tpu.memory_space<hbm>>) target(%arg5 : memref<32x2048xf32, #tpu.memory_space<vmem>>) target_semaphore(%arg7 : memref<!tpu.dma_semaphore, #tpu.memory_space<semaphore_mem>>)
    %dma_wait3A_73 = arith.constant 0 : i32
    %dma_wait3A_74 = tpu.memref_slice %arg2[%add3A_48, %dma_wait3A_73] : memref<16384x2048xf32, #tpu.memory_space<hbm>> -> memref<32x2048xf32, #tpu.memory_space<hbm>>
    %dma_wait3A_75 = arith.constant 0 : i32
    %dma_wait3A_76 = tpu.memref_slice %arg2[%add3A_48, %dma_wait3A_75] : memref<16384x2048xf32, #tpu.memory_space<hbm>> -> memref<32x2048xf32, #tpu.memory_space<hbm>>
    tpu.wait_dma2 semaphore(%arg8 : memref<!tpu.dma_semaphore, #tpu.memory_space<semaphore_mem>>) src(%dma_wait3A_76 : memref<32x2048xf32, #tpu.memory_space<hbm>>) dst(%arg6 : memref<32x2048xf32, #tpu.memory_space<vmem>>)
    %add3A_77 = arith.constant 96 : i32
    %add3A_78 = arith.addi %add3A_4, %add3A_77 : i32
    %dma_start3A_79 = arith.constant 0 : i32
    %dma_start3A_80 = tpu.memref_slice %arg3[%add3A_78, %dma_start3A_79] : memref<16384x2048xf32, #tpu.memory_space<hbm>> -> memref<32x2048xf32, #tpu.memory_space<hbm>>
    %dma_start3A_81 = arith.constant 0 : i32
    %dma_start3A_82 = tpu.memref_slice %arg3[%add3A_78, %dma_start3A_81] : memref<16384x2048xf32, #tpu.memory_space<hbm>> -> memref<32x2048xf32, #tpu.memory_space<hbm>>
    tpu.enqueue_dma source(%arg6 : memref<32x2048xf32, #tpu.memory_space<vmem>>) target(%dma_start3A_82 : memref<32x2048xf32, #tpu.memory_space<hbm>>) target_semaphore(%arg10 : memref<!tpu.dma_semaphore, #tpu.memory_space<semaphore_mem>>)
    %dma_wait3A_83 = arith.constant 0 : i32
    %dma_wait3A_84 = tpu.memref_slice %arg3[%add3A_78, %dma_wait3A_83] : memref<16384x2048xf32, #tpu.memory_space<hbm>> -> memref<32x2048xf32, #tpu.memory_space<hbm>>
    %dma_wait3A_85 = arith.constant 0 : i32
    %dma_wait3A_86 = tpu.memref_slice %arg3[%add3A_78, %dma_wait3A_85] : memref<16384x2048xf32, #tpu.memory_space<hbm>> -> memref<32x2048xf32, #tpu.memory_space<hbm>>
    tpu.wait_dma2 semaphore(%arg10 : memref<!tpu.dma_semaphore, #tpu.memory_space<semaphore_mem>>) src(%arg6 : memref<32x2048xf32, #tpu.memory_space<vmem>>) dst(%dma_wait3A_86 : memref<32x2048xf32, #tpu.memory_space<hbm>>)
    %add3A_87 = arith.constant 160 : i32
    %add3A_88 = arith.addi %add3A_4, %add3A_87 : i32
    %dma_start3A_89 = arith.constant 0 : i32
    %dma_start3A_90 = tpu.memref_slice %arg2[%add3A_88, %dma_start3A_89] : memref<16384x2048xf32, #tpu.memory_space<hbm>> -> memref<32x2048xf32, #tpu.memory_space<hbm>>
    %dma_start3A_91 = arith.constant 0 : i32
    %dma_start3A_92 = tpu.memref_slice %arg2[%add3A_88, %dma_start3A_91] : memref<16384x2048xf32, #tpu.memory_space<hbm>> -> memref<32x2048xf32, #tpu.memory_space<hbm>>
    tpu.enqueue_dma source(%dma_start3A_92 : memref<32x2048xf32, #tpu.memory_space<hbm>>) target(%arg6 : memref<32x2048xf32, #tpu.memory_space<vmem>>) target_semaphore(%arg8 : memref<!tpu.dma_semaphore, #tpu.memory_space<semaphore_mem>>)
    %dma_wait3A_93 = arith.constant 0 : i32
    %dma_wait3A_94 = tpu.memref_slice %arg2[%add3A_68, %dma_wait3A_93] : memref<16384x2048xf32, #tpu.memory_space<hbm>> -> memref<32x2048xf32, #tpu.memory_space<hbm>>
    %dma_wait3A_95 = arith.constant 0 : i32
    %dma_wait3A_96 = tpu.memref_slice %arg2[%add3A_68, %dma_wait3A_95] : memref<16384x2048xf32, #tpu.memory_space<hbm>> -> memref<32x2048xf32, #tpu.memory_space<hbm>>
    tpu.wait_dma2 semaphore(%arg7 : memref<!tpu.dma_semaphore, #tpu.memory_space<semaphore_mem>>) src(%dma_wait3A_96 : memref<32x2048xf32, #tpu.memory_space<hbm>>) dst(%arg5 : memref<32x2048xf32, #tpu.memory_space<vmem>>)
    %add3A_97 = arith.constant 128 : i32
    %add3A_98 = arith.addi %add3A_4, %add3A_97 : i32
    %dma_start3A_99 = arith.constant 0 : i32
    %dma_start3A_100 = tpu.memref_slice %arg3[%add3A_98, %dma_start3A_99] : memref<16384x2048xf32, #tpu.memory_space<hbm>> -> memref<32x2048xf32, #tpu.memory_space<hbm>>
    %dma_start3A_101 = arith.constant 0 : i32
    %dma_start3A_102 = tpu.memref_slice %arg3[%add3A_98, %dma_start3A_101] : memref<16384x2048xf32, #tpu.memory_space<hbm>> -> memref<32x2048xf32, #tpu.memory_space<hbm>>
    tpu.enqueue_dma source(%arg5 : memref<32x2048xf32, #tpu.memory_space<vmem>>) target(%dma_start3A_102 : memref<32x2048xf32, #tpu.memory_space<hbm>>) target_semaphore(%arg9 : memref<!tpu.dma_semaphore, #tpu.memory_space<semaphore_mem>>)
    %dma_wait3A_103 = arith.constant 0 : i32
    %dma_wait3A_104 = tpu.memref_slice %arg3[%add3A_98, %dma_wait3A_103] : memref<16384x2048xf32, #tpu.memory_space<hbm>> -> memref<32x2048xf32, #tpu.memory_space<hbm>>
    %dma_wait3A_105 = arith.constant 0 : i32
    %dma_wait3A_106 = tpu.memref_slice %arg3[%add3A_98, %dma_wait3A_105] : memref<16384x2048xf32, #tpu.memory_space<hbm>> -> memref<32x2048xf32, #tpu.memory_space<hbm>>
    tpu.wait_dma2 semaphore(%arg9 : memref<!tpu.dma_semaphore, #tpu.memory_space<semaphore_mem>>) src(%arg5 : memref<32x2048xf32, #tpu.memory_space<vmem>>) dst(%dma_wait3A_106 : memref<32x2048xf32, #tpu.memory_space<hbm>>)
    %add3A_107 = arith.constant 192 : i32
    %add3A_108 = arith.addi %add3A_4, %add3A_107 : i32
    %dma_start3A_109 = arith.constant 0 : i32
    %dma_start3A_110 = tpu.memref_slice %arg2[%add3A_108, %dma_start3A_109] : memref<16384x2048xf32, #tpu.memory_space<hbm>> -> memref<32x2048xf32, #tpu.memory_space<hbm>>
    %dma_start3A_111 = arith.constant 0 : i32
    %dma_start3A_112 = tpu.memref_slice %arg2[%add3A_108, %dma_start3A_111] : memref<16384x2048xf32, #tpu.memory_space<hbm>> -> memref<32x2048xf32, #tpu.memory_space<hbm>>
    tpu.enqueue_dma source(%dma_start3A_112 : memref<32x2048xf32, #tpu.memory_space<hbm>>) target(%arg5 : memref<32x2048xf32, #tpu.memory_space<vmem>>) target_semaphore(%arg7 : memref<!tpu.dma_semaphore, #tpu.memory_space<semaphore_mem>>)
    %dma_wait3A_113 = arith.constant 0 : i32
    %dma_wait3A_114 = tpu.memref_slice %arg2[%add3A_88, %dma_wait3A_113] : memref<16384x2048xf32, #tpu.memory_space<hbm>> -> memref<32x2048xf32, #tpu.memory_space<hbm>>
    %dma_wait3A_115 = arith.constant 0 : i32
    %dma_wait3A_116 = tpu.memref_slice %arg2[%add3A_88, %dma_wait3A_115] : memref<16384x2048xf32, #tpu.memory_space<hbm>> -> memref<32x2048xf32, #tpu.memory_space<hbm>>
    tpu.wait_dma2 semaphore(%arg8 : memref<!tpu.dma_semaphore, #tpu.memory_space<semaphore_mem>>) src(%dma_wait3A_116 : memref<32x2048xf32, #tpu.memory_space<hbm>>) dst(%arg6 : memref<32x2048xf32, #tpu.memory_space<vmem>>)
    %add3A_117 = arith.constant 160 : i32
    %add3A_118 = arith.addi %add3A_4, %add3A_117 : i32
    %dma_start3A_119 = arith.constant 0 : i32
    %dma_start3A_120 = tpu.memref_slice %arg3[%add3A_118, %dma_start3A_119] : memref<16384x2048xf32, #tpu.memory_space<hbm>> -> memref<32x2048xf32, #tpu.memory_space<hbm>>
    %dma_start3A_121 = arith.constant 0 : i32
    %dma_start3A_122 = tpu.memref_slice %arg3[%add3A_118, %dma_start3A_121] : memref<16384x2048xf32, #tpu.memory_space<hbm>> -> memref<32x2048xf32, #tpu.memory_space<hbm>>
    tpu.enqueue_dma source(%arg6 : memref<32x2048xf32, #tpu.memory_space<vmem>>) target(%dma_start3A_122 : memref<32x2048xf32, #tpu.memory_space<hbm>>) target_semaphore(%arg10 : memref<!tpu.dma_semaphore, #tpu.memory_space<semaphore_mem>>)
    %dma_wait3A_123 = arith.constant 0 : i32
    %dma_wait3A_124 = tpu.memref_slice %arg3[%add3A_118, %dma_wait3A_123] : memref<16384x2048xf32, #tpu.memory_space<hbm>> -> memref<32x2048xf32, #tpu.memory_space<hbm>>
    %dma_wait3A_125 = arith.constant 0 : i32
    %dma_wait3A_126 = tpu.memref_slice %arg3[%add3A_118, %dma_wait3A_125] : memref<16384x2048xf32, #tpu.memory_space<hbm>> -> memref<32x2048xf32, #tpu.memory_space<hbm>>
    tpu.wait_dma2 semaphore(%arg10 : memref<!tpu.dma_semaphore, #tpu.memory_space<semaphore_mem>>) src(%arg6 : memref<32x2048xf32, #tpu.memory_space<vmem>>) dst(%dma_wait3A_126 : memref<32x2048xf32, #tpu.memory_space<hbm>>)
    %add3A_127 = arith.constant 224 : i32
    %add3A_128 = arith.addi %add3A_4, %add3A_127 : i32
    %dma_start3A_129 = arith.constant 0 : i32
    %dma_start3A_130 = tpu.memref_slice %arg2[%add3A_128, %dma_start3A_129] : memref<16384x2048xf32, #tpu.memory_space<hbm>> -> memref<32x2048xf32, #tpu.memory_space<hbm>>
    %dma_start3A_131 = arith.constant 0 : i32
    %dma_start3A_132 = tpu.memref_slice %arg2[%add3A_128, %dma_start3A_131] : memref<16384x2048xf32, #tpu.memory_space<hbm>> -> memref<32x2048xf32, #tpu.memory_space<hbm>>
    tpu.enqueue_dma source(%dma_start3A_132 : memref<32x2048xf32, #tpu.memory_space<hbm>>) target(%arg6 : memref<32x2048xf32, #tpu.memory_space<vmem>>) target_semaphore(%arg8 : memref<!tpu.dma_semaphore, #tpu.memory_space<semaphore_mem>>)
    %dma_wait3A_133 = arith.constant 0 : i32
    %dma_wait3A_134 = tpu.memref_slice %arg2[%add3A_108, %dma_wait3A_133] : memref<16384x2048xf32, #tpu.memory_space<hbm>> -> memref<32x2048xf32, #tpu.memory_space<hbm>>
    %dma_wait3A_135 = arith.constant 0 : i32
    %dma_wait3A_136 = tpu.memref_slice %arg2[%add3A_108, %dma_wait3A_135] : memref<16384x2048xf32, #tpu.memory_space<hbm>> -> memref<32x2048xf32, #tpu.memory_space<hbm>>
    tpu.wait_dma2 semaphore(%arg7 : memref<!tpu.dma_semaphore, #tpu.memory_space<semaphore_mem>>) src(%dma_wait3A_136 : memref<32x2048xf32, #tpu.memory_space<hbm>>) dst(%arg5 : memref<32x2048xf32, #tpu.memory_space<vmem>>)
    %add3A_137 = arith.constant 192 : i32
    %add3A_138 = arith.addi %add3A_4, %add3A_137 : i32
    %dma_start3A_139 = arith.constant 0 : i32
    %dma_start3A_140 = tpu.memref_slice %arg3[%add3A_138, %dma_start3A_139] : memref<16384x2048xf32, #tpu.memory_space<hbm>> -> memref<32x2048xf32, #tpu.memory_space<hbm>>
    %dma_start3A_141 = arith.constant 0 : i32
    %dma_start3A_142 = tpu.memref_slice %arg3[%add3A_138, %dma_start3A_141] : memref<16384x2048xf32, #tpu.memory_space<hbm>> -> memref<32x2048xf32, #tpu.memory_space<hbm>>
    tpu.enqueue_dma source(%arg5 : memref<32x2048xf32, #tpu.memory_space<vmem>>) target(%dma_start3A_142 : memref<32x2048xf32, #tpu.memory_space<hbm>>) target_semaphore(%arg9 : memref<!tpu.dma_semaphore, #tpu.memory_space<semaphore_mem>>)
    %dma_wait3A_143 = arith.constant 0 : i32
    %dma_wait3A_144 = tpu.memref_slice %arg2[%add3A_128, %dma_wait3A_143] : memref<16384x2048xf32, #tpu.memory_space<hbm>> -> memref<32x2048xf32, #tpu.memory_space<hbm>>
    %dma_wait3A_145 = arith.constant 0 : i32
    %dma_wait3A_146 = tpu.memref_slice %arg2[%add3A_128, %dma_wait3A_145] : memref<16384x2048xf32, #tpu.memory_space<hbm>> -> memref<32x2048xf32, #tpu.memory_space<hbm>>
    tpu.wait_dma2 semaphore(%arg8 : memref<!tpu.dma_semaphore, #tpu.memory_space<semaphore_mem>>) src(%dma_wait3A_146 : memref<32x2048xf32, #tpu.memory_space<hbm>>) dst(%arg6 : memref<32x2048xf32, #tpu.memory_space<vmem>>)
    %add3A_147 = arith.constant 224 : i32
    %add3A_148 = arith.addi %add3A_4, %add3A_147 : i32
    %dma_start3A_149 = arith.constant 0 : i32
    %dma_start3A_150 = tpu.memref_slice %arg3[%add3A_148, %dma_start3A_149] : memref<16384x2048xf32, #tpu.memory_space<hbm>> -> memref<32x2048xf32, #tpu.memory_space<hbm>>
    %dma_start3A_151 = arith.constant 0 : i32
    %dma_start3A_152 = tpu.memref_slice %arg3[%add3A_148, %dma_start3A_151] : memref<16384x2048xf32, #tpu.memory_space<hbm>> -> memref<32x2048xf32, #tpu.memory_space<hbm>>
    tpu.enqueue_dma source(%arg6 : memref<32x2048xf32, #tpu.memory_space<vmem>>) target(%dma_start3A_152 : memref<32x2048xf32, #tpu.memory_space<hbm>>) target_semaphore(%arg10 : memref<!tpu.dma_semaphore, #tpu.memory_space<semaphore_mem>>)
    %dma_wait3A_153 = arith.constant 0 : i32
    %dma_wait3A_154 = tpu.memref_slice %arg3[%add3A_138, %dma_wait3A_153] : memref<16384x2048xf32, #tpu.memory_space<hbm>> -> memref<32x2048xf32, #tpu.memory_space<hbm>>
    %dma_wait3A_155 = arith.constant 0 : i32
    %dma_wait3A_156 = tpu.memref_slice %arg3[%add3A_138, %dma_wait3A_155] : memref<16384x2048xf32, #tpu.memory_space<hbm>> -> memref<32x2048xf32, #tpu.memory_space<hbm>>
    tpu.wait_dma2 semaphore(%arg9 : memref<!tpu.dma_semaphore, #tpu.memory_space<semaphore_mem>>) src(%arg5 : memref<32x2048xf32, #tpu.memory_space<vmem>>) dst(%dma_wait3A_156 : memref<32x2048xf32, #tpu.memory_space<hbm>>)
    %dma_wait3A_157 = arith.constant 0 : i32
    %dma_wait3A_158 = tpu.memref_slice %arg3[%add3A_148, %dma_wait3A_157] : memref<16384x2048xf32, #tpu.memory_space<hbm>> -> memref<32x2048xf32, #tpu.memory_space<hbm>>
    %dma_wait3A_159 = arith.constant 0 : i32
    %dma_wait3A_160 = tpu.memref_slice %arg3[%add3A_148, %dma_wait3A_159] : memref<16384x2048xf32, #tpu.memory_space<hbm>> -> memref<32x2048xf32, #tpu.memory_space<hbm>>
    tpu.wait_dma2 semaphore(%arg10 : memref<!tpu.dma_semaphore, #tpu.memory_space<semaphore_mem>>) src(%arg6 : memref<32x2048xf32, #tpu.memory_space<vmem>>) dst(%dma_wait3A_160 : memref<32x2048xf32, #tpu.memory_space<hbm>>)
    return
  }
}

#map = affine_map<(d0, d1) -> (0, 0)>
#map1 = affine_map<(d0, d1) -> (0)>
module attributes {stable_mosaic.version = 14 : i64} {
  func.func @new_body(%arg0: i32, %arg1: i32, %arg2: memref<2048x2048xf32, #tpu.memory_space<hbm>>, %arg3: memref<2048xi32, #tpu.memory_space<hbm>>, %arg4: memref<16384x2048xf32, #tpu.memory_space<hbm>>, %arg5: memref<16384x2048xf32, #tpu.memory_space<hbm>>, %arg6: memref<32xi32, #tpu.memory_space<vmem>>, %arg7: memref<32x2048xf32, #tpu.memory_space<vmem>>, %arg8: memref<!tpu.dma_semaphore, #tpu.memory_space<semaphore_mem>>) attributes {dimension_semantics = [#tpu.dimension_semantics<core_parallel>, #tpu.dimension_semantics<subcore_parallel>], iteration_bounds = array<i64: 2, 16>, scalar_prefetch = 0 : i64, scratch_operands = 3 : i64, tpu.core_type = #tpu.core_type<sc_vector_subcore>, window_params = [{transform_indices = #map}, {transform_indices = #map1}, {transform_indices = #map}, {transform_indices = #map}]} {
    %mul3A = arith.constant 2 : i32
    %mul3A_0 = arith.muli %arg1, %mul3A : i32
    %add3A = arith.addi %mul3A_0, %arg0 : i32
    %mul3A_1 = arith.constant 64 : i32
    %mul3A_2 = arith.muli %add3A, %mul3A_1 : i32
    %add3A_3 = arith.constant 0 : i32
    %add3A_4 = arith.addi %mul3A_2, %add3A_3 : i32
    "tpu.region"() ({
      %run_scoped3A = tpu.sem_alloc : memref<!tpu.dma_semaphore, #tpu.memory_space<semaphore_mem>>
      %dma_start3A_17 = tpu.memref_slice %arg3[%add3A_4] : memref<2048xi32, #tpu.memory_space<hbm>> -> memref<32xi32, #tpu.memory_space<hbm>>
      %dma_start3A_18 = tpu.memref_slice %arg3[%add3A_4] : memref<2048xi32, #tpu.memory_space<hbm>> -> memref<32xi32, #tpu.memory_space<hbm>>
      tpu.enqueue_dma source(%dma_start3A_18 : memref<32xi32, #tpu.memory_space<hbm>>) target(%arg6 : memref<32xi32, #tpu.memory_space<vmem>>) target_semaphore(%run_scoped3A : memref<!tpu.dma_semaphore, #tpu.memory_space<semaphore_mem>>)
      %dma_wait3A_19 = tpu.memref_slice %arg3[%add3A_4] : memref<2048xi32, #tpu.memory_space<hbm>> -> memref<32xi32, #tpu.memory_space<hbm>>
      %dma_wait3A_20 = tpu.memref_slice %arg3[%add3A_4] : memref<2048xi32, #tpu.memory_space<hbm>> -> memref<32xi32, #tpu.memory_space<hbm>>
      tpu.wait_dma2 semaphore(%run_scoped3A : memref<!tpu.dma_semaphore, #tpu.memory_space<semaphore_mem>>) src(%dma_wait3A_20 : memref<32xi32, #tpu.memory_space<hbm>>) dst(%arg6 : memref<32xi32, #tpu.memory_space<vmem>>)
      tpu.yield
    }) : () -> ()
    "tpu.region"() ({
      %run_scoped3A = tpu.sem_alloc : memref<!tpu.dma_semaphore, #tpu.memory_space<semaphore_mem>>
      %dma_start3A_17 = arith.constant 0 : i32
      %dma_start3A_18 = tpu.memref_slice %arg2[%add3A_4, %dma_start3A_17] : memref<2048x2048xf32, #tpu.memory_space<hbm>> -> memref<32x2048xf32, #tpu.memory_space<hbm>>
      %dma_start3A_19 = arith.constant 0 : i32
      %dma_start3A_20 = tpu.memref_slice %arg2[%add3A_4, %dma_start3A_19] : memref<2048x2048xf32, #tpu.memory_space<hbm>> -> memref<32x2048xf32, #tpu.memory_space<hbm>>
      tpu.enqueue_dma source(%dma_start3A_20 : memref<32x2048xf32, #tpu.memory_space<hbm>>) target(%arg7 : memref<32x2048xf32, #tpu.memory_space<vmem>>) target_semaphore(%run_scoped3A : memref<!tpu.dma_semaphore, #tpu.memory_space<semaphore_mem>>)
      %dma_wait3A_21 = arith.constant 0 : i32
      %dma_wait3A_22 = tpu.memref_slice %arg2[%add3A_4, %dma_wait3A_21] : memref<2048x2048xf32, #tpu.memory_space<hbm>> -> memref<32x2048xf32, #tpu.memory_space<hbm>>
      %dma_wait3A_23 = arith.constant 0 : i32
      %dma_wait3A_24 = tpu.memref_slice %arg2[%add3A_4, %dma_wait3A_23] : memref<2048x2048xf32, #tpu.memory_space<hbm>> -> memref<32x2048xf32, #tpu.memory_space<hbm>>
      tpu.wait_dma2 semaphore(%run_scoped3A : memref<!tpu.dma_semaphore, #tpu.memory_space<semaphore_mem>>) src(%dma_wait3A_24 : memref<32x2048xf32, #tpu.memory_space<hbm>>) dst(%arg7 : memref<32x2048xf32, #tpu.memory_space<vmem>>)
      tpu.yield
    }) : () -> ()
    %dma_start3A = arith.constant 0 : i32
    %dma_start3A_5 = arith.constant 0 : i32
    %dma_start3A_6 = tpu.memref_slice %arg4[%dma_start3A, %dma_start3A_5] : memref<16384x2048xf32, #tpu.memory_space<hbm>> -> memref<16384x2048xf32, #tpu.memory_space<hbm>>
    tpu.enqueue_indirect_dma source(%arg7 : memref<32x2048xf32, #tpu.memory_space<vmem>>) target(%dma_start3A_6 : memref<16384x2048xf32, #tpu.memory_space<hbm>>) offsets(%arg6 : memref<32xi32, #tpu.memory_space<vmem>>) semaphore(%arg8 : memref<!tpu.dma_semaphore, #tpu.memory_space<semaphore_mem>>)
    %dma_wait3A = arith.constant 0 : i32
    %dma_wait3A_7 = arith.constant 0 : i32
    %dma_wait3A_8 = tpu.memref_slice %arg4[%dma_wait3A, %dma_wait3A_7] : memref<16384x2048xf32, #tpu.memory_space<hbm>> -> memref<16384x2048xf32, #tpu.memory_space<hbm>>
    tpu.wait_indirect_dma semaphore(%arg8 : memref<!tpu.dma_semaphore, #tpu.memory_space<semaphore_mem>>) src(%arg7 : memref<32x2048xf32, #tpu.memory_space<vmem>>) dst(%dma_wait3A_8 : memref<16384x2048xf32, #tpu.memory_space<hbm>>)
    %add3A_9 = arith.constant 32 : i32
    %add3A_10 = arith.addi %mul3A_2, %add3A_9 : i32
    "tpu.region"() ({
      %run_scoped3A = tpu.sem_alloc : memref<!tpu.dma_semaphore, #tpu.memory_space<semaphore_mem>>
      %dma_start3A_17 = tpu.memref_slice %arg3[%add3A_10] : memref<2048xi32, #tpu.memory_space<hbm>> -> memref<32xi32, #tpu.memory_space<hbm>>
      %dma_start3A_18 = tpu.memref_slice %arg3[%add3A_10] : memref<2048xi32, #tpu.memory_space<hbm>> -> memref<32xi32, #tpu.memory_space<hbm>>
      tpu.enqueue_dma source(%dma_start3A_18 : memref<32xi32, #tpu.memory_space<hbm>>) target(%arg6 : memref<32xi32, #tpu.memory_space<vmem>>) target_semaphore(%run_scoped3A : memref<!tpu.dma_semaphore, #tpu.memory_space<semaphore_mem>>)
      %dma_wait3A_19 = tpu.memref_slice %arg3[%add3A_10] : memref<2048xi32, #tpu.memory_space<hbm>> -> memref<32xi32, #tpu.memory_space<hbm>>
      %dma_wait3A_20 = tpu.memref_slice %arg3[%add3A_10] : memref<2048xi32, #tpu.memory_space<hbm>> -> memref<32xi32, #tpu.memory_space<hbm>>
      tpu.wait_dma2 semaphore(%run_scoped3A : memref<!tpu.dma_semaphore, #tpu.memory_space<semaphore_mem>>) src(%dma_wait3A_20 : memref<32xi32, #tpu.memory_space<hbm>>) dst(%arg6 : memref<32xi32, #tpu.memory_space<vmem>>)
      tpu.yield
    }) : () -> ()
    "tpu.region"() ({
      %run_scoped3A = tpu.sem_alloc : memref<!tpu.dma_semaphore, #tpu.memory_space<semaphore_mem>>
      %dma_start3A_17 = arith.constant 0 : i32
      %dma_start3A_18 = tpu.memref_slice %arg2[%add3A_10, %dma_start3A_17] : memref<2048x2048xf32, #tpu.memory_space<hbm>> -> memref<32x2048xf32, #tpu.memory_space<hbm>>
      %dma_start3A_19 = arith.constant 0 : i32
      %dma_start3A_20 = tpu.memref_slice %arg2[%add3A_10, %dma_start3A_19] : memref<2048x2048xf32, #tpu.memory_space<hbm>> -> memref<32x2048xf32, #tpu.memory_space<hbm>>
      tpu.enqueue_dma source(%dma_start3A_20 : memref<32x2048xf32, #tpu.memory_space<hbm>>) target(%arg7 : memref<32x2048xf32, #tpu.memory_space<vmem>>) target_semaphore(%run_scoped3A : memref<!tpu.dma_semaphore, #tpu.memory_space<semaphore_mem>>)
      %dma_wait3A_21 = arith.constant 0 : i32
      %dma_wait3A_22 = tpu.memref_slice %arg2[%add3A_10, %dma_wait3A_21] : memref<2048x2048xf32, #tpu.memory_space<hbm>> -> memref<32x2048xf32, #tpu.memory_space<hbm>>
      %dma_wait3A_23 = arith.constant 0 : i32
      %dma_wait3A_24 = tpu.memref_slice %arg2[%add3A_10, %dma_wait3A_23] : memref<2048x2048xf32, #tpu.memory_space<hbm>> -> memref<32x2048xf32, #tpu.memory_space<hbm>>
      tpu.wait_dma2 semaphore(%run_scoped3A : memref<!tpu.dma_semaphore, #tpu.memory_space<semaphore_mem>>) src(%dma_wait3A_24 : memref<32x2048xf32, #tpu.memory_space<hbm>>) dst(%arg7 : memref<32x2048xf32, #tpu.memory_space<vmem>>)
      tpu.yield
    }) : () -> ()
    %dma_start3A_11 = arith.constant 0 : i32
    %dma_start3A_12 = arith.constant 0 : i32
    %dma_start3A_13 = tpu.memref_slice %arg4[%dma_start3A_11, %dma_start3A_12] : memref<16384x2048xf32, #tpu.memory_space<hbm>> -> memref<16384x2048xf32, #tpu.memory_space<hbm>>
    tpu.enqueue_indirect_dma source(%arg7 : memref<32x2048xf32, #tpu.memory_space<vmem>>) target(%dma_start3A_13 : memref<16384x2048xf32, #tpu.memory_space<hbm>>) offsets(%arg6 : memref<32xi32, #tpu.memory_space<vmem>>) semaphore(%arg8 : memref<!tpu.dma_semaphore, #tpu.memory_space<semaphore_mem>>)
    %dma_wait3A_14 = arith.constant 0 : i32
    %dma_wait3A_15 = arith.constant 0 : i32
    %dma_wait3A_16 = tpu.memref_slice %arg4[%dma_wait3A_14, %dma_wait3A_15] : memref<16384x2048xf32, #tpu.memory_space<hbm>> -> memref<16384x2048xf32, #tpu.memory_space<hbm>>
    tpu.wait_indirect_dma semaphore(%arg8 : memref<!tpu.dma_semaphore, #tpu.memory_space<semaphore_mem>>) src(%arg7 : memref<32x2048xf32, #tpu.memory_space<vmem>>) dst(%dma_wait3A_16 : memref<16384x2048xf32, #tpu.memory_space<hbm>>)
    return
  }
}

module attributes {stable_mosaic.version = 14 : i64} {
  func.func @_scores_body(%arg0: i32, %arg1: memref<512x2048xf32, #tpu.memory_space<vmem>>, %arg2: memref<2048x512xf32, #tpu.memory_space<vmem>>, %arg3: memref<512xf32, #tpu.memory_space<vmem>>, %arg4: memref<512x1xf32, #tpu.memory_space<vmem>>, %arg5: memref<1xf32, #tpu.memory_space<vmem>>, %arg6: memref<1x512xf32, #tpu.memory_space<vmem>>) attributes {dimension_semantics = [#tpu.dimension_semantics<arbitrary>], iteration_bounds = array<i64: 32>, scalar_prefetch = 0 : i64, scratch_operands = 0 : i64, tpu.core_type = #tpu.core_type<tc>, window_params = [{transform_indices = @transform_0, window_bounds = array<i64: 512, 2048>}, {pipeline_mode = #tpu.pipeline_mode<synchronous>, transform_indices = @transform_1, window_bounds = array<i64: 2048, 512>}, {pipeline_mode = #tpu.pipeline_mode<synchronous>, transform_indices = @transform_2, window_bounds = array<i64: 512>}, {pipeline_mode = #tpu.pipeline_mode<synchronous>, transform_indices = @transform_3, window_bounds = array<i64: 512, 1>}, {pipeline_mode = #tpu.pipeline_mode<synchronous>, transform_indices = @transform_4, window_bounds = array<i64: 1>}, {transform_indices = @transform_5, window_bounds = array<i64: 1, 512>}]} {
    %get3A = arith.constant 0 : index
    %get3A_0 = arith.constant 0 : index
    %get3A_1 = vector.load %arg1[%get3A, %get3A_0] : memref<512x2048xf32, #tpu.memory_space<vmem>>, vector<512x2048xf32>
    %get3A_2 = arith.constant 0 : index
    %get3A_3 = arith.constant 0 : index
    %get3A_4 = vector.load %arg2[%get3A_2, %get3A_3] : memref<2048x512xf32, #tpu.memory_space<vmem>>, vector<2048x512xf32>
    %dot_general3A = arith.constant dense<0.000000e+00> : vector<512x512xf32>
    %dot_general3A_5 = tpu.matmul %get3A_4, %get3A_1, %dot_general3A {dimension_numbers = #tpu.dot_dimension_numbers<[0], [1], [1], [0], [0, 1, 1, 0], [], []>, transpose_lhs_hint = false} : vector<2048x512xf32>, vector<512x2048xf32>, vector<512x512xf32> -> vector<512x512xf32>
    %get3A_6 = arith.constant 0 : index
    %get3A_7 = vector.load %arg3[%get3A_6] : memref<512xf32, #tpu.memory_space<vmem>>, vector<512xf32>
    %reshape3A = vector.shape_cast %get3A_7 : vector<512xf32> to vector<512x1xf32>
    %add3A = vector.broadcast %reshape3A : vector<512x1xf32> to vector<512x512xf32>
    %add3A_8 = arith.addf %dot_general3A_5, %add3A : vector<512x512xf32>
    %max3A = arith.constant 0.000000e+00 : f32
    %max3A_9 = vector.broadcast %max3A : f32 to vector<512x512xf32>
    %max3A_10 = arith.maximumf %add3A_8, %max3A_9 : vector<512x512xf32>
    %get3A_11 = arith.constant 0 : index
    %get3A_12 = arith.constant 0 : index
    %get3A_13 = vector.load %arg4[%get3A_11, %get3A_12] : memref<512x1xf32, #tpu.memory_space<vmem>>, vector<512x1xf32>
    %dot_general3A_14 = arith.constant dense<0.000000e+00> : vector<1x512xf32>
    %dot_general3A_15 = tpu.matmul %get3A_13, %max3A_10, %dot_general3A_14 {dimension_numbers = #tpu.dot_dimension_numbers<[0], [0], [1], [1], [0, 1, 1, 1], [], []>, transpose_lhs_hint = false} : vector<512x1xf32>, vector<512x512xf32>, vector<1x512xf32> -> vector<1x512xf32>
    %get3A_16 = arith.constant 0 : index
    %get3A_17 = vector.load %arg5[%get3A_16] : memref<1xf32, #tpu.memory_space<vmem>>, vector<1xf32>
    %get3A_18 = vector.extract %get3A_17[0] : f32 from vector<1xf32>
    %add3A_19 = vector.broadcast %get3A_18 : f32 to vector<1x512xf32>
    %add3A_20 = arith.addf %dot_general3A_15, %add3A_19 : vector<1x512xf32>
    %swap3A = arith.constant 0 : index
    %swap3A_21 = arith.constant 0 : index
    %swap3A_22 = vector.load %arg6[%swap3A, %swap3A_21] : memref<1x512xf32, #tpu.memory_space<vmem>>, vector<1x512xf32>
    tpu.vector_store %arg6[%swap3A, %swap3A_21], %add3A_20 {strides = array<i32>} : memref<1x512xf32, #tpu.memory_space<vmem>>, vector<1x512xf32>,
    return
  }
  func.func @transform_0(%arg0: i32) -> (i32, i32) {
    %c0_i32 = arith.constant 0 : i32
    %c0_i32_0 = arith.constant 0 : i32
    return %arg0, %c0_i32 : i32, i32
  }
  func.func @transform_1(%arg0: i32) -> (i32, i32) {
    %c0_i32 = arith.constant 0 : i32
    %c0_i32_0 = arith.constant 0 : i32
    %c0_i32_1 = arith.constant 0 : i32
    return %c0_i32, %c0_i32_0 : i32, i32
  }
  func.func @transform_2(%arg0: i32) -> i32 {
    %c0_i32 = arith.constant 0 : i32
    %c0_i32_0 = arith.constant 0 : i32
    return %c0_i32 : i32
  }
  func.func @transform_3(%arg0: i32) -> (i32, i32) {
    %c0_i32 = arith.constant 0 : i32
    %c0_i32_0 = arith.constant 0 : i32
    %c0_i32_1 = arith.constant 0 : i32
    return %c0_i32, %c0_i32_0 : i32, i32
  }
  func.func @transform_4(%arg0: i32) -> i32 {
    %c0_i32 = arith.constant 0 : i32
    %c0_i32_0 = arith.constant 0 : i32
    return %c0_i32 : i32
  }
  func.func @transform_5(%arg0: i32) -> (i32, i32) {
    %c0_i32 = arith.constant 0 : i32
    %c0_i32_0 = arith.constant 0 : i32
    return %c0_i32, %arg0 : i32, i32
  }
}

module attributes {stable_mosaic.version = 14 : i64} {
  func.func @_route_body(%arg0: memref<4x4096xf32, #tpu.memory_space<vmem>>, %arg1: memref<4x4096xi32, #tpu.memory_space<vmem>>, %arg2: memref<2048x1xi32, #tpu.memory_space<vmem>>) attributes {dimension_semantics = [], scalar_prefetch = 0 : i64, scratch_operands = 0 : i64, tpu.core_type = #tpu.core_type<tc>} {
    %get3A = arith.constant 0 : index
    %get3A_0 = arith.constant 0 : index
    %get3A_1 = vector.load %arg0[%get3A, %get3A_0] : memref<4x4096xf32, #tpu.memory_space<vmem>>, vector<4x4096xf32>
    %bitcast_convert_type3A = tpu.bitcast %get3A_1 : vector<4x4096xf32> -> vector<4x4096xi32>
    %lt3A = arith.constant -2147483648 : i32
    %lt3A_2 = vector.broadcast %lt3A : i32 to vector<4x4096xi32>
    %lt3A_3 = arith.cmpi ult, %bitcast_convert_type3A, %lt3A_2 : vector<4x4096xi32>
    %or3A = arith.constant -2147483648 : i32
    %or3A_4 = vector.broadcast %or3A : i32 to vector<4x4096xi32>
    %or3A_5 = arith.ori %bitcast_convert_type3A, %or3A_4 : vector<4x4096xi32>
    %not3A = arith.constant dense<-1> : vector<4x4096xi32>
    %not3A_6 = arith.xori %bitcast_convert_type3A, %not3A : vector<4x4096xi32>
    %select_n3A = arith.select %lt3A_3, %or3A_5, %not3A_6 : vector<4x4096xi1>, vector<4x4096xi32>
    %broadcast_in_dim3A = arith.constant 0 : i32
    %broadcast_in_dim3A_7 = vector.broadcast %broadcast_in_dim3A : i32 to vector<4x1xi32>
    %or3A_8 = arith.constant -2147483648 : i32
    %or3A_9 = vector.broadcast %or3A_8 : i32 to vector<4x1xi32>
    %or3A_10 = arith.ori %broadcast_in_dim3A_7, %or3A_9 : vector<4x1xi32>
    %ge3A = vector.broadcast %or3A_10 : vector<4x1xi32> to vector<4x4096xi32>
    %ge3A_11 = arith.cmpi uge, %select_n3A, %ge3A : vector<4x4096xi32>
    %convert_element_type3A = arith.extui %ge3A_11 : vector<4x4096xi1> to vector<4x4096xi32>
    %convert_element_type3A_12 = arith.sitofp %convert_element_type3A : vector<4x4096xi32> to vector<4x4096xf32>
    %reduce_sum3A = arith.constant dense<0.000000e+00> : vector<4xf32>
    %reduce_sum3A_13 = vector.multi_reduction <add>, %convert_element_type3A_12, %reduce_sum3A [1] : vector<4x4096xf32> to vector<4xf32>
    %broadcast_in_dim3A_14 = vector.shape_cast %reduce_sum3A_13 : vector<4xf32> to vector<4x1xf32>
    %ge3A_15 = arith.constant 5.120000e+02 : f32
    %ge3A_16 = vector.broadcast %ge3A_15 : f32 to vector<4x1xf32>
    %ge3A_17 = arith.cmpf oge, %broadcast_in_dim3A_14, %ge3A_16 : vector<4x1xf32>
    %select_n3A_18 = arith.select %ge3A_17, %or3A_10, %broadcast_in_dim3A_7 : vector<4x1xi1>, vector<4x1xi32>
    %or3A_19 = arith.constant 1073741824 : i32
    %or3A_20 = vector.broadcast %or3A_19 : i32 to vector<4x1xi32>
    %or3A_21 = arith.ori %select_n3A_18, %or3A_20 : vector<4x1xi32>
    %ge3A_22 = vector.broadcast %or3A_21 : vector<4x1xi32> to vector<4x4096xi32>
    %ge3A_23 = arith.cmpi uge, %select_n3A, %ge3A_22 : vector<4x4096xi32>
    %convert_element_type3A_24 = arith.extui %ge3A_23 : vector<4x4096xi1> to vector<4x4096xi32>
    %convert_element_type3A_25 = arith.sitofp %convert_element_type3A_24 : vector<4x4096xi32> to vector<4x4096xf32>
    %reduce_sum3A_26 = arith.constant dense<0.000000e+00> : vector<4xf32>
    %reduce_sum3A_27 = vector.multi_reduction <add>, %convert_element_type3A_25, %reduce_sum3A_26 [1] : vector<4x4096xf32> to vector<4xf32>
    %broadcast_in_dim3A_28 = vector.shape_cast %reduce_sum3A_27 : vector<4xf32> to vector<4x1xf32>
    %ge3A_29 = arith.constant 5.120000e+02 : f32
    %ge3A_30 = vector.broadcast %ge3A_29 : f32 to vector<4x1xf32>
    %ge3A_31 = arith.cmpf oge, %broadcast_in_dim3A_28, %ge3A_30 : vector<4x1xf32>
    %select_n3A_32 = arith.select %ge3A_31, %or3A_21, %select_n3A_18 : vector<4x1xi1>, vector<4x1xi32>
    %or3A_33 = arith.constant 536870912 : i32
    %or3A_34 = vector.broadcast %or3A_33 : i32 to vector<4x1xi32>
    %or3A_35 = arith.ori %select_n3A_32, %or3A_34 : vector<4x1xi32>
    %ge3A_36 = vector.broadcast %or3A_35 : vector<4x1xi32> to vector<4x4096xi32>
    %ge3A_37 = arith.cmpi uge, %select_n3A, %ge3A_36 : vector<4x4096xi32>
    %convert_element_type3A_38 = arith.extui %ge3A_37 : vector<4x4096xi1> to vector<4x4096xi32>
    %convert_element_type3A_39 = arith.sitofp %convert_element_type3A_38 : vector<4x4096xi32> to vector<4x4096xf32>
    %reduce_sum3A_40 = arith.constant dense<0.000000e+00> : vector<4xf32>
    %reduce_sum3A_41 = vector.multi_reduction <add>, %convert_element_type3A_39, %reduce_sum3A_40 [1] : vector<4x4096xf32> to vector<4xf32>
    %broadcast_in_dim3A_42 = vector.shape_cast %reduce_sum3A_41 : vector<4xf32> to vector<4x1xf32>
    %ge3A_43 = arith.constant 5.120000e+02 : f32
    %ge3A_44 = vector.broadcast %ge3A_43 : f32 to vector<4x1xf32>
    %ge3A_45 = arith.cmpf oge, %broadcast_in_dim3A_42, %ge3A_44 : vector<4x1xf32>
    %select_n3A_46 = arith.select %ge3A_45, %or3A_35, %select_n3A_32 : vector<4x1xi1>, vector<4x1xi32>
    %or3A_47 = arith.constant 268435456 : i32
    %or3A_48 = vector.broadcast %or3A_47 : i32 to vector<4x1xi32>
    %or3A_49 = arith.ori %select_n3A_46, %or3A_48 : vector<4x1xi32>
    %ge3A_50 = vector.broadcast %or3A_49 : vector<4x1xi32> to vector<4x4096xi32>
    %ge3A_51 = arith.cmpi uge, %select_n3A, %ge3A_50 : vector<4x4096xi32>
    %convert_element_type3A_52 = arith.extui %ge3A_51 : vector<4x4096xi1> to vector<4x4096xi32>
    %convert_element_type3A_53 = arith.sitofp %convert_element_type3A_52 : vector<4x4096xi32> to vector<4x4096xf32>
    %reduce_sum3A_54 = arith.constant dense<0.000000e+00> : vector<4xf32>
    %reduce_sum3A_55 = vector.multi_reduction <add>, %convert_element_type3A_53, %reduce_sum3A_54 [1] : vector<4x4096xf32> to vector<4xf32>
    %broadcast_in_dim3A_56 = vector.shape_cast %reduce_sum3A_55 : vector<4xf32> to vector<4x1xf32>
    %ge3A_57 = arith.constant 5.120000e+02 : f32
    %ge3A_58 = vector.broadcast %ge3A_57 : f32 to vector<4x1xf32>
    %ge3A_59 = arith.cmpf oge, %broadcast_in_dim3A_56, %ge3A_58 : vector<4x1xf32>
    %select_n3A_60 = arith.select %ge3A_59, %or3A_49, %select_n3A_46 : vector<4x1xi1>, vector<4x1xi32>
    %or3A_61 = arith.constant 134217728 : i32
    %or3A_62 = vector.broadcast %or3A_61 : i32 to vector<4x1xi32>
    %or3A_63 = arith.ori %select_n3A_60, %or3A_62 : vector<4x1xi32>
    %ge3A_64 = vector.broadcast %or3A_63 : vector<4x1xi32> to vector<4x4096xi32>
    %ge3A_65 = arith.cmpi uge, %select_n3A, %ge3A_64 : vector<4x4096xi32>
    %convert_element_type3A_66 = arith.extui %ge3A_65 : vector<4x4096xi1> to vector<4x4096xi32>
    %convert_element_type3A_67 = arith.sitofp %convert_element_type3A_66 : vector<4x4096xi32> to vector<4x4096xf32>
    %reduce_sum3A_68 = arith.constant dense<0.000000e+00> : vector<4xf32>
    %reduce_sum3A_69 = vector.multi_reduction <add>, %convert_element_type3A_67, %reduce_sum3A_68 [1] : vector<4x4096xf32> to vector<4xf32>
    %broadcast_in_dim3A_70 = vector.shape_cast %reduce_sum3A_69 : vector<4xf32> to vector<4x1xf32>
    %ge3A_71 = arith.constant 5.120000e+02 : f32
    %ge3A_72 = vector.broadcast %ge3A_71 : f32 to vector<4x1xf32>
    %ge3A_73 = arith.cmpf oge, %broadcast_in_dim3A_70, %ge3A_72 : vector<4x1xf32>
    %select_n3A_74 = arith.select %ge3A_73, %or3A_63, %select_n3A_60 : vector<4x1xi1>, vector<4x1xi32>
    %or3A_75 = arith.constant 67108864 : i32
    %or3A_76 = vector.broadcast %or3A_75 : i32 to vector<4x1xi32>
    %or3A_77 = arith.ori %select_n3A_74, %or3A_76 : vector<4x1xi32>
    %ge3A_78 = vector.broadcast %or3A_77 : vector<4x1xi32> to vector<4x4096xi32>
    %ge3A_79 = arith.cmpi uge, %select_n3A, %ge3A_78 : vector<4x4096xi32>
    %convert_element_type3A_80 = arith.extui %ge3A_79 : vector<4x4096xi1> to vector<4x4096xi32>
    %convert_element_type3A_81 = arith.sitofp %convert_element_type3A_80 : vector<4x4096xi32> to vector<4x4096xf32>
    %reduce_sum3A_82 = arith.constant dense<0.000000e+00> : vector<4xf32>
    %reduce_sum3A_83 = vector.multi_reduction <add>, %convert_element_type3A_81, %reduce_sum3A_82 [1] : vector<4x4096xf32> to vector<4xf32>
    %broadcast_in_dim3A_84 = vector.shape_cast %reduce_sum3A_83 : vector<4xf32> to vector<4x1xf32>
    %ge3A_85 = arith.constant 5.120000e+02 : f32
    %ge3A_86 = vector.broadcast %ge3A_85 : f32 to vector<4x1xf32>
    %ge3A_87 = arith.cmpf oge, %broadcast_in_dim3A_84, %ge3A_86 : vector<4x1xf32>
    %select_n3A_88 = arith.select %ge3A_87, %or3A_77, %select_n3A_74 : vector<4x1xi1>, vector<4x1xi32>
    %or3A_89 = arith.constant 33554432 : i32
    %or3A_90 = vector.broadcast %or3A_89 : i32 to vector<4x1xi32>
    %or3A_91 = arith.ori %select_n3A_88, %or3A_90 : vector<4x1xi32>
    %ge3A_92 = vector.broadcast %or3A_91 : vector<4x1xi32> to vector<4x4096xi32>
    %ge3A_93 = arith.cmpi uge, %select_n3A, %ge3A_92 : vector<4x4096xi32>
    %convert_element_type3A_94 = arith.extui %ge3A_93 : vector<4x4096xi1> to vector<4x4096xi32>
    %convert_element_type3A_95 = arith.sitofp %convert_element_type3A_94 : vector<4x4096xi32> to vector<4x4096xf32>
    %reduce_sum3A_96 = arith.constant dense<0.000000e+00> : vector<4xf32>
    %reduce_sum3A_97 = vector.multi_reduction <add>, %convert_element_type3A_95, %reduce_sum3A_96 [1] : vector<4x4096xf32> to vector<4xf32>
    %broadcast_in_dim3A_98 = vector.shape_cast %reduce_sum3A_97 : vector<4xf32> to vector<4x1xf32>
    %ge3A_99 = arith.constant 5.120000e+02 : f32
    %ge3A_100 = vector.broadcast %ge3A_99 : f32 to vector<4x1xf32>
    %ge3A_101 = arith.cmpf oge, %broadcast_in_dim3A_98, %ge3A_100 : vector<4x1xf32>
    %select_n3A_102 = arith.select %ge3A_101, %or3A_91, %select_n3A_88 : vector<4x1xi1>, vector<4x1xi32>
    %or3A_103 = arith.constant 16777216 : i32
    %or3A_104 = vector.broadcast %or3A_103 : i32 to vector<4x1xi32>
    %or3A_105 = arith.ori %select_n3A_102, %or3A_104 : vector<4x1xi32>
    %ge3A_106 = vector.broadcast %or3A_105 : vector<4x1xi32> to vector<4x4096xi32>
    %ge3A_107 = arith.cmpi uge, %select_n3A, %ge3A_106 : vector<4x4096xi32>
    %convert_element_type3A_108 = arith.extui %ge3A_107 : vector<4x4096xi1> to vector<4x4096xi32>
    %convert_element_type3A_109 = arith.sitofp %convert_element_type3A_108 : vector<4x4096xi32> to vector<4x4096xf32>
    %reduce_sum3A_110 = arith.constant dense<0.000000e+00> : vector<4xf32>
    %reduce_sum3A_111 = vector.multi_reduction <add>, %convert_element_type3A_109, %reduce_sum3A_110 [1] : vector<4x4096xf32> to vector<4xf32>
    %broadcast_in_dim3A_112 = vector.shape_cast %reduce_sum3A_111 : vector<4xf32> to vector<4x1xf32>
    %ge3A_113 = arith.constant 5.120000e+02 : f32
    %ge3A_114 = vector.broadcast %ge3A_113 : f32 to vector<4x1xf32>
    %ge3A_115 = arith.cmpf oge, %broadcast_in_dim3A_112, %ge3A_114 : vector<4x1xf32>
    %select_n3A_116 = arith.select %ge3A_115, %or3A_105, %select_n3A_102 : vector<4x1xi1>, vector<4x1xi32>
    %or3A_117 = arith.constant 8388608 : i32
    %or3A_118 = vector.broadcast %or3A_117 : i32 to vector<4x1xi32>
    %or3A_119 = arith.ori %select_n3A_116, %or3A_118 : vector<4x1xi32>
    %ge3A_120 = vector.broadcast %or3A_119 : vector<4x1xi32> to vector<4x4096xi32>
    %ge3A_121 = arith.cmpi uge, %select_n3A, %ge3A_120 : vector<4x4096xi32>
    %convert_element_type3A_122 = arith.extui %ge3A_121 : vector<4x4096xi1> to vector<4x4096xi32>
    %convert_element_type3A_123 = arith.sitofp %convert_element_type3A_122 : vector<4x4096xi32> to vector<4x4096xf32>
    %reduce_sum3A_124 = arith.constant dense<0.000000e+00> : vector<4xf32>
    %reduce_sum3A_125 = vector.multi_reduction <add>, %convert_element_type3A_123, %reduce_sum3A_124 [1] : vector<4x4096xf32> to vector<4xf32>
    %broadcast_in_dim3A_126 = vector.shape_cast %reduce_sum3A_125 : vector<4xf32> to vector<4x1xf32>
    %ge3A_127 = arith.constant 5.120000e+02 : f32
    %ge3A_128 = vector.broadcast %ge3A_127 : f32 to vector<4x1xf32>
    %ge3A_129 = arith.cmpf oge, %broadcast_in_dim3A_126, %ge3A_128 : vector<4x1xf32>
    %select_n3A_130 = arith.select %ge3A_129, %or3A_119, %select_n3A_116 : vector<4x1xi1>, vector<4x1xi32>
    %or3A_131 = arith.constant 4194304 : i32
    %or3A_132 = vector.broadcast %or3A_131 : i32 to vector<4x1xi32>
    %or3A_133 = arith.ori %select_n3A_130, %or3A_132 : vector<4x1xi32>
    %ge3A_134 = vector.broadcast %or3A_133 : vector<4x1xi32> to vector<4x4096xi32>
    %ge3A_135 = arith.cmpi uge, %select_n3A, %ge3A_134 : vector<4x4096xi32>
    %convert_element_type3A_136 = arith.extui %ge3A_135 : vector<4x4096xi1> to vector<4x4096xi32>
    %convert_element_type3A_137 = arith.sitofp %convert_element_type3A_136 : vector<4x4096xi32> to vector<4x4096xf32>
    %reduce_sum3A_138 = arith.constant dense<0.000000e+00> : vector<4xf32>
    %reduce_sum3A_139 = vector.multi_reduction <add>, %convert_element_type3A_137, %reduce_sum3A_138 [1] : vector<4x4096xf32> to vector<4xf32>
    %broadcast_in_dim3A_140 = vector.shape_cast %reduce_sum3A_139 : vector<4xf32> to vector<4x1xf32>
    %ge3A_141 = arith.constant 5.120000e+02 : f32
    %ge3A_142 = vector.broadcast %ge3A_141 : f32 to vector<4x1xf32>
    %ge3A_143 = arith.cmpf oge, %broadcast_in_dim3A_140, %ge3A_142 : vector<4x1xf32>
    %select_n3A_144 = arith.select %ge3A_143, %or3A_133, %select_n3A_130 : vector<4x1xi1>, vector<4x1xi32>
    %or3A_145 = arith.constant 2097152 : i32
    %or3A_146 = vector.broadcast %or3A_145 : i32 to vector<4x1xi32>
    %or3A_147 = arith.ori %select_n3A_144, %or3A_146 : vector<4x1xi32>
    %ge3A_148 = vector.broadcast %or3A_147 : vector<4x1xi32> to vector<4x4096xi32>
    %ge3A_149 = arith.cmpi uge, %select_n3A, %ge3A_148 : vector<4x4096xi32>
    %convert_element_type3A_150 = arith.extui %ge3A_149 : vector<4x4096xi1> to vector<4x4096xi32>
    %convert_element_type3A_151 = arith.sitofp %convert_element_type3A_150 : vector<4x4096xi32> to vector<4x4096xf32>
    %reduce_sum3A_152 = arith.constant dense<0.000000e+00> : vector<4xf32>
    %reduce_sum3A_153 = vector.multi_reduction <add>, %convert_element_type3A_151, %reduce_sum3A_152 [1] : vector<4x4096xf32> to vector<4xf32>
    %broadcast_in_dim3A_154 = vector.shape_cast %reduce_sum3A_153 : vector<4xf32> to vector<4x1xf32>
    %ge3A_155 = arith.constant 5.120000e+02 : f32
    %ge3A_156 = vector.broadcast %ge3A_155 : f32 to vector<4x1xf32>
    %ge3A_157 = arith.cmpf oge, %broadcast_in_dim3A_154, %ge3A_156 : vector<4x1xf32>
    %select_n3A_158 = arith.select %ge3A_157, %or3A_147, %select_n3A_144 : vector<4x1xi1>, vector<4x1xi32>
    %or3A_159 = arith.constant 1048576 : i32
    %or3A_160 = vector.broadcast %or3A_159 : i32 to vector<4x1xi32>
    %or3A_161 = arith.ori %select_n3A_158, %or3A_160 : vector<4x1xi32>
    %ge3A_162 = vector.broadcast %or3A_161 : vector<4x1xi32> to vector<4x4096xi32>
    %ge3A_163 = arith.cmpi uge, %select_n3A, %ge3A_162 : vector<4x4096xi32>
    %convert_element_type3A_164 = arith.extui %ge3A_163 : vector<4x4096xi1> to vector<4x4096xi32>
    %convert_element_type3A_165 = arith.sitofp %convert_element_type3A_164 : vector<4x4096xi32> to vector<4x4096xf32>
    %reduce_sum3A_166 = arith.constant dense<0.000000e+00> : vector<4xf32>
    %reduce_sum3A_167 = vector.multi_reduction <add>, %convert_element_type3A_165, %reduce_sum3A_166 [1] : vector<4x4096xf32> to vector<4xf32>
    %broadcast_in_dim3A_168 = vector.shape_cast %reduce_sum3A_167 : vector<4xf32> to vector<4x1xf32>
    %ge3A_169 = arith.constant 5.120000e+02 : f32
    %ge3A_170 = vector.broadcast %ge3A_169 : f32 to vector<4x1xf32>
    %ge3A_171 = arith.cmpf oge, %broadcast_in_dim3A_168, %ge3A_170 : vector<4x1xf32>
    %select_n3A_172 = arith.select %ge3A_171, %or3A_161, %select_n3A_158 : vector<4x1xi1>, vector<4x1xi32>
    %or3A_173 = arith.constant 524288 : i32
    %or3A_174 = vector.broadcast %or3A_173 : i32 to vector<4x1xi32>
    %or3A_175 = arith.ori %select_n3A_172, %or3A_174 : vector<4x1xi32>
    %ge3A_176 = vector.broadcast %or3A_175 : vector<4x1xi32> to vector<4x4096xi32>
    %ge3A_177 = arith.cmpi uge, %select_n3A, %ge3A_176 : vector<4x4096xi32>
    %convert_element_type3A_178 = arith.extui %ge3A_177 : vector<4x4096xi1> to vector<4x4096xi32>
    %convert_element_type3A_179 = arith.sitofp %convert_element_type3A_178 : vector<4x4096xi32> to vector<4x4096xf32>
    %reduce_sum3A_180 = arith.constant dense<0.000000e+00> : vector<4xf32>
    %reduce_sum3A_181 = vector.multi_reduction <add>, %convert_element_type3A_179, %reduce_sum3A_180 [1] : vector<4x4096xf32> to vector<4xf32>
    %broadcast_in_dim3A_182 = vector.shape_cast %reduce_sum3A_181 : vector<4xf32> to vector<4x1xf32>
    %ge3A_183 = arith.constant 5.120000e+02 : f32
    %ge3A_184 = vector.broadcast %ge3A_183 : f32 to vector<4x1xf32>
    %ge3A_185 = arith.cmpf oge, %broadcast_in_dim3A_182, %ge3A_184 : vector<4x1xf32>
    %select_n3A_186 = arith.select %ge3A_185, %or3A_175, %select_n3A_172 : vector<4x1xi1>, vector<4x1xi32>
    %or3A_187 = arith.constant 262144 : i32
    %or3A_188 = vector.broadcast %or3A_187 : i32 to vector<4x1xi32>
    %or3A_189 = arith.ori %select_n3A_186, %or3A_188 : vector<4x1xi32>
    %ge3A_190 = vector.broadcast %or3A_189 : vector<4x1xi32> to vector<4x4096xi32>
    %ge3A_191 = arith.cmpi uge, %select_n3A, %ge3A_190 : vector<4x4096xi32>
    %convert_element_type3A_192 = arith.extui %ge3A_191 : vector<4x4096xi1> to vector<4x4096xi32>
    %convert_element_type3A_193 = arith.sitofp %convert_element_type3A_192 : vector<4x4096xi32> to vector<4x4096xf32>
    %reduce_sum3A_194 = arith.constant dense<0.000000e+00> : vector<4xf32>
    %reduce_sum3A_195 = vector.multi_reduction <add>, %convert_element_type3A_193, %reduce_sum3A_194 [1] : vector<4x4096xf32> to vector<4xf32>
    %broadcast_in_dim3A_196 = vector.shape_cast %reduce_sum3A_195 : vector<4xf32> to vector<4x1xf32>
    %ge3A_197 = arith.constant 5.120000e+02 : f32
    %ge3A_198 = vector.broadcast %ge3A_197 : f32 to vector<4x1xf32>
    %ge3A_199 = arith.cmpf oge, %broadcast_in_dim3A_196, %ge3A_198 : vector<4x1xf32>
    %select_n3A_200 = arith.select %ge3A_199, %or3A_189, %select_n3A_186 : vector<4x1xi1>, vector<4x1xi32>
    %or3A_201 = arith.constant 131072 : i32
    %or3A_202 = vector.broadcast %or3A_201 : i32 to vector<4x1xi32>
    %or3A_203 = arith.ori %select_n3A_200, %or3A_202 : vector<4x1xi32>
    %ge3A_204 = vector.broadcast %or3A_203 : vector<4x1xi32> to vector<4x4096xi32>
    %ge3A_205 = arith.cmpi uge, %select_n3A, %ge3A_204 : vector<4x4096xi32>
    %convert_element_type3A_206 = arith.extui %ge3A_205 : vector<4x4096xi1> to vector<4x4096xi32>
    %convert_element_type3A_207 = arith.sitofp %convert_element_type3A_206 : vector<4x4096xi32> to vector<4x4096xf32>
    %reduce_sum3A_208 = arith.constant dense<0.000000e+00> : vector<4xf32>
    %reduce_sum3A_209 = vector.multi_reduction <add>, %convert_element_type3A_207, %reduce_sum3A_208 [1] : vector<4x4096xf32> to vector<4xf32>
    %broadcast_in_dim3A_210 = vector.shape_cast %reduce_sum3A_209 : vector<4xf32> to vector<4x1xf32>
    %ge3A_211 = arith.constant 5.120000e+02 : f32
    %ge3A_212 = vector.broadcast %ge3A_211 : f32 to vector<4x1xf32>
    %ge3A_213 = arith.cmpf oge, %broadcast_in_dim3A_210, %ge3A_212 : vector<4x1xf32>
    %select_n3A_214 = arith.select %ge3A_213, %or3A_203, %select_n3A_200 : vector<4x1xi1>, vector<4x1xi32>
    %or3A_215 = arith.constant 65536 : i32
    %or3A_216 = vector.broadcast %or3A_215 : i32 to vector<4x1xi32>
    %or3A_217 = arith.ori %select_n3A_214, %or3A_216 : vector<4x1xi32>
    %ge3A_218 = vector.broadcast %or3A_217 : vector<4x1xi32> to vector<4x4096xi32>
    %ge3A_219 = arith.cmpi uge, %select_n3A, %ge3A_218 : vector<4x4096xi32>
    %convert_element_type3A_220 = arith.extui %ge3A_219 : vector<4x4096xi1> to vector<4x4096xi32>
    %convert_element_type3A_221 = arith.sitofp %convert_element_type3A_220 : vector<4x4096xi32> to vector<4x4096xf32>
    %reduce_sum3A_222 = arith.constant dense<0.000000e+00> : vector<4xf32>
    %reduce_sum3A_223 = vector.multi_reduction <add>, %convert_element_type3A_221, %reduce_sum3A_222 [1] : vector<4x4096xf32> to vector<4xf32>
    %broadcast_in_dim3A_224 = vector.shape_cast %reduce_sum3A_223 : vector<4xf32> to vector<4x1xf32>
    %ge3A_225 = arith.constant 5.120000e+02 : f32
    %ge3A_226 = vector.broadcast %ge3A_225 : f32 to vector<4x1xf32>
    %ge3A_227 = arith.cmpf oge, %broadcast_in_dim3A_224, %ge3A_226 : vector<4x1xf32>
    %select_n3A_228 = arith.select %ge3A_227, %or3A_217, %select_n3A_214 : vector<4x1xi1>, vector<4x1xi32>
    %or3A_229 = arith.constant 32768 : i32
    %or3A_230 = vector.broadcast %or3A_229 : i32 to vector<4x1xi32>
    %or3A_231 = arith.ori %select_n3A_228, %or3A_230 : vector<4x1xi32>
    %ge3A_232 = vector.broadcast %or3A_231 : vector<4x1xi32> to vector<4x4096xi32>
    %ge3A_233 = arith.cmpi uge, %select_n3A, %ge3A_232 : vector<4x4096xi32>
    %convert_element_type3A_234 = arith.extui %ge3A_233 : vector<4x4096xi1> to vector<4x4096xi32>
    %convert_element_type3A_235 = arith.sitofp %convert_element_type3A_234 : vector<4x4096xi32> to vector<4x4096xf32>
    %reduce_sum3A_236 = arith.constant dense<0.000000e+00> : vector<4xf32>
    %reduce_sum3A_237 = vector.multi_reduction <add>, %convert_element_type3A_235, %reduce_sum3A_236 [1] : vector<4x4096xf32> to vector<4xf32>
    %broadcast_in_dim3A_238 = vector.shape_cast %reduce_sum3A_237 : vector<4xf32> to vector<4x1xf32>
    %ge3A_239 = arith.constant 5.120000e+02 : f32
    %ge3A_240 = vector.broadcast %ge3A_239 : f32 to vector<4x1xf32>
    %ge3A_241 = arith.cmpf oge, %broadcast_in_dim3A_238, %ge3A_240 : vector<4x1xf32>
    %select_n3A_242 = arith.select %ge3A_241, %or3A_231, %select_n3A_228 : vector<4x1xi1>, vector<4x1xi32>
    %or3A_243 = arith.constant 16384 : i32
    %or3A_244 = vector.broadcast %or3A_243 : i32 to vector<4x1xi32>
    %or3A_245 = arith.ori %select_n3A_242, %or3A_244 : vector<4x1xi32>
    %ge3A_246 = vector.broadcast %or3A_245 : vector<4x1xi32> to vector<4x4096xi32>
    %ge3A_247 = arith.cmpi uge, %select_n3A, %ge3A_246 : vector<4x4096xi32>
    %convert_element_type3A_248 = arith.extui %ge3A_247 : vector<4x4096xi1> to vector<4x4096xi32>
    %convert_element_type3A_249 = arith.sitofp %convert_element_type3A_248 : vector<4x4096xi32> to vector<4x4096xf32>
    %reduce_sum3A_250 = arith.constant dense<0.000000e+00> : vector<4xf32>
    %reduce_sum3A_251 = vector.multi_reduction <add>, %convert_element_type3A_249, %reduce_sum3A_250 [1] : vector<4x4096xf32> to vector<4xf32>
    %broadcast_in_dim3A_252 = vector.shape_cast %reduce_sum3A_251 : vector<4xf32> to vector<4x1xf32>
    %ge3A_253 = arith.constant 5.120000e+02 : f32
    %ge3A_254 = vector.broadcast %ge3A_253 : f32 to vector<4x1xf32>
    %ge3A_255 = arith.cmpf oge, %broadcast_in_dim3A_252, %ge3A_254 : vector<4x1xf32>
    %select_n3A_256 = arith.select %ge3A_255, %or3A_245, %select_n3A_242 : vector<4x1xi1>, vector<4x1xi32>
    %or3A_257 = arith.constant 8192 : i32
    %or3A_258 = vector.broadcast %or3A_257 : i32 to vector<4x1xi32>
    %or3A_259 = arith.ori %select_n3A_256, %or3A_258 : vector<4x1xi32>
    %ge3A_260 = vector.broadcast %or3A_259 : vector<4x1xi32> to vector<4x4096xi32>
    %ge3A_261 = arith.cmpi uge, %select_n3A, %ge3A_260 : vector<4x4096xi32>
    %convert_element_type3A_262 = arith.extui %ge3A_261 : vector<4x4096xi1> to vector<4x4096xi32>
    %convert_element_type3A_263 = arith.sitofp %convert_element_type3A_262 : vector<4x4096xi32> to vector<4x4096xf32>
    %reduce_sum3A_264 = arith.constant dense<0.000000e+00> : vector<4xf32>
    %reduce_sum3A_265 = vector.multi_reduction <add>, %convert_element_type3A_263, %reduce_sum3A_264 [1] : vector<4x4096xf32> to vector<4xf32>
    %broadcast_in_dim3A_266 = vector.shape_cast %reduce_sum3A_265 : vector<4xf32> to vector<4x1xf32>
    %ge3A_267 = arith.constant 5.120000e+02 : f32
    %ge3A_268 = vector.broadcast %ge3A_267 : f32 to vector<4x1xf32>
    %ge3A_269 = arith.cmpf oge, %broadcast_in_dim3A_266, %ge3A_268 : vector<4x1xf32>
    %select_n3A_270 = arith.select %ge3A_269, %or3A_259, %select_n3A_256 : vector<4x1xi1>, vector<4x1xi32>
    %or3A_271 = arith.constant 4096 : i32
    %or3A_272 = vector.broadcast %or3A_271 : i32 to vector<4x1xi32>
    %or3A_273 = arith.ori %select_n3A_270, %or3A_272 : vector<4x1xi32>
    %ge3A_274 = vector.broadcast %or3A_273 : vector<4x1xi32> to vector<4x4096xi32>
    %ge3A_275 = arith.cmpi uge, %select_n3A, %ge3A_274 : vector<4x4096xi32>
    %convert_element_type3A_276 = arith.extui %ge3A_275 : vector<4x4096xi1> to vector<4x4096xi32>
    %convert_element_type3A_277 = arith.sitofp %convert_element_type3A_276 : vector<4x4096xi32> to vector<4x4096xf32>
    %reduce_sum3A_278 = arith.constant dense<0.000000e+00> : vector<4xf32>
    %reduce_sum3A_279 = vector.multi_reduction <add>, %convert_element_type3A_277, %reduce_sum3A_278 [1] : vector<4x4096xf32> to vector<4xf32>
    %broadcast_in_dim3A_280 = vector.shape_cast %reduce_sum3A_279 : vector<4xf32> to vector<4x1xf32>
    %ge3A_281 = arith.constant 5.120000e+02 : f32
    %ge3A_282 = vector.broadcast %ge3A_281 : f32 to vector<4x1xf32>
    %ge3A_283 = arith.cmpf oge, %broadcast_in_dim3A_280, %ge3A_282 : vector<4x1xf32>
    %select_n3A_284 = arith.select %ge3A_283, %or3A_273, %select_n3A_270 : vector<4x1xi1>, vector<4x1xi32>
    %or3A_285 = arith.constant 2048 : i32
    %or3A_286 = vector.broadcast %or3A_285 : i32 to vector<4x1xi32>
    %or3A_287 = arith.ori %select_n3A_284, %or3A_286 : vector<4x1xi32>
    %ge3A_288 = vector.broadcast %or3A_287 : vector<4x1xi32> to vector<4x4096xi32>
    %ge3A_289 = arith.cmpi uge, %select_n3A, %ge3A_288 : vector<4x4096xi32>
    %convert_element_type3A_290 = arith.extui %ge3A_289 : vector<4x4096xi1> to vector<4x4096xi32>
    %convert_element_type3A_291 = arith.sitofp %convert_element_type3A_290 : vector<4x4096xi32> to vector<4x4096xf32>
    %reduce_sum3A_292 = arith.constant dense<0.000000e+00> : vector<4xf32>
    %reduce_sum3A_293 = vector.multi_reduction <add>, %convert_element_type3A_291, %reduce_sum3A_292 [1] : vector<4x4096xf32> to vector<4xf32>
    %broadcast_in_dim3A_294 = vector.shape_cast %reduce_sum3A_293 : vector<4xf32> to vector<4x1xf32>
    %ge3A_295 = arith.constant 5.120000e+02 : f32
    %ge3A_296 = vector.broadcast %ge3A_295 : f32 to vector<4x1xf32>
    %ge3A_297 = arith.cmpf oge, %broadcast_in_dim3A_294, %ge3A_296 : vector<4x1xf32>
    %select_n3A_298 = arith.select %ge3A_297, %or3A_287, %select_n3A_284 : vector<4x1xi1>, vector<4x1xi32>
    %or3A_299 = arith.constant 1024 : i32
    %or3A_300 = vector.broadcast %or3A_299 : i32 to vector<4x1xi32>
    %or3A_301 = arith.ori %select_n3A_298, %or3A_300 : vector<4x1xi32>
    %ge3A_302 = vector.broadcast %or3A_301 : vector<4x1xi32> to vector<4x4096xi32>
    %ge3A_303 = arith.cmpi uge, %select_n3A, %ge3A_302 : vector<4x4096xi32>
    %convert_element_type3A_304 = arith.extui %ge3A_303 : vector<4x4096xi1> to vector<4x4096xi32>
    %convert_element_type3A_305 = arith.sitofp %convert_element_type3A_304 : vector<4x4096xi32> to vector<4x4096xf32>
    %reduce_sum3A_306 = arith.constant dense<0.000000e+00> : vector<4xf32>
    %reduce_sum3A_307 = vector.multi_reduction <add>, %convert_element_type3A_305, %reduce_sum3A_306 [1] : vector<4x4096xf32> to vector<4xf32>
    %broadcast_in_dim3A_308 = vector.shape_cast %reduce_sum3A_307 : vector<4xf32> to vector<4x1xf32>
    %ge3A_309 = arith.constant 5.120000e+02 : f32
    %ge3A_310 = vector.broadcast %ge3A_309 : f32 to vector<4x1xf32>
    %ge3A_311 = arith.cmpf oge, %broadcast_in_dim3A_308, %ge3A_310 : vector<4x1xf32>
    %select_n3A_312 = arith.select %ge3A_311, %or3A_301, %select_n3A_298 : vector<4x1xi1>, vector<4x1xi32>
    %or3A_313 = arith.constant 512 : i32
    %or3A_314 = vector.broadcast %or3A_313 : i32 to vector<4x1xi32>
    %or3A_315 = arith.ori %select_n3A_312, %or3A_314 : vector<4x1xi32>
    %ge3A_316 = vector.broadcast %or3A_315 : vector<4x1xi32> to vector<4x4096xi32>
    %ge3A_317 = arith.cmpi uge, %select_n3A, %ge3A_316 : vector<4x4096xi32>
    %convert_element_type3A_318 = arith.extui %ge3A_317 : vector<4x4096xi1> to vector<4x4096xi32>
    %convert_element_type3A_319 = arith.sitofp %convert_element_type3A_318 : vector<4x4096xi32> to vector<4x4096xf32>
    %reduce_sum3A_320 = arith.constant dense<0.000000e+00> : vector<4xf32>
    %reduce_sum3A_321 = vector.multi_reduction <add>, %convert_element_type3A_319, %reduce_sum3A_320 [1] : vector<4x4096xf32> to vector<4xf32>
    %broadcast_in_dim3A_322 = vector.shape_cast %reduce_sum3A_321 : vector<4xf32> to vector<4x1xf32>
    %ge3A_323 = arith.constant 5.120000e+02 : f32
    %ge3A_324 = vector.broadcast %ge3A_323 : f32 to vector<4x1xf32>
    %ge3A_325 = arith.cmpf oge, %broadcast_in_dim3A_322, %ge3A_324 : vector<4x1xf32>
    %select_n3A_326 = arith.select %ge3A_325, %or3A_315, %select_n3A_312 : vector<4x1xi1>, vector<4x1xi32>
    %or3A_327 = arith.constant 256 : i32
    %or3A_328 = vector.broadcast %or3A_327 : i32 to vector<4x1xi32>
    %or3A_329 = arith.ori %select_n3A_326, %or3A_328 : vector<4x1xi32>
    %ge3A_330 = vector.broadcast %or3A_329 : vector<4x1xi32> to vector<4x4096xi32>
    %ge3A_331 = arith.cmpi uge, %select_n3A, %ge3A_330 : vector<4x4096xi32>
    %convert_element_type3A_332 = arith.extui %ge3A_331 : vector<4x4096xi1> to vector<4x4096xi32>
    %convert_element_type3A_333 = arith.sitofp %convert_element_type3A_332 : vector<4x4096xi32> to vector<4x4096xf32>
    %reduce_sum3A_334 = arith.constant dense<0.000000e+00> : vector<4xf32>
    %reduce_sum3A_335 = vector.multi_reduction <add>, %convert_element_type3A_333, %reduce_sum3A_334 [1] : vector<4x4096xf32> to vector<4xf32>
    %broadcast_in_dim3A_336 = vector.shape_cast %reduce_sum3A_335 : vector<4xf32> to vector<4x1xf32>
    %ge3A_337 = arith.constant 5.120000e+02 : f32
    %ge3A_338 = vector.broadcast %ge3A_337 : f32 to vector<4x1xf32>
    %ge3A_339 = arith.cmpf oge, %broadcast_in_dim3A_336, %ge3A_338 : vector<4x1xf32>
    %select_n3A_340 = arith.select %ge3A_339, %or3A_329, %select_n3A_326 : vector<4x1xi1>, vector<4x1xi32>
    %or3A_341 = arith.constant 128 : i32
    %or3A_342 = vector.broadcast %or3A_341 : i32 to vector<4x1xi32>
    %or3A_343 = arith.ori %select_n3A_340, %or3A_342 : vector<4x1xi32>
    %ge3A_344 = vector.broadcast %or3A_343 : vector<4x1xi32> to vector<4x4096xi32>
    %ge3A_345 = arith.cmpi uge, %select_n3A, %ge3A_344 : vector<4x4096xi32>
    %convert_element_type3A_346 = arith.extui %ge3A_345 : vector<4x4096xi1> to vector<4x4096xi32>
    %convert_element_type3A_347 = arith.sitofp %convert_element_type3A_346 : vector<4x4096xi32> to vector<4x4096xf32>
    %reduce_sum3A_348 = arith.constant dense<0.000000e+00> : vector<4xf32>
    %reduce_sum3A_349 = vector.multi_reduction <add>, %convert_element_type3A_347, %reduce_sum3A_348 [1] : vector<4x4096xf32> to vector<4xf32>
    %broadcast_in_dim3A_350 = vector.shape_cast %reduce_sum3A_349 : vector<4xf32> to vector<4x1xf32>
    %ge3A_351 = arith.constant 5.120000e+02 : f32
    %ge3A_352 = vector.broadcast %ge3A_351 : f32 to vector<4x1xf32>
    %ge3A_353 = arith.cmpf oge, %broadcast_in_dim3A_350, %ge3A_352 : vector<4x1xf32>
    %select_n3A_354 = arith.select %ge3A_353, %or3A_343, %select_n3A_340 : vector<4x1xi1>, vector<4x1xi32>
    %or3A_355 = arith.constant 64 : i32
    %or3A_356 = vector.broadcast %or3A_355 : i32 to vector<4x1xi32>
    %or3A_357 = arith.ori %select_n3A_354, %or3A_356 : vector<4x1xi32>
    %ge3A_358 = vector.broadcast %or3A_357 : vector<4x1xi32> to vector<4x4096xi32>
    %ge3A_359 = arith.cmpi uge, %select_n3A, %ge3A_358 : vector<4x4096xi32>
    %convert_element_type3A_360 = arith.extui %ge3A_359 : vector<4x4096xi1> to vector<4x4096xi32>
    %convert_element_type3A_361 = arith.sitofp %convert_element_type3A_360 : vector<4x4096xi32> to vector<4x4096xf32>
    %reduce_sum3A_362 = arith.constant dense<0.000000e+00> : vector<4xf32>
    %reduce_sum3A_363 = vector.multi_reduction <add>, %convert_element_type3A_361, %reduce_sum3A_362 [1] : vector<4x4096xf32> to vector<4xf32>
    %broadcast_in_dim3A_364 = vector.shape_cast %reduce_sum3A_363 : vector<4xf32> to vector<4x1xf32>
    %ge3A_365 = arith.constant 5.120000e+02 : f32
    %ge3A_366 = vector.broadcast %ge3A_365 : f32 to vector<4x1xf32>
    %ge3A_367 = arith.cmpf oge, %broadcast_in_dim3A_364, %ge3A_366 : vector<4x1xf32>
    %select_n3A_368 = arith.select %ge3A_367, %or3A_357, %select_n3A_354 : vector<4x1xi1>, vector<4x1xi32>
    %or3A_369 = arith.constant 32 : i32
    %or3A_370 = vector.broadcast %or3A_369 : i32 to vector<4x1xi32>
    %or3A_371 = arith.ori %select_n3A_368, %or3A_370 : vector<4x1xi32>
    %ge3A_372 = vector.broadcast %or3A_371 : vector<4x1xi32> to vector<4x4096xi32>
    %ge3A_373 = arith.cmpi uge, %select_n3A, %ge3A_372 : vector<4x4096xi32>
    %convert_element_type3A_374 = arith.extui %ge3A_373 : vector<4x4096xi1> to vector<4x4096xi32>
    %convert_element_type3A_375 = arith.sitofp %convert_element_type3A_374 : vector<4x4096xi32> to vector<4x4096xf32>
    %reduce_sum3A_376 = arith.constant dense<0.000000e+00> : vector<4xf32>
    %reduce_sum3A_377 = vector.multi_reduction <add>, %convert_element_type3A_375, %reduce_sum3A_376 [1] : vector<4x4096xf32> to vector<4xf32>
    %broadcast_in_dim3A_378 = vector.shape_cast %reduce_sum3A_377 : vector<4xf32> to vector<4x1xf32>
    %ge3A_379 = arith.constant 5.120000e+02 : f32
    %ge3A_380 = vector.broadcast %ge3A_379 : f32 to vector<4x1xf32>
    %ge3A_381 = arith.cmpf oge, %broadcast_in_dim3A_378, %ge3A_380 : vector<4x1xf32>
    %select_n3A_382 = arith.select %ge3A_381, %or3A_371, %select_n3A_368 : vector<4x1xi1>, vector<4x1xi32>
    %or3A_383 = arith.constant 16 : i32
    %or3A_384 = vector.broadcast %or3A_383 : i32 to vector<4x1xi32>
    %or3A_385 = arith.ori %select_n3A_382, %or3A_384 : vector<4x1xi32>
    %ge3A_386 = vector.broadcast %or3A_385 : vector<4x1xi32> to vector<4x4096xi32>
    %ge3A_387 = arith.cmpi uge, %select_n3A, %ge3A_386 : vector<4x4096xi32>
    %convert_element_type3A_388 = arith.extui %ge3A_387 : vector<4x4096xi1> to vector<4x4096xi32>
    %convert_element_type3A_389 = arith.sitofp %convert_element_type3A_388 : vector<4x4096xi32> to vector<4x4096xf32>
    %reduce_sum3A_390 = arith.constant dense<0.000000e+00> : vector<4xf32>
    %reduce_sum3A_391 = vector.multi_reduction <add>, %convert_element_type3A_389, %reduce_sum3A_390 [1] : vector<4x4096xf32> to vector<4xf32>
    %broadcast_in_dim3A_392 = vector.shape_cast %reduce_sum3A_391 : vector<4xf32> to vector<4x1xf32>
    %ge3A_393 = arith.constant 5.120000e+02 : f32
    %ge3A_394 = vector.broadcast %ge3A_393 : f32 to vector<4x1xf32>
    %ge3A_395 = arith.cmpf oge, %broadcast_in_dim3A_392, %ge3A_394 : vector<4x1xf32>
    %select_n3A_396 = arith.select %ge3A_395, %or3A_385, %select_n3A_382 : vector<4x1xi1>, vector<4x1xi32>
    %or3A_397 = arith.constant 8 : i32
    %or3A_398 = vector.broadcast %or3A_397 : i32 to vector<4x1xi32>
    %or3A_399 = arith.ori %select_n3A_396, %or3A_398 : vector<4x1xi32>
    %ge3A_400 = vector.broadcast %or3A_399 : vector<4x1xi32> to vector<4x4096xi32>
    %ge3A_401 = arith.cmpi uge, %select_n3A, %ge3A_400 : vector<4x4096xi32>
    %convert_element_type3A_402 = arith.extui %ge3A_401 : vector<4x4096xi1> to vector<4x4096xi32>
    %convert_element_type3A_403 = arith.sitofp %convert_element_type3A_402 : vector<4x4096xi32> to vector<4x4096xf32>
    %reduce_sum3A_404 = arith.constant dense<0.000000e+00> : vector<4xf32>
    %reduce_sum3A_405 = vector.multi_reduction <add>, %convert_element_type3A_403, %reduce_sum3A_404 [1] : vector<4x4096xf32> to vector<4xf32>
    %broadcast_in_dim3A_406 = vector.shape_cast %reduce_sum3A_405 : vector<4xf32> to vector<4x1xf32>
    %ge3A_407 = arith.constant 5.120000e+02 : f32
    %ge3A_408 = vector.broadcast %ge3A_407 : f32 to vector<4x1xf32>
    %ge3A_409 = arith.cmpf oge, %broadcast_in_dim3A_406, %ge3A_408 : vector<4x1xf32>
    %select_n3A_410 = arith.select %ge3A_409, %or3A_399, %select_n3A_396 : vector<4x1xi1>, vector<4x1xi32>
    %or3A_411 = arith.constant 4 : i32
    %or3A_412 = vector.broadcast %or3A_411 : i32 to vector<4x1xi32>
    %or3A_413 = arith.ori %select_n3A_410, %or3A_412 : vector<4x1xi32>
    %ge3A_414 = vector.broadcast %or3A_413 : vector<4x1xi32> to vector<4x4096xi32>
    %ge3A_415 = arith.cmpi uge, %select_n3A, %ge3A_414 : vector<4x4096xi32>
    %convert_element_type3A_416 = arith.extui %ge3A_415 : vector<4x4096xi1> to vector<4x4096xi32>
    %convert_element_type3A_417 = arith.sitofp %convert_element_type3A_416 : vector<4x4096xi32> to vector<4x4096xf32>
    %reduce_sum3A_418 = arith.constant dense<0.000000e+00> : vector<4xf32>
    %reduce_sum3A_419 = vector.multi_reduction <add>, %convert_element_type3A_417, %reduce_sum3A_418 [1] : vector<4x4096xf32> to vector<4xf32>
    %broadcast_in_dim3A_420 = vector.shape_cast %reduce_sum3A_419 : vector<4xf32> to vector<4x1xf32>
    %ge3A_421 = arith.constant 5.120000e+02 : f32
    %ge3A_422 = vector.broadcast %ge3A_421 : f32 to vector<4x1xf32>
    %ge3A_423 = arith.cmpf oge, %broadcast_in_dim3A_420, %ge3A_422 : vector<4x1xf32>
    %select_n3A_424 = arith.select %ge3A_423, %or3A_413, %select_n3A_410 : vector<4x1xi1>, vector<4x1xi32>
    %or3A_425 = arith.constant 2 : i32
    %or3A_426 = vector.broadcast %or3A_425 : i32 to vector<4x1xi32>
    %or3A_427 = arith.ori %select_n3A_424, %or3A_426 : vector<4x1xi32>
    %ge3A_428 = vector.broadcast %or3A_427 : vector<4x1xi32> to vector<4x4096xi32>
    %ge3A_429 = arith.cmpi uge, %select_n3A, %ge3A_428 : vector<4x4096xi32>
    %convert_element_type3A_430 = arith.extui %ge3A_429 : vector<4x4096xi1> to vector<4x4096xi32>
    %convert_element_type3A_431 = arith.sitofp %convert_element_type3A_430 : vector<4x4096xi32> to vector<4x4096xf32>
    %reduce_sum3A_432 = arith.constant dense<0.000000e+00> : vector<4xf32>
    %reduce_sum3A_433 = vector.multi_reduction <add>, %convert_element_type3A_431, %reduce_sum3A_432 [1] : vector<4x4096xf32> to vector<4xf32>
    %broadcast_in_dim3A_434 = vector.shape_cast %reduce_sum3A_433 : vector<4xf32> to vector<4x1xf32>
    %ge3A_435 = arith.constant 5.120000e+02 : f32
    %ge3A_436 = vector.broadcast %ge3A_435 : f32 to vector<4x1xf32>
    %ge3A_437 = arith.cmpf oge, %broadcast_in_dim3A_434, %ge3A_436 : vector<4x1xf32>
    %select_n3A_438 = arith.select %ge3A_437, %or3A_427, %select_n3A_424 : vector<4x1xi1>, vector<4x1xi32>
    %or3A_439 = arith.constant 1 : i32
    %or3A_440 = vector.broadcast %or3A_439 : i32 to vector<4x1xi32>
    %or3A_441 = arith.ori %select_n3A_438, %or3A_440 : vector<4x1xi32>
    %ge3A_442 = vector.broadcast %or3A_441 : vector<4x1xi32> to vector<4x4096xi32>
    %ge3A_443 = arith.cmpi uge, %select_n3A, %ge3A_442 : vector<4x4096xi32>
    %convert_element_type3A_444 = arith.extui %ge3A_443 : vector<4x4096xi1> to vector<4x4096xi32>
    %convert_element_type3A_445 = arith.sitofp %convert_element_type3A_444 : vector<4x4096xi32> to vector<4x4096xf32>
    %reduce_sum3A_446 = arith.constant dense<0.000000e+00> : vector<4xf32>
    %reduce_sum3A_447 = vector.multi_reduction <add>, %convert_element_type3A_445, %reduce_sum3A_446 [1] : vector<4x4096xf32> to vector<4xf32>
    %broadcast_in_dim3A_448 = vector.shape_cast %reduce_sum3A_447 : vector<4xf32> to vector<4x1xf32>
    %ge3A_449 = arith.constant 5.120000e+02 : f32
    %ge3A_450 = vector.broadcast %ge3A_449 : f32 to vector<4x1xf32>
    %ge3A_451 = arith.cmpf oge, %broadcast_in_dim3A_448, %ge3A_450 : vector<4x1xf32>
    %select_n3A_452 = arith.select %ge3A_451, %or3A_441, %select_n3A_438 : vector<4x1xi1>, vector<4x1xi32>
    %gt3A = vector.broadcast %select_n3A_452 : vector<4x1xi32> to vector<4x4096xi32>
    %gt3A_453 = arith.cmpi ugt, %select_n3A, %gt3A : vector<4x4096xi32>
    %eq3A = vector.broadcast %select_n3A_452 : vector<4x1xi32> to vector<4x4096xi32>
    %eq3A_454 = arith.cmpi eq, %select_n3A, %eq3A : vector<4x4096xi32>
    %convert_element_type3A_455 = arith.extui %gt3A_453 : vector<4x4096xi1> to vector<4x4096xi32>
    %convert_element_type3A_456 = arith.sitofp %convert_element_type3A_455 : vector<4x4096xi32> to vector<4x4096xf32>
    %reduce_sum3A_457 = arith.constant dense<0.000000e+00> : vector<4xf32>
    %reduce_sum3A_458 = vector.multi_reduction <add>, %convert_element_type3A_456, %reduce_sum3A_457 [1] : vector<4x4096xf32> to vector<4xf32>
    %broadcast_in_dim3A_459 = vector.shape_cast %reduce_sum3A_458 : vector<4xf32> to vector<4x1xf32>
    %sub3A = arith.constant 5.120000e+02 : f32
    %sub3A_460 = vector.broadcast %sub3A : f32 to vector<4x1xf32>
    %sub3A_461 = arith.subf %sub3A_460, %broadcast_in_dim3A_459 : vector<4x1xf32>
    %convert_element_type3A_462 = arith.extui %eq3A_454 : vector<4x4096xi1> to vector<4x4096xi32>
    %convert_element_type3A_463 = arith.sitofp %convert_element_type3A_462 : vector<4x4096xi32> to vector<4x4096xf32>
    %broadcast_in_dim3A_464 = arith.constant 0.000000e+00 : f32
    %broadcast_in_dim3A_465 = vector.broadcast %broadcast_in_dim3A_464 : f32 to vector<4x1xf32>
    %slice3A = vector.extract_strided_slice %convert_element_type3A_463 {offsets = [0, 0], sizes = [4, 4095], strides = [1, 1]} : vector<4x4096xf32> to vector<4x4095xf32>
    %concatenate3A = tpu.concatenate %broadcast_in_dim3A_465, %slice3A in 1 : vector<4x1xf32>, vector<4x4095xf32> -> vector<4x4096xf32>
    %add3A = arith.addf %convert_element_type3A_463, %concatenate3A : vector<4x4096xf32>
    %broadcast_in_dim3A_466 = arith.constant 0.000000e+00 : f32
    %broadcast_in_dim3A_467 = vector.broadcast %broadcast_in_dim3A_466 : f32 to vector<4x2xf32>
    %slice3A_468 = vector.extract_strided_slice %add3A {offsets = [0, 0], sizes = [4, 4094], strides = [1, 1]} : vector<4x4096xf32> to vector<4x4094xf32>
    %concatenate3A_469 = tpu.concatenate %broadcast_in_dim3A_467, %slice3A_468 in 1 : vector<4x2xf32>, vector<4x4094xf32> -> vector<4x4096xf32>
    %add3A_470 = arith.addf %add3A, %concatenate3A_469 : vector<4x4096xf32>
    %broadcast_in_dim3A_471 = arith.constant 0.000000e+00 : f32
    %broadcast_in_dim3A_472 = vector.broadcast %broadcast_in_dim3A_471 : f32 to vector<4x4xf32>
    %slice3A_473 = vector.extract_strided_slice %add3A_470 {offsets = [0, 0], sizes = [4, 4092], strides = [1, 1]} : vector<4x4096xf32> to vector<4x4092xf32>
    %concatenate3A_474 = tpu.concatenate %broadcast_in_dim3A_472, %slice3A_473 in 1 : vector<4x4xf32>, vector<4x4092xf32> -> vector<4x4096xf32>
    %add3A_475 = arith.addf %add3A_470, %concatenate3A_474 : vector<4x4096xf32>
    %broadcast_in_dim3A_476 = arith.constant 0.000000e+00 : f32
    %broadcast_in_dim3A_477 = vector.broadcast %broadcast_in_dim3A_476 : f32 to vector<4x8xf32>
    %slice3A_478 = vector.extract_strided_slice %add3A_475 {offsets = [0, 0], sizes = [4, 4088], strides = [1, 1]} : vector<4x4096xf32> to vector<4x4088xf32>
    %concatenate3A_479 = tpu.concatenate %broadcast_in_dim3A_477, %slice3A_478 in 1 : vector<4x8xf32>, vector<4x4088xf32> -> vector<4x4096xf32>
    %add3A_480 = arith.addf %add3A_475, %concatenate3A_479 : vector<4x4096xf32>
    %broadcast_in_dim3A_481 = arith.constant 0.000000e+00 : f32
    %broadcast_in_dim3A_482 = vector.broadcast %broadcast_in_dim3A_481 : f32 to vector<4x16xf32>
    %slice3A_483 = vector.extract_strided_slice %add3A_480 {offsets = [0, 0], sizes = [4, 4080], strides = [1, 1]} : vector<4x4096xf32> to vector<4x4080xf32>
    %concatenate3A_484 = tpu.concatenate %broadcast_in_dim3A_482, %slice3A_483 in 1 : vector<4x16xf32>, vector<4x4080xf32> -> vector<4x4096xf32>
    %add3A_485 = arith.addf %add3A_480, %concatenate3A_484 : vector<4x4096xf32>
    %broadcast_in_dim3A_486 = arith.constant 0.000000e+00 : f32
    %broadcast_in_dim3A_487 = vector.broadcast %broadcast_in_dim3A_486 : f32 to vector<4x32xf32>
    %slice3A_488 = vector.extract_strided_slice %add3A_485 {offsets = [0, 0], sizes = [4, 4064], strides = [1, 1]} : vector<4x4096xf32> to vector<4x4064xf32>
    %concatenate3A_489 = tpu.concatenate %broadcast_in_dim3A_487, %slice3A_488 in 1 : vector<4x32xf32>, vector<4x4064xf32> -> vector<4x4096xf32>
    %add3A_490 = arith.addf %add3A_485, %concatenate3A_489 : vector<4x4096xf32>
    %broadcast_in_dim3A_491 = arith.constant 0.000000e+00 : f32
    %broadcast_in_dim3A_492 = vector.broadcast %broadcast_in_dim3A_491 : f32 to vector<4x64xf32>
    %slice3A_493 = vector.extract_strided_slice %add3A_490 {offsets = [0, 0], sizes = [4, 4032], strides = [1, 1]} : vector<4x4096xf32> to vector<4x4032xf32>
    %concatenate3A_494 = tpu.concatenate %broadcast_in_dim3A_492, %slice3A_493 in 1 : vector<4x64xf32>, vector<4x4032xf32> -> vector<4x4096xf32>
    %add3A_495 = arith.addf %add3A_490, %concatenate3A_494 : vector<4x4096xf32>
    %broadcast_in_dim3A_496 = arith.constant 0.000000e+00 : f32
    %broadcast_in_dim3A_497 = vector.broadcast %broadcast_in_dim3A_496 : f32 to vector<4x128xf32>
    %slice3A_498 = vector.extract_strided_slice %add3A_495 {offsets = [0, 0], sizes = [4, 3968], strides = [1, 1]} : vector<4x4096xf32> to vector<4x3968xf32>
    %concatenate3A_499 = tpu.concatenate %broadcast_in_dim3A_497, %slice3A_498 in 1 : vector<4x128xf32>, vector<4x3968xf32> -> vector<4x4096xf32>
    %add3A_500 = arith.addf %add3A_495, %concatenate3A_499 : vector<4x4096xf32>
    %broadcast_in_dim3A_501 = arith.constant 0.000000e+00 : f32
    %broadcast_in_dim3A_502 = vector.broadcast %broadcast_in_dim3A_501 : f32 to vector<4x256xf32>
    %slice3A_503 = vector.extract_strided_slice %add3A_500 {offsets = [0, 0], sizes = [4, 3840], strides = [1, 1]} : vector<4x4096xf32> to vector<4x3840xf32>
    %concatenate3A_504 = tpu.concatenate %broadcast_in_dim3A_502, %slice3A_503 in 1 : vector<4x256xf32>, vector<4x3840xf32> -> vector<4x4096xf32>
    %add3A_505 = arith.addf %add3A_500, %concatenate3A_504 : vector<4x4096xf32>
    %broadcast_in_dim3A_506 = arith.constant 0.000000e+00 : f32
    %broadcast_in_dim3A_507 = vector.broadcast %broadcast_in_dim3A_506 : f32 to vector<4x512xf32>
    %slice3A_508 = vector.extract_strided_slice %add3A_505 {offsets = [0, 0], sizes = [4, 3584], strides = [1, 1]} : vector<4x4096xf32> to vector<4x3584xf32>
    %concatenate3A_509 = tpu.concatenate %broadcast_in_dim3A_507, %slice3A_508 in 1 : vector<4x512xf32>, vector<4x3584xf32> -> vector<4x4096xf32>
    %add3A_510 = arith.addf %add3A_505, %concatenate3A_509 : vector<4x4096xf32>
    %broadcast_in_dim3A_511 = arith.constant 0.000000e+00 : f32
    %broadcast_in_dim3A_512 = vector.broadcast %broadcast_in_dim3A_511 : f32 to vector<4x1024xf32>
    %slice3A_513 = vector.extract_strided_slice %add3A_510 {offsets = [0, 0], sizes = [4, 3072], strides = [1, 1]} : vector<4x4096xf32> to vector<4x3072xf32>
    %concatenate3A_514 = tpu.concatenate %broadcast_in_dim3A_512, %slice3A_513 in 1 : vector<4x1024xf32>, vector<4x3072xf32> -> vector<4x4096xf32>
    %add3A_515 = arith.addf %add3A_510, %concatenate3A_514 : vector<4x4096xf32>
    %broadcast_in_dim3A_516 = arith.constant 0.000000e+00 : f32
    %broadcast_in_dim3A_517 = vector.broadcast %broadcast_in_dim3A_516 : f32 to vector<4x2048xf32>
    %slice3A_518 = vector.extract_strided_slice %add3A_515 {offsets = [0, 0], sizes = [4, 2048], strides = [1, 1]} : vector<4x4096xf32> to vector<4x2048xf32>
    %concatenate3A_519 = tpu.concatenate %broadcast_in_dim3A_517, %slice3A_518 in 1 : vector<4x2048xf32>, vector<4x2048xf32> -> vector<4x4096xf32>
    %add3A_520 = arith.addf %add3A_515, %concatenate3A_519 : vector<4x4096xf32>
    %le3A = vector.broadcast %sub3A_461 : vector<4x1xf32> to vector<4x4096xf32>
    %le3A_521 = arith.cmpf ole, %add3A_520, %le3A : vector<4x4096xf32>
    %and3A = arith.andi %eq3A_454, %le3A_521 : vector<4x4096xi1>
    %or3A_522 = arith.ori %gt3A_453, %and3A : vector<4x4096xi1>
    %convert_element_type3A_523 = arith.extui %or3A_522 : vector<4x4096xi1> to vector<4x4096xi32>
    %swap3A = arith.constant 0 : index
    %swap3A_524 = arith.constant 0 : index
    %swap3A_525 = vector.load %arg1[%swap3A, %swap3A_524] : memref<4x4096xi32, #tpu.memory_space<vmem>>, vector<4x4096xi32>
    tpu.vector_store %arg1[%swap3A, %swap3A_524], %convert_element_type3A_523 {strides = array<i32>} : memref<4x4096xi32, #tpu.memory_space<vmem>>, vector<4x4096xi32>,
    %convert_element_type3A_526 = arith.extui %or3A_522 : vector<4x4096xi1> to vector<4x4096xi32>
    %convert_element_type3A_527 = arith.sitofp %convert_element_type3A_526 : vector<4x4096xi32> to vector<4x4096xf32>
    %broadcast_in_dim3A_528 = arith.constant 0.000000e+00 : f32
    %broadcast_in_dim3A_529 = vector.broadcast %broadcast_in_dim3A_528 : f32 to vector<4x1xf32>
    %slice3A_530 = vector.extract_strided_slice %convert_element_type3A_527 {offsets = [0, 0], sizes = [4, 4095], strides = [1, 1]} : vector<4x4096xf32> to vector<4x4095xf32>
    %concatenate3A_531 = tpu.concatenate %broadcast_in_dim3A_529, %slice3A_530 in 1 : vector<4x1xf32>, vector<4x4095xf32> -> vector<4x4096xf32>
    %add3A_532 = arith.addf %convert_element_type3A_527, %concatenate3A_531 : vector<4x4096xf32>
    %broadcast_in_dim3A_533 = arith.constant 0.000000e+00 : f32
    %broadcast_in_dim3A_534 = vector.broadcast %broadcast_in_dim3A_533 : f32 to vector<4x2xf32>
    %slice3A_535 = vector.extract_strided_slice %add3A_532 {offsets = [0, 0], sizes = [4, 4094], strides = [1, 1]} : vector<4x4096xf32> to vector<4x4094xf32>
    %concatenate3A_536 = tpu.concatenate %broadcast_in_dim3A_534, %slice3A_535 in 1 : vector<4x2xf32>, vector<4x4094xf32> -> vector<4x4096xf32>
    %add3A_537 = arith.addf %add3A_532, %concatenate3A_536 : vector<4x4096xf32>
    %broadcast_in_dim3A_538 = arith.constant 0.000000e+00 : f32
    %broadcast_in_dim3A_539 = vector.broadcast %broadcast_in_dim3A_538 : f32 to vector<4x4xf32>
    %slice3A_540 = vector.extract_strided_slice %add3A_537 {offsets = [0, 0], sizes = [4, 4092], strides = [1, 1]} : vector<4x4096xf32> to vector<4x4092xf32>
    %concatenate3A_541 = tpu.concatenate %broadcast_in_dim3A_539, %slice3A_540 in 1 : vector<4x4xf32>, vector<4x4092xf32> -> vector<4x4096xf32>
    %add3A_542 = arith.addf %add3A_537, %concatenate3A_541 : vector<4x4096xf32>
    %broadcast_in_dim3A_543 = arith.constant 0.000000e+00 : f32
    %broadcast_in_dim3A_544 = vector.broadcast %broadcast_in_dim3A_543 : f32 to vector<4x8xf32>
    %slice3A_545 = vector.extract_strided_slice %add3A_542 {offsets = [0, 0], sizes = [4, 4088], strides = [1, 1]} : vector<4x4096xf32> to vector<4x4088xf32>
    %concatenate3A_546 = tpu.concatenate %broadcast_in_dim3A_544, %slice3A_545 in 1 : vector<4x8xf32>, vector<4x4088xf32> -> vector<4x4096xf32>
    %add3A_547 = arith.addf %add3A_542, %concatenate3A_546 : vector<4x4096xf32>
    %broadcast_in_dim3A_548 = arith.constant 0.000000e+00 : f32
    %broadcast_in_dim3A_549 = vector.broadcast %broadcast_in_dim3A_548 : f32 to vector<4x16xf32>
    %slice3A_550 = vector.extract_strided_slice %add3A_547 {offsets = [0, 0], sizes = [4, 4080], strides = [1, 1]} : vector<4x4096xf32> to vector<4x4080xf32>
    %concatenate3A_551 = tpu.concatenate %broadcast_in_dim3A_549, %slice3A_550 in 1 : vector<4x16xf32>, vector<4x4080xf32> -> vector<4x4096xf32>
    %add3A_552 = arith.addf %add3A_547, %concatenate3A_551 : vector<4x4096xf32>
    %broadcast_in_dim3A_553 = arith.constant 0.000000e+00 : f32
    %broadcast_in_dim3A_554 = vector.broadcast %broadcast_in_dim3A_553 : f32 to vector<4x32xf32>
    %slice3A_555 = vector.extract_strided_slice %add3A_552 {offsets = [0, 0], sizes = [4, 4064], strides = [1, 1]} : vector<4x4096xf32> to vector<4x4064xf32>
    %concatenate3A_556 = tpu.concatenate %broadcast_in_dim3A_554, %slice3A_555 in 1 : vector<4x32xf32>, vector<4x4064xf32> -> vector<4x4096xf32>
    %add3A_557 = arith.addf %add3A_552, %concatenate3A_556 : vector<4x4096xf32>
    %broadcast_in_dim3A_558 = arith.constant 0.000000e+00 : f32
    %broadcast_in_dim3A_559 = vector.broadcast %broadcast_in_dim3A_558 : f32 to vector<4x64xf32>
    %slice3A_560 = vector.extract_strided_slice %add3A_557 {offsets = [0, 0], sizes = [4, 4032], strides = [1, 1]} : vector<4x4096xf32> to vector<4x4032xf32>
    %concatenate3A_561 = tpu.concatenate %broadcast_in_dim3A_559, %slice3A_560 in 1 : vector<4x64xf32>, vector<4x4032xf32> -> vector<4x4096xf32>
    %add3A_562 = arith.addf %add3A_557, %concatenate3A_561 : vector<4x4096xf32>
    %broadcast_in_dim3A_563 = arith.constant 0.000000e+00 : f32
    %broadcast_in_dim3A_564 = vector.broadcast %broadcast_in_dim3A_563 : f32 to vector<4x128xf32>
    %slice3A_565 = vector.extract_strided_slice %add3A_562 {offsets = [0, 0], sizes = [4, 3968], strides = [1, 1]} : vector<4x4096xf32> to vector<4x3968xf32>
    %concatenate3A_566 = tpu.concatenate %broadcast_in_dim3A_564, %slice3A_565 in 1 : vector<4x128xf32>, vector<4x3968xf32> -> vector<4x4096xf32>
    %add3A_567 = arith.addf %add3A_562, %concatenate3A_566 : vector<4x4096xf32>
    %broadcast_in_dim3A_568 = arith.constant 0.000000e+00 : f32
    %broadcast_in_dim3A_569 = vector.broadcast %broadcast_in_dim3A_568 : f32 to vector<4x256xf32>
    %slice3A_570 = vector.extract_strided_slice %add3A_567 {offsets = [0, 0], sizes = [4, 3840], strides = [1, 1]} : vector<4x4096xf32> to vector<4x3840xf32>
    %concatenate3A_571 = tpu.concatenate %broadcast_in_dim3A_569, %slice3A_570 in 1 : vector<4x256xf32>, vector<4x3840xf32> -> vector<4x4096xf32>
    %add3A_572 = arith.addf %add3A_567, %concatenate3A_571 : vector<4x4096xf32>
    %broadcast_in_dim3A_573 = arith.constant 0.000000e+00 : f32
    %broadcast_in_dim3A_574 = vector.broadcast %broadcast_in_dim3A_573 : f32 to vector<4x512xf32>
    %slice3A_575 = vector.extract_strided_slice %add3A_572 {offsets = [0, 0], sizes = [4, 3584], strides = [1, 1]} : vector<4x4096xf32> to vector<4x3584xf32>
    %concatenate3A_576 = tpu.concatenate %broadcast_in_dim3A_574, %slice3A_575 in 1 : vector<4x512xf32>, vector<4x3584xf32> -> vector<4x4096xf32>
    %add3A_577 = arith.addf %add3A_572, %concatenate3A_576 : vector<4x4096xf32>
    %broadcast_in_dim3A_578 = arith.constant 0.000000e+00 : f32
    %broadcast_in_dim3A_579 = vector.broadcast %broadcast_in_dim3A_578 : f32 to vector<4x1024xf32>
    %slice3A_580 = vector.extract_strided_slice %add3A_577 {offsets = [0, 0], sizes = [4, 3072], strides = [1, 1]} : vector<4x4096xf32> to vector<4x3072xf32>
    %concatenate3A_581 = tpu.concatenate %broadcast_in_dim3A_579, %slice3A_580 in 1 : vector<4x1024xf32>, vector<4x3072xf32> -> vector<4x4096xf32>
    %add3A_582 = arith.addf %add3A_577, %concatenate3A_581 : vector<4x4096xf32>
    %broadcast_in_dim3A_583 = arith.constant 0.000000e+00 : f32
    %broadcast_in_dim3A_584 = vector.broadcast %broadcast_in_dim3A_583 : f32 to vector<4x2048xf32>
    %slice3A_585 = vector.extract_strided_slice %add3A_582 {offsets = [0, 0], sizes = [4, 2048], strides = [1, 1]} : vector<4x4096xf32> to vector<4x2048xf32>
    %concatenate3A_586 = tpu.concatenate %broadcast_in_dim3A_584, %slice3A_585 in 1 : vector<4x2048xf32>, vector<4x2048xf32> -> vector<4x4096xf32>
    %add3A_587 = arith.addf %add3A_582, %concatenate3A_586 : vector<4x4096xf32>
    %iota3A = tpu.iota {dimensions = array<i32: 1>} : vector<1x4096xi32>
    %convert_element_type3A_588 = arith.sitofp %iota3A : vector<1x4096xi32> to vector<1x4096xf32>
    %iota3A_589 = tpu.iota {dimensions = array<i32: 0>} : vector<512x1xi32>
    %convert_element_type3A_590 = arith.sitofp %iota3A_589 : vector<512x1xi32> to vector<512x1xf32>
    %add3A_591 = arith.constant 1.000000e+00 : f32
    %add3A_592 = vector.broadcast %add3A_591 : f32 to vector<512x1xf32>
    %add3A_593 = arith.addf %convert_element_type3A_590, %add3A_592 : vector<512x1xf32>
    %slice3A_594 = vector.extract_strided_slice %add3A_587 {offsets = [0, 0], sizes = [1, 4096], strides = [1, 1]} : vector<4x4096xf32> to vector<1x4096xf32>
    %slice3A_595 = vector.extract_strided_slice %or3A_522 {offsets = [0, 0], sizes = [1, 4096], strides = [1, 1]} : vector<4x4096xi1> to vector<1x4096xi1>
    %eq3A_596 = vector.broadcast %slice3A_594 : vector<1x4096xf32> to vector<512x4096xf32>
    %eq3A_597 = vector.broadcast %add3A_593 : vector<512x1xf32> to vector<512x4096xf32>
    %eq3A_598 = arith.cmpf oeq, %eq3A_596, %eq3A_597 : vector<512x4096xf32>
    %and3A_599 = vector.broadcast %slice3A_595 : vector<1x4096xi1> to vector<512x4096xi1>
    %and3A_600 = arith.andi %eq3A_598, %and3A_599 : vector<512x4096xi1>
    %jit3A = arith.constant 0.000000e+00 : f32
    %broadcast_in_dim3A_601 = vector.shape_cast %convert_element_type3A_588 : vector<1x4096xf32> to vector<1x4096xf32>
    %broadcast_in_dim3A_602 = vector.broadcast %broadcast_in_dim3A_601 : vector<1x4096xf32> to vector<512x4096xf32>
    %broadcast_in_dim3A_603 = vector.broadcast %jit3A : f32 to vector<512x4096xf32>
    %select_n3A_604 = arith.select %and3A_600, %broadcast_in_dim3A_602, %broadcast_in_dim3A_603 : vector<512x4096xi1>, vector<512x4096xf32>
    %reduce_sum3A_605 = arith.constant dense<0.000000e+00> : vector<512xf32>
    %reduce_sum3A_606 = vector.multi_reduction <add>, %select_n3A_604, %reduce_sum3A_605 [1] : vector<512x4096xf32> to vector<512xf32>
    %broadcast_in_dim3A_607 = vector.shape_cast %reduce_sum3A_606 : vector<512xf32> to vector<512x1xf32>
    %convert_element_type3A_608 = arith.fptosi %broadcast_in_dim3A_607 : vector<512x1xf32> to vector<512x1xi32>
    %add3A_609 = arith.constant 0 : i32
    %add3A_610 = vector.broadcast %add3A_609 : i32 to vector<512x1xi32>
    %add3A_611 = arith.addi %convert_element_type3A_608, %add3A_610 : vector<512x1xi32>
    %swap3A_612 = arith.constant 0 : index
    %swap3A_613 = arith.constant 0 : index
    %swap3A_614 = vector.load %arg2[%swap3A_612, %swap3A_613] : memref<2048x1xi32, #tpu.memory_space<vmem>>, vector<512x1xi32>
    tpu.vector_store %arg2[%swap3A_612, %swap3A_613], %add3A_611 {strides = array<i32>} : memref<2048x1xi32, #tpu.memory_space<vmem>>, vector<512x1xi32>,
    %slice3A_615 = vector.extract_strided_slice %add3A_587 {offsets = [1, 0], sizes = [1, 4096], strides = [1, 1]} : vector<4x4096xf32> to vector<1x4096xf32>
    %slice3A_616 = vector.extract_strided_slice %or3A_522 {offsets = [1, 0], sizes = [1, 4096], strides = [1, 1]} : vector<4x4096xi1> to vector<1x4096xi1>
    %eq3A_617 = vector.broadcast %slice3A_615 : vector<1x4096xf32> to vector<512x4096xf32>
    %eq3A_618 = vector.broadcast %add3A_593 : vector<512x1xf32> to vector<512x4096xf32>
    %eq3A_619 = arith.cmpf oeq, %eq3A_617, %eq3A_618 : vector<512x4096xf32>
    %and3A_620 = vector.broadcast %slice3A_616 : vector<1x4096xi1> to vector<512x4096xi1>
    %and3A_621 = arith.andi %eq3A_619, %and3A_620 : vector<512x4096xi1>
    %jit3A_622 = arith.constant 0.000000e+00 : f32
    %broadcast_in_dim3A_623 = vector.shape_cast %convert_element_type3A_588 : vector<1x4096xf32> to vector<1x4096xf32>
    %broadcast_in_dim3A_624 = vector.broadcast %broadcast_in_dim3A_623 : vector<1x4096xf32> to vector<512x4096xf32>
    %broadcast_in_dim3A_625 = vector.broadcast %jit3A_622 : f32 to vector<512x4096xf32>
    %select_n3A_626 = arith.select %and3A_621, %broadcast_in_dim3A_624, %broadcast_in_dim3A_625 : vector<512x4096xi1>, vector<512x4096xf32>
    %reduce_sum3A_627 = arith.constant dense<0.000000e+00> : vector<512xf32>
    %reduce_sum3A_628 = vector.multi_reduction <add>, %select_n3A_626, %reduce_sum3A_627 [1] : vector<512x4096xf32> to vector<512xf32>
    %broadcast_in_dim3A_629 = vector.shape_cast %reduce_sum3A_628 : vector<512xf32> to vector<512x1xf32>
    %convert_element_type3A_630 = arith.fptosi %broadcast_in_dim3A_629 : vector<512x1xf32> to vector<512x1xi32>
    %add3A_631 = arith.constant 4096 : i32
    %add3A_632 = vector.broadcast %add3A_631 : i32 to vector<512x1xi32>
    %add3A_633 = arith.addi %convert_element_type3A_630, %add3A_632 : vector<512x1xi32>
    %swap3A_634 = arith.constant 512 : index
    %swap3A_635 = arith.constant 0 : index
    %swap3A_636 = vector.load %arg2[%swap3A_634, %swap3A_635] : memref<2048x1xi32, #tpu.memory_space<vmem>>, vector<512x1xi32>
    tpu.vector_store %arg2[%swap3A_634, %swap3A_635], %add3A_633 {strides = array<i32>} : memref<2048x1xi32, #tpu.memory_space<vmem>>, vector<512x1xi32>,
    %slice3A_637 = vector.extract_strided_slice %add3A_587 {offsets = [2, 0], sizes = [1, 4096], strides = [1, 1]} : vector<4x4096xf32> to vector<1x4096xf32>
    %slice3A_638 = vector.extract_strided_slice %or3A_522 {offsets = [2, 0], sizes = [1, 4096], strides = [1, 1]} : vector<4x4096xi1> to vector<1x4096xi1>
    %eq3A_639 = vector.broadcast %slice3A_637 : vector<1x4096xf32> to vector<512x4096xf32>
    %eq3A_640 = vector.broadcast %add3A_593 : vector<512x1xf32> to vector<512x4096xf32>
    %eq3A_641 = arith.cmpf oeq, %eq3A_639, %eq3A_640 : vector<512x4096xf32>
    %and3A_642 = vector.broadcast %slice3A_638 : vector<1x4096xi1> to vector<512x4096xi1>
    %and3A_643 = arith.andi %eq3A_641, %and3A_642 : vector<512x4096xi1>
    %jit3A_644 = arith.constant 0.000000e+00 : f32
    %broadcast_in_dim3A_645 = vector.shape_cast %convert_element_type3A_588 : vector<1x4096xf32> to vector<1x4096xf32>
    %broadcast_in_dim3A_646 = vector.broadcast %broadcast_in_dim3A_645 : vector<1x4096xf32> to vector<512x4096xf32>
    %broadcast_in_dim3A_647 = vector.broadcast %jit3A_644 : f32 to vector<512x4096xf32>
    %select_n3A_648 = arith.select %and3A_643, %broadcast_in_dim3A_646, %broadcast_in_dim3A_647 : vector<512x4096xi1>, vector<512x4096xf32>
    %reduce_sum3A_649 = arith.constant dense<0.000000e+00> : vector<512xf32>
    %reduce_sum3A_650 = vector.multi_reduction <add>, %select_n3A_648, %reduce_sum3A_649 [1] : vector<512x4096xf32> to vector<512xf32>
    %broadcast_in_dim3A_651 = vector.shape_cast %reduce_sum3A_650 : vector<512xf32> to vector<512x1xf32>
    %convert_element_type3A_652 = arith.fptosi %broadcast_in_dim3A_651 : vector<512x1xf32> to vector<512x1xi32>
    %add3A_653 = arith.constant 8192 : i32
    %add3A_654 = vector.broadcast %add3A_653 : i32 to vector<512x1xi32>
    %add3A_655 = arith.addi %convert_element_type3A_652, %add3A_654 : vector<512x1xi32>
    %swap3A_656 = arith.constant 1024 : index
    %swap3A_657 = arith.constant 0 : index
    %swap3A_658 = vector.load %arg2[%swap3A_656, %swap3A_657] : memref<2048x1xi32, #tpu.memory_space<vmem>>, vector<512x1xi32>
    tpu.vector_store %arg2[%swap3A_656, %swap3A_657], %add3A_655 {strides = array<i32>} : memref<2048x1xi32, #tpu.memory_space<vmem>>, vector<512x1xi32>,
    %slice3A_659 = vector.extract_strided_slice %add3A_587 {offsets = [3, 0], sizes = [1, 4096], strides = [1, 1]} : vector<4x4096xf32> to vector<1x4096xf32>
    %slice3A_660 = vector.extract_strided_slice %or3A_522 {offsets = [3, 0], sizes = [1, 4096], strides = [1, 1]} : vector<4x4096xi1> to vector<1x4096xi1>
    %eq3A_661 = vector.broadcast %slice3A_659 : vector<1x4096xf32> to vector<512x4096xf32>
    %eq3A_662 = vector.broadcast %add3A_593 : vector<512x1xf32> to vector<512x4096xf32>
    %eq3A_663 = arith.cmpf oeq, %eq3A_661, %eq3A_662 : vector<512x4096xf32>
    %and3A_664 = vector.broadcast %slice3A_660 : vector<1x4096xi1> to vector<512x4096xi1>
    %and3A_665 = arith.andi %eq3A_663, %and3A_664 : vector<512x4096xi1>
    %jit3A_666 = arith.constant 0.000000e+00 : f32
    %broadcast_in_dim3A_667 = vector.shape_cast %convert_element_type3A_588 : vector<1x4096xf32> to vector<1x4096xf32>
    %broadcast_in_dim3A_668 = vector.broadcast %broadcast_in_dim3A_667 : vector<1x4096xf32> to vector<512x4096xf32>
    %broadcast_in_dim3A_669 = vector.broadcast %jit3A_666 : f32 to vector<512x4096xf32>
    %select_n3A_670 = arith.select %and3A_665, %broadcast_in_dim3A_668, %broadcast_in_dim3A_669 : vector<512x4096xi1>, vector<512x4096xf32>
    %reduce_sum3A_671 = arith.constant dense<0.000000e+00> : vector<512xf32>
    %reduce_sum3A_672 = vector.multi_reduction <add>, %select_n3A_670, %reduce_sum3A_671 [1] : vector<512x4096xf32> to vector<512xf32>
    %broadcast_in_dim3A_673 = vector.shape_cast %reduce_sum3A_672 : vector<512xf32> to vector<512x1xf32>
    %convert_element_type3A_674 = arith.fptosi %broadcast_in_dim3A_673 : vector<512x1xf32> to vector<512x1xi32>
    %add3A_675 = arith.constant 12288 : i32
    %add3A_676 = vector.broadcast %add3A_675 : i32 to vector<512x1xi32>
    %add3A_677 = arith.addi %convert_element_type3A_674, %add3A_676 : vector<512x1xi32>
    %swap3A_678 = arith.constant 1536 : index
    %swap3A_679 = arith.constant 0 : index
    %swap3A_680 = vector.load %arg2[%swap3A_678, %swap3A_679] : memref<2048x1xi32, #tpu.memory_space<vmem>>, vector<512x1xi32>
    tpu.vector_store %arg2[%swap3A_678, %swap3A_679], %add3A_677 {strides = array<i32>} : memref<2048x1xi32, #tpu.memory_space<vmem>>, vector<512x1xi32>,
    return
  }
}

module attributes {stable_mosaic.version = 14 : i64} {
  func.func @_layer_body(%arg0: i32, %arg1: i32, %arg2: memref<512x2048xf32, #tpu.memory_space<vmem>>, %arg3: memref<2048x1024xf32, #tpu.memory_space<vmem>>, %arg4: memref<1024xf32, #tpu.memory_space<vmem>>, %arg5: memref<512x1024xf32, #tpu.memory_space<vmem>>) attributes {dimension_semantics = [#tpu.dimension_semantics<arbitrary>, #tpu.dimension_semantics<arbitrary>], iteration_bounds = array<i64: 4, 2>, scalar_prefetch = 0 : i64, scratch_operands = 0 : i64, tpu.core_type = #tpu.core_type<tc>, window_params = [{transform_indices = @transform_0, window_bounds = array<i64: 512, 2048>}, {transform_indices = @transform_1, window_bounds = array<i64: 2048, 1024>}, {transform_indices = @transform_2, window_bounds = array<i64: 1024>}, {transform_indices = @transform_3, window_bounds = array<i64: 512, 1024>}]} {
    %get3A = arith.constant 0 : index
    %get3A_0 = arith.constant 0 : index
    %get3A_1 = vector.load %arg2[%get3A, %get3A_0] : memref<512x2048xf32, #tpu.memory_space<vmem>>, vector<512x2048xf32>
    %get3A_2 = arith.constant 0 : index
    %get3A_3 = arith.constant 0 : index
    %get3A_4 = vector.load %arg3[%get3A_2, %get3A_3] : memref<2048x1024xf32, #tpu.memory_space<vmem>>, vector<2048x1024xf32>
    %dot_general3A = arith.constant dense<0.000000e+00> : vector<512x1024xf32>
    %dot_general3A_5 = tpu.matmul %get3A_1, %get3A_4, %dot_general3A {dimension_numbers = #tpu.dot_dimension_numbers<[1], [0], [0], [1], [0, 0, 1, 1], [], []>, transpose_lhs_hint = false} : vector<512x2048xf32>, vector<2048x1024xf32>, vector<512x1024xf32> -> vector<512x1024xf32>
    %get3A_6 = arith.constant 0 : index
    %get3A_7 = vector.load %arg4[%get3A_6] : memref<1024xf32, #tpu.memory_space<vmem>>, vector<1024xf32>
    %broadcast_in_dim3A = vector.shape_cast %get3A_7 : vector<1024xf32> to vector<1x1024xf32>
    %add3A = vector.broadcast %broadcast_in_dim3A : vector<1x1024xf32> to vector<512x1024xf32>
    %add3A_8 = arith.addf %dot_general3A_5, %add3A : vector<512x1024xf32>
    %swap3A = arith.constant 0 : index
    %swap3A_9 = arith.constant 0 : index
    %swap3A_10 = vector.load %arg5[%swap3A, %swap3A_9] : memref<512x1024xf32, #tpu.memory_space<vmem>>, vector<512x1024xf32>
    tpu.vector_store %arg5[%swap3A, %swap3A_9], %add3A_8 {strides = array<i32>} : memref<512x1024xf32, #tpu.memory_space<vmem>>, vector<512x1024xf32>,
    return
  }
  func.func @transform_0(%arg0: i32, %arg1: i32) -> (i32, i32) {
    %c0_i32 = arith.constant 0 : i32
    %c0_i32_0 = arith.constant 0 : i32
    return %arg0, %c0_i32 : i32, i32
  }
  func.func @transform_1(%arg0: i32, %arg1: i32) -> (i32, i32) {
    %c0_i32 = arith.constant 0 : i32
    %c0_i32_0 = arith.constant 0 : i32
    return %c0_i32, %arg1 : i32, i32
  }
  func.func @transform_2(%arg0: i32, %arg1: i32) -> i32 {
    %c0_i32 = arith.constant 0 : i32
    return %arg1 : i32
  }
  func.func @transform_3(%arg0: i32, %arg1: i32) -> (i32, i32) {
    %c0_i32 = arith.constant 0 : i32
    return %arg0, %arg1 : i32, i32
  }
}

</mosaic_0001>

<sc_bundles>
// kernel: kernel.10.cloned.1.call-start
scs
__scs_entry_jumppad:
0x0: {  	(pc) =	sbr.rel $0x88, $3  }
0x1: {  	(tag) =	ssettag $0x0;
	lr =	simm.s32 $0x1  }
0x2: {  	[smem:$0x3F9A] =	sst lr;
	_ =	strace $0xD0000000  }
0x3: {  	_ = 	snop  }
0x4: {  	_ = 	snop  }
0x5: {  	_ = 	snop  }
0x6: {  	_ = 	snop  }
0x7: {  	_ = 	snop  }
__scs_overlays_trampoline_lowered:
0x8: {  	[smem:$0x3FA9] =	sst s0  }
0x9: {  	[smem:$0x3FAA] =	sst s1  }
0xa: {  	[smem:$0x3FAB] =	sst s2  }
0xb: {  	[smem:$0x3FAC] =	sst s3  }
0xc: {  	[smem:$0x3FAD] =	sst s4  }
0xd: {  	[smem:$0x3FAE] =	sst s5  }
0xe: {  	[smem:$0x3FAF] =	sst s6  }
0xf: {  	[smem:$0x3FB0] =	sst s7  }
0x10: {  	[smem:$0x3FB1] =	sst s8  }
0x11: {  	[smem:$0x3FB2] =	sst s9;
	s0 =	simm.s32 @!p0 $0x0  }
0x12: {  	s1 =	sld [smem:$0x3F98];
	s0 =	simm.s32 @p0 $0x1  }
0x13: {  	[smem:$0x3FB3] =	sst s0;
	s0 =	simm.s32 @!p1 $0x0  }
0x14: {  	s2 =	sld [smem:$0x3F97];
	s0 =	simm.s32 @p1 $0x1  }
0x15: {  	[smem:$0x3FB4] =	sst s0;
	s0 =	simm.s32 @!p2 $0x0  }
0x16: {  	s3 =	sld [smem:$0x3FDB];
	s0 =	simm.s32 @p2 $0x1  }
0x17: {  	s4 =	simm.s32 $0x1BF5;
	[smem:$0x3FB6] =	sst s0  }
0x18: {  	s0 =	sld [smem:$0x3F99];
	_ =	swait.ge [sflag:s4], $0x0  }
0x19: {  	s7 =	sld [smem:$0x3F9A]  }
0x1a: {  	s8 =	sadd.s32 $0xFFFFE003, lr  }
0x1b: {  	s9 =	sadd.s32 $0xFFFFFEF7, lr;
	s5 =	simm.s32 $0xFFFFFFFF;
	p2 =	slt.u32 s8, $0xFFFFF086  }
0x1c: {  	p1 =	slt.u32 s9, $0xF7A;
	s5 =	simm.s32 @!p2 $0x0  }
0x1d: {  	s5 =	simm.s32 @p1 $0x1;
	p0 =	seq.s32 s7, s2  }
0x1e: {  	s7 =	smul.u32 @!p0 $0xF7A, s2;
	p2 =	seq.s32 @!p0 s5, $0x0  }
0x1f: {  	s9 =	smul.u32 $0xF7A, s1;
	s8 =	simm.s32 @!p0 $0x1BF5;
	p2 =	por !p2, p0  }
0x20: {  	[sflag:s8] =	ssyncset.s32 @!p0 $0xFFFFF086;
	s6 =	sadd.s32 @!p0 s3, s7;
	s7 =	simm.s32 @!p0 $0x108  }
0x21: {  	s3 =	sadd.s32 s3, s9;
	s6 =	sadd.s32 @!p0 $0x88, s6;
	s7 =	simm.s32 @p2 $0x1082  }
0x22: {  	[simem:s7], [sflag:s8] =	dma.local @!p0 [hbm:s6], $0xF7A  }
0x23: {  	s9 =	sor.u32 $0xD0000000, s2;
	s6 =	simm.s32 $0x108;
	_ =	swait.ge @!p0 [sflag:s8], $0x0  }
0x24: {  	s3 =	sadd.s32 $0x88, s3;
	s6 =	simm.s32 @!p1 $0x1082;
	[sflag:s4] =	ssyncset.s32 $0xFFFFF086  }
0x25: {  	[simem:s6], [sflag:s4] =	dma.local [hbm:s3], $0xF7A  }
0x26: {  	[smem:$0x3F9A] =	sst s1;
	(tag) =	ssettag s2;
	_ =	strace s9  }
0x27: {  	s1 =	sld [smem:$0x3FAA]  }
0x28: {  	s2 =	sld [smem:$0x3FAB]  }
0x29: {  	s4 =	sld [smem:$0x3FAD]  }
0x2a: {  	p0 =	seq.s32 s5, $0x0;
	s5 =	sld [smem:$0x3FAE]  }
0x2b: {  	s6 =	sld [smem:$0x3FAF]  }
0x2c: {  	s7 =	sld [smem:$0x3FB0]  }
0x2d: {  	s3 =	simm.s32 $0x108;
	s8 =	sld [smem:$0x3FB1]  }
0x2e: {  	s3 =	simm.s32 @!p0 $0x1082;
	s9 =	sld [smem:$0x3FB2]  }
0x2f: {  	lr =	sadd.s32 s0, s3;
	s0 =	sld [smem:$0x3FA9]  }
0x30: {  	s3 =	sld [smem:$0x3FAC]  }
0x31: {  	[smem:$0x3FB5] =	sst s10  }
0x32: {  	s10 =	sld [smem:$0x3FB3];
	_ =	sdelay $0x3  }
0x33: {  	p0 =	seq.s32 s10, $0x1;
	s10 =	sld [smem:$0x3FB5];
	_ =	sdelay $0x3  }
0x34: {  	[smem:$0x3FB5] =	sst s10  }
0x35: {  	s10 =	sld [smem:$0x3FB4];
	_ =	sdelay $0x3  }
0x36: {  	p1 =	seq.s32 s10, $0x1;
	s10 =	sld [smem:$0x3FB5];
	_ =	sdelay $0x3  }
0x37: {  	[smem:$0x3FB5] =	sst s10  }
0x38: {  	s10 =	sld [smem:$0x3FB6]  }
0x39: {  	_ = 	snop;
	(pc) =	sbr.ind lr, $3  }
0x3a: {  	_ = 	snop  }
0x3b: {  	_ = 	snop  }
0x3c: {  	p2 =	seq.s32 s10, $0x1;
	s10 =	sld [smem:$0x3FB5]  }
0x3d: {  	_ =	shalt  }
0x3e: {  	_ =	shalt  }
0x3f: {  	_ =	shalt  }
0x40: {  	_ =	shalt  }
0x41: {  	_ =	shalt  }
0x42: {  	_ =	shalt  }
0x43: {  	_ =	shalt  }
0x44: {  	_ =	shalt  }
0x45: {  	_ =	shalt  }
0x46: {  	_ =	shalt  }
0x47: {  	_ =	shalt  }
0x48: {  	_ =	shalt  }
0x49: {  	_ =	shalt  }
0x4a: {  	_ =	shalt  }
0x4b: {  	_ =	shalt  }
0x4c: {  	_ =	shalt  }
0x4d: {  	_ =	shalt  }
0x4e: {  	_ =	shalt  }
0x4f: {  	_ =	shalt  }
0x50: {  	_ =	shalt  }
0x51: {  	_ =	shalt  }
0x52: {  	_ =	shalt  }
0x53: {  	_ =	shalt  }
0x54: {  	_ =	shalt  }
0x55: {  	_ =	shalt  }
0x56: {  	_ =	shalt  }
0x57: {  	_ =	shalt  }
0x58: {  	_ =	shalt  }
0x59: {  	_ =	shalt  }
0x5a: {  	_ =	shalt  }
0x5b: {  	_ =	shalt  }
0x5c: {  	_ =	shalt  }
0x5d: {  	_ =	shalt  }
0x5e: {  	_ =	shalt  }
0x5f: {  	_ =	shalt  }
0x60: {  	_ =	shalt  }
0x61: {  	_ =	shalt  }
0x62: {  	_ =	shalt  }
0x63: {  	_ =	shalt  }
0x64: {  	_ =	shalt  }
0x65: {  	_ =	shalt  }
0x66: {  	_ =	shalt  }
0x67: {  	_ =	shalt  }
0x68: {  	_ =	shalt  }
0x69: {  	_ =	shalt  }
0x6a: {  	_ =	shalt  }
0x6b: {  	_ =	shalt  }
0x6c: {  	_ =	shalt  }
0x6d: {  	_ =	shalt  }
0x6e: {  	_ =	shalt  }
0x6f: {  	_ =	shalt  }
0x70: {  	_ =	shalt  }
0x71: {  	_ =	shalt  }
0x72: {  	_ =	shalt  }
0x73: {  	_ =	shalt  }
0x74: {  	_ =	shalt  }
0x75: {  	_ =	shalt  }
0x76: {  	_ =	shalt  }
0x77: {  	_ =	shalt  }
0x78: {  	_ =	shalt  }
0x79: {  	_ =	shalt  }
0x7a: {  	_ =	shalt  }
0x7b: {  	_ =	shalt  }
0x7c: {  	_ =	shalt  }
0x7d: {  	_ =	shalt  }
0x7e: {  	_ =	shalt  }
0x7f: {  	_ =	shalt  }
0x80: {  	_ =	shalt  }
0x81: {  	_ =	shalt  }
0x82: {  	_ =	shalt  }
0x83: {  	_ =	shalt  }
0x84: {  	_ =	shalt  }
0x85: {  	_ =	shalt  }
0x86: {  	_ =	shalt  }
0x87: {  	_ =	shalt  }
.Lfunc_end0:
.L_simem_size_0:
called_computation.3_lowered:
.L_overlay_start_0:
0x88: {  	s2 =	sld [smem:$0x3FD9]  }
0x89: {  	s3 =	sld [smem:$0x3FFE];
	_ =	sdelay $0x1  }
0x8a: {  	s1 =	srdreg.scid  }
0x8b: {  	s0 =	sand.u32 $0x1, s1  }
0x8c: {  	s14 =	sshll.u32 s0, $0xA;
	s2 =	sadd.s32 s3, s2  }
0x8d: {  	s2 =	sadd.s32 s2, s14  }
0x8e: {  	[smem:$0x3FC1] =	sst s2  }
0x8f: {  	_ = 	snop  }
0x90: {  	s2 =	sld [smem:$0x3FD0];
	_ =	sdelay $0x2  }
0x91: {  	s15 =	simm.s32 $0xB;
	s4 =	simm.s32 $0x10  }
0x92: {  	[smem:s4], [sflag:s15] =	dma.local [hbm:s2], $0x1  }
0x93: {  	_ =	swait.eq [sflag:s15], $0x1  }
0x94: {  	[sflag:s15] =	ssyncset.done $0x0  }
0x95: {  	[sflag:s15] =	ssyncadd.s32 $0xFFFFFFFF  }
0x96: {  	s16 =	sld [smem:$0x10];
	(tm) =	ssettm $0x1  }
0x97: {  	s17 =	sld [smem:$0x3FFB];
	_ =	sdelay $0x3  }
0x98: {  	_ =	strace s17  }
0x99: {  	s3 =	sld [smem:$0x3FFC];
	_ =	sdelay $0x3  }
0x9a: {  	_ =	strace s3  }
0x9b: {  	s3 =	sld [smem:$0x3FFD];
	_ =	sdelay $0x3  }
0x9c: {  	_ =	strace s3  }
0x9d: {  	_ =	strace $0x8FFFFFFF  }
0x9e: {  	s18 =	sld [smem:$0x3FDB];
	_ =	sdelay $0x1  }
0x9f: {  	s19 =	simm.s32 $_scs_section_size  }
0xa0: {  	s5 =	simm.s32 $_size__tile_overlayer_lowered;
	s6 =	simm.s32 $_tile_overlayer_lowered  }
0xa1: {  	s22 =	simm.s32 $0x1BFF;
	s21 =	sshll.u32 s6, $0x1;
	s3 =	sadd.s32 s19, s18  }
0xa2: {  	s7 =	simm.s32 $0x0;
	s20 =	sshll.u32 s5, $0x1;
	s5 =	sadd.s32 s21, s3  }
0xa3: {  	[timem:s7], [sflag:s22] =	dma.local [hbm:s5], s20  }
0xa4: {  	_ =	swait.ge [sflag:s22], s20  }
0xa5: {  	s4 =	ssub.s32 $0x0, s20;
	[sflag:s22] =	ssyncset.done $0x0  }
0xa6: {  	[sflag:s22] =	ssyncadd.s32 s4;
	_ =	sdelay $0x1  }
0xa7: {  	s23 =	simm.s32 $0x1B8B  }
0xa8: {  	_ =	swait.ge [sflag:s23], $0x1  }
0xa9: {  	[sflag:s23] =	ssyncset.done $0x0  }
0xaa: {  	s25 =	simm.s32 $0x1B8E;
	s24 =	sld [smem:$0x3FFE];
	[sflag:s23] =	ssyncadd.s32 $0xFFFFFFFF  }
0xab: {  	s26 =	simm.s32 $execute0_lowered;
	[smem:$0x3FD2] =	sst s25  }
0xac: {  	s5 =	sshll.u32 s26, $0x1;
	_ =	strace $0x8000004F;
	[dreg:$0x1] =	wrdreg $0xFFFFFFFF  }
0xad: {  	s28 =	simm.s32 $_size_execute0_lowered;
	s3 =	sadd.s32 s3, s5;
	[dreg:$0x0] =	wrdreg $0x0  }
0xae: {  	s5 =	sshll.u32 s28, $0x1;
	[dreg:$0x2] =	wrdreg s3  }
0xaf: {  	[dreg:$0x3] =	wrdreg s5  }
0xb0: {  	[dreg:$0x4] =	wrdreg $0xC0  }
0xb1: {  	_ =	task [dreg:s7], $0x5FFFF  }
0xb2: {  	[dreg:$0x1] =	wrdreg $0xFFFFFFFF  }
0xb3: {  	[dreg:$0x0] =	wrdreg $0x60  }
0xb4: {  	[dreg:$0x2] =	wrdreg s24  }
0xb5: {  	[dreg:$0x3] =	wrdreg s16  }
0xb6: {  	[dreg:$0x4] =	wrdreg $0x9  }
0xb7: {  	_ =	task.clear_ibuf [dreg:s7], $0x5FFFF;
	_ =	strace $0x9000004F  }
0xb8: {  	s29 =	simm.s32 $0x9;
	_ =	strace $0x80000051  }
0xb9: {  	_ =	swait.ge [sflag:s29], $0x1  }
0xba: {  	[sflag:s29] =	ssyncadd.s32 $0xFFFFFFFF  }
0xbb: {  	_ =	strace $0x90000051  }
0xbc: {  	_ =	sfence  }
0xbd: {  	s30 =	sld [smem:$0x0];
	_ =	sdelay $0x2  }
0xbe: {  	s31 =	sshll.u32 s1, $0xD;
	s1 =	sshrl.u32 s1, $0x2  }
0xbf: {  	s3 =	sand.u32 $0x4000, s31;
	s1 =	sadd.s32 s1, s30  }
0xc0: {  	s0 =	sor.u32 s3, s0;
	s1 =	sshll.u32 s1, $0x11  }
0xc1: {  	s0 =	sor.u32 s1, s0  }
0xc2: {  	s0 =	sadd.s32 $0x8F2B, s0  }
0xc3: {  	[sflag:s0] =	ssyncadd.remote.s32 $0x1  }
0xc4: {  	_ =	sfence.sel $0xFFFF  }
0xc5: {  	[dreg:$0x0] =	wrdreg $0xFFFFFFFF;
	(pc) =	sbr.abs _section_cstart, $3  }
0xc6: {  	[dreg:$0x1] =	wrdreg $0xFFFFFFFF  }
0xc7: {  	_ =	task.clear_ibuf [dreg:s7], $0x2FFFF;
	_ =	strace $0x9FFFFFFF  }
0xc8: {  	(tm) =	ssettm $0x7FFFFFFF  }
0xc9: {  	_ =	shalt  }
tec
execute0_lowered:
.L_overlay_start_1:
0x0: {  	(tag) =	ssettag $0x1  }
0x1: {  	s0 =	rddreg [dreg:$0x0]  }
0x2: {  	s2 =	rddreg [dreg:$0x1];
	s1 =	srdreg.scid;
	s3 =	simm.s32 $0x0  }
0x3: {  	s4 =	stileid.u32;
	s29 =	simm.s32 $0x880;
	s30 =	simm.s32 $0x1080  }
0x4: {  	s31 =	simm.s32 $0x1880;
	s14 =	simm.s32 $0x3080;
	s15 =	simm.s32 $0x3880  }
0x5: {  	s16 =	simm.s32 $0x4080;
	s17 =	simm.s32 $0x4880;
	s18 =	simm.s32 $0x5080  }
0x6: {  	s19 =	simm.s32 $0x5880;
	s20 =	simm.s32 $0x6080;
	s21 =	simm.s32 $0x6880  }
0x7: {  	s22 =	simm.s32 $0x7080;
	s23 =	simm.s32 $0x7880;
	s24 =	simm.s32 $0x8080  }
0x8: {  	s13 =	simm.s32 $0x9080;
	s1 =	sand.u32 $0x1, s1;
	[smem:$0x7FF] =	sst s3  }
0x9: {  	s4 =	sshll.u32 s4, $0x7;
	s11 =	sadd.s32 $0x2000, s0;
	s0 =	sadd.s32 $0x1E00, s0  }
0xa: {  	s8 =	sadd.s32 $0x500, s2;
	s9 =	sadd.s32 $0x600, s2;
	s5 =	sshll.u32 s1, $0x6  }
0xb: {  	_ =	strace $0x80000050;
	s1 =	ssub.s32 $0x2, s1;
	s7 =	sor.u32 s5, s4  }
0xc: {  	s6 =	sshrl.u32 s1, $0x1;
	s4 =	sshrl.u32 s7, $0x3;
	s5 =	sshll.u32 s7, $0x8  }
0xd: {  	s1 =	ssub.s32 s1, s6;
	s6 =	sadd.s32 $0x300, s2;
	s10 =	sor.u32 $0x20, s7  }
0xe: {  	s7 =	sadd.s32 $0x400, s2;
	s4 =	sadd.s32 s0, s4;
	s25 =	sadd.s32 s11, s5  }
0xf: {  	s5 =	sadd.s32 $0x200, s2;
	s12 =	sshrl.u32 s10, $0x3;
	[dreg:$0x3] =	wrdreg s4  }
0x10: {  	s26 =	sshll.u32 s10, $0x8;
	s10 =	sadd.s32 $0x700, s2;
	[dreg:$0x4] =	wrdreg s25  }
0x11: {  	v2 =	vlaneseq.u32;
	s4 =	sadd.s32 $0x100, s2;
	s0 =	sadd.s32 s0, s12;
	s28 =	sadd.s32 s11, s26  }
0x12: {  	vm0 =	vmmov $0xffff;
	v1 =	vshrl.u32 v2, $0x3;
	s11 =	smax.u32 s1, $0x1;
	s12 =	simm.s32 $0x2;
	[dreg:$0x5] =	wrdreg s0  }
0x13: {  	v0 =	vand.u32 $0x7, v2;
	v2 =	vor.u32 $0x8, v2;
	v1 =	vmul.u32 $0x8, v1;
	s26 =	simm.s32 $0x1;
	s25 =	simm.s32 $0x8880;
	[dreg:$0x6] =	wrdreg s28  }
.LBB2_1:
0x14: {  	s28 =	rddreg [dreg:$0x3]  }
0x15: {  	[tilespmem:s3], [sflag:$0x2] =	stream.linear.gather [hbm4b:s28+s3], $0x20, $0x38;
	[tilespmem:$0x10080] =	vst v63  }
0x16: {  	_ =	swait.ge [sflag:s12], $0x20  }
0x17: {  	[sflag:s12] =	ssyncset.done $0x0  }
0x18: {  	s0 =	simm.s32 $0x80;
	s1 =	rddreg [dreg:$0x4];
	[sflag:s12] =	ssyncadd.s32 $0xFFFFFFE0  }
0x19: {  	[tilespmem:s0], [sflag:$0x2] =	stream.linear.gather [hbm4b:s1+s3], $0x10000, $0x38;
	[tilespmem:$0x10080] =	vst v63  }
0x1a: {  	_ =	swait.ge [sflag:s12], $0x10000  }
0x1b: {  	[sflag:s12] =	ssyncset.done $0x0  }
0x1c: {  	[sflag:s12] =	ssyncadd.s32 $0xFFFF0000  }
0x1d: {  	v3 =	vld [tilespmem:$0x0];
	_ =	sdelay $0x4  }
0x1e: {  	v4 =	vshll.u32 v3, $0x4  }
0x1f: {  	v3 =	vand.u32 $0x7, v3;
	v4 =	vand.u32 $0xFFFFFF80, v4  }
0x20: {  	v3 =	vor.u32 v3, v4  }
0x21: {  	v4 =	vperm.xlane v3, v0;
	_ =	sdelay $0x1  }
0x22: {  	v4 =	vadd.s32 v1, v4;
	_ =	sdelay $0x4  }
0x23: {  	[hbm4b:s2+s3] =	stream.indirect_vreg.scatter [tilespmem:s0], [sflag:$0x1], $0x80, v4, vm0, $0xb8;
	[tilespmem:$0x10080] =	vst v63  }
0x24: {  	_ = 	snop  }
0x25: {  	[hbm4b:s4+s3] =	stream.indirect_vreg.scatter [tilespmem:s29], [sflag:$0x1], $0x80, v4, vm0, $0xb8;
	[tilespmem:$0x10080] =	vst v63  }
0x26: {  	_ = 	snop  }
0x27: {  	[hbm4b:s5+s3] =	stream.indirect_vreg.scatter [tilespmem:s30], [sflag:$0x1], $0x80, v4, vm0, $0xb8;
	[tilespmem:$0x10080] =	vst v63  }
0x28: {  	_ = 	snop  }
0x29: {  	[hbm4b:s6+s3] =	stream.indirect_vreg.scatter [tilespmem:s31], [sflag:$0x1], $0x80, v4, vm0, $0xb8;
	[tilespmem:$0x10080] =	vst v63  }
0x2a: {  	s1 =	simm.s32 $0x2080  }
0x2b: {  	[hbm4b:s7+s3] =	stream.indirect_vreg.scatter [tilespmem:s1], [sflag:$0x1], $0x80, v4, vm0, $0xb8;
	[tilespmem:$0x10080] =	vst v63  }
0x2c: {  	v3 =	vperm.xlane v3, v2;
	s1 =	simm.s32 $0x2880  }
0x2d: {  	[hbm4b:s8+s3] =	stream.indirect_vreg.scatter [tilespmem:s1], [sflag:$0x1], $0x80, v4, vm0, $0xb8;
	[tilespmem:$0x10080] =	vst v63  }
0x2e: {  	v3 =	vadd.s32 v1, v3  }
0x2f: {  	[hbm4b:s9+s3] =	stream.indirect_vreg.scatter [tilespmem:s14], [sflag:$0x1], $0x80, v4, vm0, $0xb8;
	[tilespmem:$0x10080] =	vst v63  }
0x30: {  	_ = 	snop  }
0x31: {  	[hbm4b:s10+s3] =	stream.indirect_vreg.scatter [tilespmem:s15], [sflag:$0x1], $0x80, v4, vm0, $0xb8;
	[tilespmem:$0x10080] =	vst v63  }
0x32: {  	_ = 	snop  }
0x33: {  	[hbm4b:s2+s3] =	stream.indirect_vreg.scatter [tilespmem:s16], [sflag:$0x1], $0x80, v3, vm0, $0xb8;
	[tilespmem:$0x10080] =	vst v63  }
0x34: {  	_ = 	snop  }
0x35: {  	[hbm4b:s4+s3] =	stream.indirect_vreg.scatter [tilespmem:s17], [sflag:$0x1], $0x80, v3, vm0, $0xb8;
	[tilespmem:$0x10080] =	vst v63  }
0x36: {  	_ = 	snop  }
0x37: {  	[hbm4b:s5+s3] =	stream.indirect_vreg.scatter [tilespmem:s18], [sflag:$0x1], $0x80, v3, vm0, $0xb8;
	[tilespmem:$0x10080] =	vst v63  }
0x38: {  	_ = 	snop  }
0x39: {  	[hbm4b:s6+s3] =	stream.indirect_vreg.scatter [tilespmem:s19], [sflag:$0x1], $0x80, v3, vm0, $0xb8;
	[tilespmem:$0x10080] =	vst v63  }
0x3a: {  	_ = 	snop  }
0x3b: {  	[hbm4b:s7+s3] =	stream.indirect_vreg.scatter [tilespmem:s20], [sflag:$0x1], $0x80, v3, vm0, $0xb8;
	[tilespmem:$0x10080] =	vst v63  }
0x3c: {  	_ = 	snop  }
0x3d: {  	[hbm4b:s8+s3] =	stream.indirect_vreg.scatter [tilespmem:s21], [sflag:$0x1], $0x80, v3, vm0, $0xb8;
	[tilespmem:$0x10080] =	vst v63  }
0x3e: {  	_ = 	snop  }
0x3f: {  	[hbm4b:s9+s3] =	stream.indirect_vreg.scatter [tilespmem:s22], [sflag:$0x1], $0x80, v3, vm0, $0xb8;
	[tilespmem:$0x10080] =	vst v63  }
0x40: {  	_ = 	snop  }
0x41: {  	[hbm4b:s10+s3] =	stream.indirect_vreg.scatter [tilespmem:s23], [sflag:$0x1], $0x80, v3, vm0, $0xb8;
	[tilespmem:$0x10080] =	vst v63  }
0x42: {  	v3 =	vld [tilespmem:$0x10];
	_ =	sdelay $0x4  }
0x43: {  	v61 =	vshll.u32 v3, $0x4  }
0x44: {  	v3 =	vand.u32 $0x7, v3;
	v4 =	vand.u32 $0xFFFFFF80, v61  }
0x45: {  	v3 =	vor.u32 v3, v4  }
0x46: {  	v4 =	vperm.xlane v3, v0;
	_ =	sdelay $0x1  }
0x47: {  	v4 =	vadd.s32 v1, v4;
	_ =	sdelay $0x4  }
0x48: {  	[hbm4b:s2+s3] =	stream.indirect_vreg.scatter [tilespmem:s24], [sflag:$0x1], $0x80, v4, vm0, $0xb8;
	[tilespmem:$0x10080] =	vst v63  }
0x49: {  	_ = 	snop  }
0x4a: {  	[hbm4b:s4+s3] =	stream.indirect_vreg.scatter [tilespmem:s25], [sflag:$0x1], $0x80, v4, vm0, $0xb8;
	[tilespmem:$0x10080] =	vst v63  }
0x4b: {  	_ = 	snop  }
0x4c: {  	[hbm4b:s5+s3] =	stream.indirect_vreg.scatter [tilespmem:s13], [sflag:$0x1], $0x80, v4, vm0, $0xb8;
	[tilespmem:$0x10080] =	vst v63  }
0x4d: {  	s28 =	simm.s32 $0x9880  }
0x4e: {  	[hbm4b:s6+s3] =	stream.indirect_vreg.scatter [tilespmem:s28], [sflag:$0x1], $0x80, v4, vm0, $0xb8;
	[tilespmem:$0x10080] =	vst v63  }
0x4f: {  	s28 =	simm.s32 $0xA080  }
0x50: {  	[hbm4b:s7+s3] =	stream.indirect_vreg.scatter [tilespmem:s28], [sflag:$0x1], $0x80, v4, vm0, $0xb8;
	[tilespmem:$0x10080] =	vst v63  }
0x51: {  	v3 =	vperm.xlane v3, v2;
	s28 =	simm.s32 $0xA880  }
0x52: {  	[hbm4b:s8+s3] =	stream.indirect_vreg.scatter [tilespmem:s28], [sflag:$0x1], $0x80, v4, vm0, $0xb8;
	[tilespmem:$0x10080] =	vst v63  }
0x53: {  	v3 =	vadd.s32 v1, v3;
	s28 =	simm.s32 $0xB080  }
0x54: {  	[hbm4b:s9+s3] =	stream.indirect_vreg.scatter [tilespmem:s28], [sflag:$0x1], $0x80, v4, vm0, $0xb8;
	[tilespmem:$0x10080] =	vst v63  }
0x55: {  	s28 =	simm.s32 $0xB880  }
0x56: {  	[hbm4b:s10+s3] =	stream.indirect_vreg.scatter [tilespmem:s28], [sflag:$0x1], $0x80, v4, vm0, $0xb8;
	[tilespmem:$0x10080] =	vst v63  }
0x57: {  	s28 =	simm.s32 $0xC080  }
0x58: {  	[hbm4b:s2+s3] =	stream.indirect_vreg.scatter [tilespmem:s28], [sflag:$0x1], $0x80, v3, vm0, $0xb8;
	[tilespmem:$0x10080] =	vst v63  }
0x59: {  	s28 =	simm.s32 $0xC880  }
0x5a: {  	[hbm4b:s4+s3] =	stream.indirect_vreg.scatter [tilespmem:s28], [sflag:$0x1], $0x80, v3, vm0, $0xb8;
	[tilespmem:$0x10080] =	vst v63  }
0x5b: {  	s28 =	simm.s32 $0xD080  }
0x5c: {  	[hbm4b:s5+s3] =	stream.indirect_vreg.scatter [tilespmem:s28], [sflag:$0x1], $0x80, v3, vm0, $0xb8;
	[tilespmem:$0x10080] =	vst v63  }
0x5d: {  	s28 =	simm.s32 $0xD880  }
0x5e: {  	[hbm4b:s6+s3] =	stream.indirect_vreg.scatter [tilespmem:s28], [sflag:$0x1], $0x80, v3, vm0, $0xb8;
	[tilespmem:$0x10080] =	vst v63  }
0x5f: {  	s28 =	simm.s32 $0xE080  }
0x60: {  	[hbm4b:s7+s3] =	stream.indirect_vreg.scatter [tilespmem:s28], [sflag:$0x1], $0x80, v3, vm0, $0xb8;
	[tilespmem:$0x10080] =	vst v63  }
0x61: {  	s28 =	simm.s32 $0xE880  }
0x62: {  	[hbm4b:s8+s3] =	stream.indirect_vreg.scatter [tilespmem:s28], [sflag:$0x1], $0x80, v3, vm0, $0xb8;
	[tilespmem:$0x10080] =	vst v63  }
0x63: {  	s28 =	simm.s32 $0xF080  }
0x64: {  	[hbm4b:s9+s3] =	stream.indirect_vreg.scatter [tilespmem:s28], [sflag:$0x1], $0x80, v3, vm0, $0xb8;
	[tilespmem:$0x10080] =	vst v63  }
0x65: {  	s28 =	simm.s32 $0xF880  }
0x66: {  	[hbm4b:s10+s3] =	stream.indirect_vreg.scatter [tilespmem:s28], [sflag:$0x1], $0x80, v3, vm0, $0xb8;
	[tilespmem:$0x10080] =	vst v63  }
0x67: {  	_ =	swait.ge [sflag:s26], $0x10000  }
0x68: {  	[sflag:s26] =	ssyncset.done $0x0  }
0x69: {  	s28 =	rddreg [dreg:$0x5];
	[sflag:s26] =	ssyncadd.s32 $0xFFFF0000  }
0x6a: {  	[tilespmem:s3], [sflag:$0x2] =	stream.linear.gather [hbm4b:s28+s3], $0x20, $0x38;
	[tilespmem:$0x10080] =	vst v63  }
0x6b: {  	_ =	swait.ge [sflag:s12], $0x20  }
0x6c: {  	[sflag:s12] =	ssyncset.done $0x0  }
0x6d: {  	s28 =	rddreg [dreg:$0x6];
	[sflag:s12] =	ssyncadd.s32 $0xFFFFFFE0  }
0x6e: {  	[tilespmem:s0], [sflag:$0x2] =	stream.linear.gather [hbm4b:s28+s3], $0x10000, $0x38;
	[tilespmem:$0x10080] =	vst v63  }
0x6f: {  	_ =	swait.ge [sflag:s12], $0x10000  }
0x70: {  	[sflag:s12] =	ssyncset.done $0x0  }
0x71: {  	[sflag:s12] =	ssyncadd.s32 $0xFFFF0000  }
0x72: {  	v3 =	vld [tilespmem:$0x0];
	_ =	sdelay $0x4  }
0x73: {  	v62 =	vshll.u32 v3, $0x4  }
0x74: {  	v3 =	vand.u32 $0x7, v3;
	v4 =	vand.u32 $0xFFFFFF80, v62  }
0x75: {  	v3 =	vor.u32 v3, v4  }
0x76: {  	v4 =	vperm.xlane v3, v0;
	_ =	sdelay $0x1  }
0x77: {  	v4 =	vadd.s32 v1, v4;
	_ =	sdelay $0x4  }
0x78: {  	[hbm4b:s2+s3] =	stream.indirect_vreg.scatter [tilespmem:s0], [sflag:$0x1], $0x80, v4, vm0, $0xb8;
	[tilespmem:$0x10080] =	vst v63  }
0x79: {  	_ = 	snop  }
0x7a: {  	[hbm4b:s4+s3] =	stream.indirect_vreg.scatter [tilespmem:s29], [sflag:$0x1], $0x80, v4, vm0, $0xb8;
	[tilespmem:$0x10080] =	vst v63  }
0x7b: {  	_ = 	snop  }
0x7c: {  	[hbm4b:s5+s3] =	stream.indirect_vreg.scatter [tilespmem:s30], [sflag:$0x1], $0x80, v4, vm0, $0xb8;
	[tilespmem:$0x10080] =	vst v63  }
0x7d: {  	_ = 	snop  }
0x7e: {  	[hbm4b:s6+s3] =	stream.indirect_vreg.scatter [tilespmem:s31], [sflag:$0x1], $0x80, v4, vm0, $0xb8;
	[tilespmem:$0x10080] =	vst v63  }
0x7f: {  	s28 =	simm.s32 $0x2080  }
0x80: {  	[hbm4b:s7+s3] =	stream.indirect_vreg.scatter [tilespmem:s28], [sflag:$0x1], $0x80, v4, vm0, $0xb8;
	[tilespmem:$0x10080] =	vst v63  }
0x81: {  	v3 =	vperm.xlane v3, v2  }
0x82: {  	[hbm4b:s8+s3] =	stream.indirect_vreg.scatter [tilespmem:s1], [sflag:$0x1], $0x80, v4, vm0, $0xb8;
	[tilespmem:$0x10080] =	vst v63  }
0x83: {  	v3 =	vadd.s32 v1, v3  }
0x84: {  	[hbm4b:s9+s3] =	stream.indirect_vreg.scatter [tilespmem:s14], [sflag:$0x1], $0x80, v4, vm0, $0xb8;
	[tilespmem:$0x10080] =	vst v63  }
0x85: {  	_ = 	snop  }
0x86: {  	[hbm4b:s10+s3] =	stream.indirect_vreg.scatter [tilespmem:s15], [sflag:$0x1], $0x80, v4, vm0, $0xb8;
	[tilespmem:$0x10080] =	vst v63  }
0x87: {  	_ = 	snop  }
0x88: {  	[hbm4b:s2+s3] =	stream.indirect_vreg.scatter [tilespmem:s16], [sflag:$0x1], $0x80, v3, vm0, $0xb8;
	[tilespmem:$0x10080] =	vst v63  }
0x89: {  	_ = 	snop  }
0x8a: {  	[hbm4b:s4+s3] =	stream.indirect_vreg.scatter [tilespmem:s17], [sflag:$0x1], $0x80, v3, vm0, $0xb8;
	[tilespmem:$0x10080] =	vst v63  }
0x8b: {  	_ = 	snop  }
0x8c: {  	[hbm4b:s5+s3] =	stream.indirect_vreg.scatter [tilespmem:s18], [sflag:$0x1], $0x80, v3, vm0, $0xb8;
	[tilespmem:$0x10080] =	vst v63  }
0x8d: {  	_ = 	snop  }
0x8e: {  	[hbm4b:s6+s3] =	stream.indirect_vreg.scatter [tilespmem:s19], [sflag:$0x1], $0x80, v3, vm0, $0xb8;
	[tilespmem:$0x10080] =	vst v63  }
0x8f: {  	_ = 	snop  }
0x90: {  	[hbm4b:s7+s3] =	stream.indirect_vreg.scatter [tilespmem:s20], [sflag:$0x1], $0x80, v3, vm0, $0xb8;
	[tilespmem:$0x10080] =	vst v63  }
0x91: {  	_ = 	snop  }
0x92: {  	[hbm4b:s8+s3] =	stream.indirect_vreg.scatter [tilespmem:s21], [sflag:$0x1], $0x80, v3, vm0, $0xb8;
	[tilespmem:$0x10080] =	vst v63  }
0x93: {  	_ = 	snop  }
0x94: {  	[hbm4b:s9+s3] =	stream.indirect_vreg.scatter [tilespmem:s22], [sflag:$0x1], $0x80, v3, vm0, $0xb8;
	[tilespmem:$0x10080] =	vst v63  }
0x95: {  	_ = 	snop  }
0x96: {  	[hbm4b:s10+s3] =	stream.indirect_vreg.scatter [tilespmem:s23], [sflag:$0x1], $0x80, v3, vm0, $0xb8;
	[tilespmem:$0x10080] =	vst v63  }
0x97: {  	v3 =	vld [tilespmem:$0x10];
	_ =	sdelay $0x4  }
0x98: {  	v63 =	vshll.u32 v3, $0x4  }
0x99: {  	v3 =	vand.u32 $0x7, v3;
	v4 =	vand.u32 $0xFFFFFF80, v63  }
0x9a: {  	v3 =	vor.u32 v3, v4  }
0x9b: {  	v4 =	vperm.xlane v3, v0;
	_ =	sdelay $0x1  }
0x9c: {  	v4 =	vadd.s32 v1, v4;
	_ =	sdelay $0x4  }
0x9d: {  	[hbm4b:s2+s3] =	stream.indirect_vreg.scatter [tilespmem:s24], [sflag:$0x1], $0x80, v4, vm0, $0xb8;
	[tilespmem:$0x10080] =	vst v63  }
0x9e: {  	_ = 	snop  }
0x9f: {  	[hbm4b:s4+s3] =	stream.indirect_vreg.scatter [tilespmem:s25], [sflag:$0x1], $0x80, v4, vm0, $0xb8;
	[tilespmem:$0x10080] =	vst v63  }
0xa0: {  	_ = 	snop  }
0xa1: {  	[hbm4b:s5+s3] =	stream.indirect_vreg.scatter [tilespmem:s13], [sflag:$0x1], $0x80, v4, vm0, $0xb8;
	[tilespmem:$0x10080] =	vst v63  }
0xa2: {  	s28 =	simm.s32 $0x9880  }
0xa3: {  	[hbm4b:s6+s3] =	stream.indirect_vreg.scatter [tilespmem:s28], [sflag:$0x1], $0x80, v4, vm0, $0xb8;
	[tilespmem:$0x10080] =	vst v63  }
0xa4: {  	s1 =	simm.s32 $0xA080  }
0xa5: {  	[hbm4b:s7+s3] =	stream.indirect_vreg.scatter [tilespmem:s1], [sflag:$0x1], $0x80, v4, vm0, $0xb8;
	[tilespmem:$0x10080] =	vst v63  }
0xa6: {  	v3 =	vperm.xlane v3, v2;
	s28 =	simm.s32 $0xA880  }
0xa7: {  	[hbm4b:s8+s3] =	stream.indirect_vreg.scatter [tilespmem:s28], [sflag:$0x1], $0x80, v4, vm0, $0xb8;
	[tilespmem:$0x10080] =	vst v63  }
0xa8: {  	v3 =	vadd.s32 v1, v3;
	s1 =	simm.s32 $0xB080  }
0xa9: {  	[hbm4b:s9+s3] =	stream.indirect_vreg.scatter [tilespmem:s1], [sflag:$0x1], $0x80, v4, vm0, $0xb8;
	[tilespmem:$0x10080] =	vst v63  }
0xaa: {  	s28 =	simm.s32 $0xB880  }
0xab: {  	[hbm4b:s10+s3] =	stream.indirect_vreg.scatter [tilespmem:s28], [sflag:$0x1], $0x80, v4, vm0, $0xb8;
	[tilespmem:$0x10080] =	vst v63  }
0xac: {  	s1 =	simm.s32 $0xC080  }
0xad: {  	[hbm4b:s2+s3] =	stream.indirect_vreg.scatter [tilespmem:s1], [sflag:$0x1], $0x80, v3, vm0, $0xb8;
	[tilespmem:$0x10080] =	vst v63  }
0xae: {  	s28 =	simm.s32 $0xC880  }
0xaf: {  	[hbm4b:s4+s3] =	stream.indirect_vreg.scatter [tilespmem:s28], [sflag:$0x1], $0x80, v3, vm0, $0xb8;
	[tilespmem:$0x10080] =	vst v63  }
0xb0: {  	s1 =	simm.s32 $0xD080  }
0xb1: {  	[hbm4b:s5+s3] =	stream.indirect_vreg.scatter [tilespmem:s1], [sflag:$0x1], $0x80, v3, vm0, $0xb8;
	[tilespmem:$0x10080] =	vst v63  }
0xb2: {  	s28 =	simm.s32 $0xD880  }
0xb3: {  	[hbm4b:s6+s3] =	stream.indirect_vreg.scatter [tilespmem:s28], [sflag:$0x1], $0x80, v3, vm0, $0xb8;
	[tilespmem:$0x10080] =	vst v63  }
0xb4: {  	s1 =	simm.s32 $0xE080  }
0xb5: {  	[hbm4b:s7+s3] =	stream.indirect_vreg.scatter [tilespmem:s1], [sflag:$0x1], $0x80, v3, vm0, $0xb8;
	[tilespmem:$0x10080] =	vst v63  }
0xb6: {  	s28 =	simm.s32 $0xE880  }
0xb7: {  	[hbm4b:s8+s3] =	stream.indirect_vreg.scatter [tilespmem:s28], [sflag:$0x1], $0x80, v3, vm0, $0xb8;
	[tilespmem:$0x10080] =	vst v63  }
0xb8: {  	p0 =	sne.s32 s11, $0x1;
	s1 =	simm.s32 $0xF080  }
0xb9: {  	[hbm4b:s9+s3] =	stream.indirect_vreg.scatter [tilespmem:s1], [sflag:$0x1], $0x80, v3, vm0, $0xb8;
	[tilespmem:$0x10080] =	vst v63  }
.Ltmp0:
0xba: {  	s28 =	simm.s32 $0xF880;
	(pc) =	sbr.rel @p0 .LBB2_1-.Ltmp0, $4  }
0xbb: {  	[hbm4b:s10+s3] =	stream.indirect_vreg.scatter [tilespmem:s28], [sflag:$0x1], $0x80, v3, vm0, $0xb8;
	[tilespmem:$0x10080] =	vst v63  }
0xbc: {  	_ =	swait.ge [sflag:s26], $0x10000  }
0xbd: {  	[sflag:s26] =	ssyncset.done $0x0  }
0xbe: {  	s11 =	sadd.s32 $0xFFFFFFFF, s11;
	[sflag:s26] =	ssyncadd.s32 $0xFFFF0000  }
0xbf: {  	_ =	sfence.sel $0x180000  }
0xc0: {  	[bflag:$0x0] =	sbarrier.arrive $0xFFFF  }
0xc1: {  	_ =	strace $0x90000050  }
0xc2: {  	s0 =	stileid.u32;
	[bflag:$0x2] =	sbarrier.arrive $0xFFFF  }
0xc3: {  	p0 =	sne.s32 s0, $0x0;
	s0 =	rddreg [dreg:$0x2]  }
0xc4: {  	s0 =	sadd.s32 @!p0 $0x100000, s0  }
0xc5: {  	[sflag:s0] =	ssyncadd.tile.s32 @!p0 $0x1;
	_ =	shalt  }
.Lfunc_end2:
_tile_overlayer_lowered:
.L_overlay_start_2:
0xc6: {  	(tag) =	ssettag $0x2  }
0xc7: {  	s0 =	rddreg [dreg:$0x0];
	s2 =	stileid.u32  }
0xc8: {  	s1 =	rddreg [dreg:$0x1];
	p0 =	sne.s32 s2, $0x0  }
0xc9: {  	s3 =	rddreg [dreg:$0x2];
	[bflag:$0x3] =	sbarrier.arrive $0xFFFF;
	s2 =	simm.s32 @!p0 $0x1C02  }
0xca: {  	[timem:s3], [sflag:s2] =	dma.local @!p0 [hbm:s0], s1  }
0xcb: {  	s0 =	simm.s32 @!p0 $0x2  }
0xcc: {  	_ =	swait.ge @!p0 [sflag:s0], s1  }
0xcd: {  	s1 =	ssub.s32 @!p0 $0x0, s1;
	[sflag:s0] =	ssyncset.done @!p0 $0x0  }
0xce: {  	[sflag:s0] =	ssyncadd.s32 @!p0 s1  }
0xcf: {  	[bflag:$0x3] =	sbarrier.arrive $0xFFFF  }
0xd0: {  	_ =	shalt  }

// kernel: kernel.7.cloned.1.call-start
scs
__scs_entry_jumppad:
0x0: {  	(pc) =	sbr.rel $0x88, $3  }
0x1: {  	(tag) =	ssettag $0x0;
	lr =	simm.s32 $0x1  }
0x2: {  	[smem:$0x3F9A] =	sst lr;
	_ =	strace $0xD0000000  }
0x3: {  	_ = 	snop  }
0x4: {  	_ = 	snop  }
0x5: {  	_ = 	snop  }
0x6: {  	_ = 	snop  }
0x7: {  	_ = 	snop  }
__scs_overlays_trampoline_lowered:
0x8: {  	[smem:$0x3FA9] =	sst s0  }
0x9: {  	[smem:$0x3FAA] =	sst s1  }
0xa: {  	[smem:$0x3FAB] =	sst s2  }
0xb: {  	[smem:$0x3FAC] =	sst s3  }
0xc: {  	[smem:$0x3FAD] =	sst s4  }
0xd: {  	[smem:$0x3FAE] =	sst s5  }
0xe: {  	[smem:$0x3FAF] =	sst s6  }
0xf: {  	[smem:$0x3FB0] =	sst s7  }
0x10: {  	[smem:$0x3FB1] =	sst s8  }
0x11: {  	[smem:$0x3FB2] =	sst s9;
	s0 =	simm.s32 @!p0 $0x0  }
0x12: {  	s1 =	sld [smem:$0x3F98];
	s0 =	simm.s32 @p0 $0x1  }
0x13: {  	[smem:$0x3FB3] =	sst s0;
	s0 =	simm.s32 @!p1 $0x0  }
0x14: {  	s2 =	sld [smem:$0x3F97];
	s0 =	simm.s32 @p1 $0x1  }
0x15: {  	[smem:$0x3FB4] =	sst s0;
	s0 =	simm.s32 @!p2 $0x0  }
0x16: {  	s3 =	sld [smem:$0x3FDB];
	s0 =	simm.s32 @p2 $0x1  }
0x17: {  	s4 =	simm.s32 $0x1BF5;
	[smem:$0x3FB6] =	sst s0  }
0x18: {  	s0 =	sld [smem:$0x3F99];
	_ =	swait.ge [sflag:s4], $0x0  }
0x19: {  	s7 =	sld [smem:$0x3F9A]  }
0x1a: {  	s8 =	sadd.s32 $0xFFFFE003, lr  }
0x1b: {  	s9 =	sadd.s32 $0xFFFFFEF7, lr;
	s5 =	simm.s32 $0xFFFFFFFF;
	p2 =	slt.u32 s8, $0xFFFFF086  }
0x1c: {  	p1 =	slt.u32 s9, $0xF7A;
	s5 =	simm.s32 @!p2 $0x0  }
0x1d: {  	s5 =	simm.s32 @p1 $0x1;
	p0 =	seq.s32 s7, s2  }
0x1e: {  	s7 =	smul.u32 @!p0 $0xF7A, s2;
	p2 =	seq.s32 @!p0 s5, $0x0  }
0x1f: {  	s9 =	smul.u32 $0xF7A, s1;
	s8 =	simm.s32 @!p0 $0x1BF5;
	p2 =	por !p2, p0  }
0x20: {  	[sflag:s8] =	ssyncset.s32 @!p0 $0xFFFFF086;
	s6 =	sadd.s32 @!p0 s3, s7;
	s7 =	simm.s32 @!p0 $0x108  }
0x21: {  	s3 =	sadd.s32 s3, s9;
	s6 =	sadd.s32 @!p0 $0x88, s6;
	s7 =	simm.s32 @p2 $0x1082  }
0x22: {  	[simem:s7], [sflag:s8] =	dma.local @!p0 [hbm:s6], $0xF7A  }
0x23: {  	s9 =	sor.u32 $0xD0000000, s2;
	s6 =	simm.s32 $0x108;
	_ =	swait.ge @!p0 [sflag:s8], $0x0  }
0x24: {  	s3 =	sadd.s32 $0x88, s3;
	s6 =	simm.s32 @!p1 $0x1082;
	[sflag:s4] =	ssyncset.s32 $0xFFFFF086  }
0x25: {  	[simem:s6], [sflag:s4] =	dma.local [hbm:s3], $0xF7A  }
0x26: {  	[smem:$0x3F9A] =	sst s1;
	(tag) =	ssettag s2;
	_ =	strace s9  }
0x27: {  	s1 =	sld [smem:$0x3FAA]  }
0x28: {  	s2 =	sld [smem:$0x3FAB]  }
0x29: {  	s4 =	sld [smem:$0x3FAD]  }
0x2a: {  	p0 =	seq.s32 s5, $0x0;
	s5 =	sld [smem:$0x3FAE]  }
0x2b: {  	s6 =	sld [smem:$0x3FAF]  }
0x2c: {  	s7 =	sld [smem:$0x3FB0]  }
0x2d: {  	s3 =	simm.s32 $0x108;
	s8 =	sld [smem:$0x3FB1]  }
0x2e: {  	s3 =	simm.s32 @!p0 $0x1082;
	s9 =	sld [smem:$0x3FB2]  }
0x2f: {  	lr =	sadd.s32 s0, s3;
	s0 =	sld [smem:$0x3FA9]  }
0x30: {  	s3 =	sld [smem:$0x3FAC]  }
0x31: {  	[smem:$0x3FB5] =	sst s10  }
0x32: {  	s10 =	sld [smem:$0x3FB3];
	_ =	sdelay $0x3  }
0x33: {  	p0 =	seq.s32 s10, $0x1;
	s10 =	sld [smem:$0x3FB5];
	_ =	sdelay $0x3  }
0x34: {  	[smem:$0x3FB5] =	sst s10  }
0x35: {  	s10 =	sld [smem:$0x3FB4];
	_ =	sdelay $0x3  }
0x36: {  	p1 =	seq.s32 s10, $0x1;
	s10 =	sld [smem:$0x3FB5];
	_ =	sdelay $0x3  }
0x37: {  	[smem:$0x3FB5] =	sst s10  }
0x38: {  	s10 =	sld [smem:$0x3FB6]  }
0x39: {  	_ = 	snop;
	(pc) =	sbr.ind lr, $3  }
0x3a: {  	_ = 	snop  }
0x3b: {  	_ = 	snop  }
0x3c: {  	p2 =	seq.s32 s10, $0x1;
	s10 =	sld [smem:$0x3FB5]  }
0x3d: {  	_ =	shalt  }
0x3e: {  	_ =	shalt  }
0x3f: {  	_ =	shalt  }
0x40: {  	_ =	shalt  }
0x41: {  	_ =	shalt  }
0x42: {  	_ =	shalt  }
0x43: {  	_ =	shalt  }
0x44: {  	_ =	shalt  }
0x45: {  	_ =	shalt  }
0x46: {  	_ =	shalt  }
0x47: {  	_ =	shalt  }
0x48: {  	_ =	shalt  }
0x49: {  	_ =	shalt  }
0x4a: {  	_ =	shalt  }
0x4b: {  	_ =	shalt  }
0x4c: {  	_ =	shalt  }
0x4d: {  	_ =	shalt  }
0x4e: {  	_ =	shalt  }
0x4f: {  	_ =	shalt  }
0x50: {  	_ =	shalt  }
0x51: {  	_ =	shalt  }
0x52: {  	_ =	shalt  }
0x53: {  	_ =	shalt  }
0x54: {  	_ =	shalt  }
0x55: {  	_ =	shalt  }
0x56: {  	_ =	shalt  }
0x57: {  	_ =	shalt  }
0x58: {  	_ =	shalt  }
0x59: {  	_ =	shalt  }
0x5a: {  	_ =	shalt  }
0x5b: {  	_ =	shalt  }
0x5c: {  	_ =	shalt  }
0x5d: {  	_ =	shalt  }
0x5e: {  	_ =	shalt  }
0x5f: {  	_ =	shalt  }
0x60: {  	_ =	shalt  }
0x61: {  	_ =	shalt  }
0x62: {  	_ =	shalt  }
0x63: {  	_ =	shalt  }
0x64: {  	_ =	shalt  }
0x65: {  	_ =	shalt  }
0x66: {  	_ =	shalt  }
0x67: {  	_ =	shalt  }
0x68: {  	_ =	shalt  }
0x69: {  	_ =	shalt  }
0x6a: {  	_ =	shalt  }
0x6b: {  	_ =	shalt  }
0x6c: {  	_ =	shalt  }
0x6d: {  	_ =	shalt  }
0x6e: {  	_ =	shalt  }
0x6f: {  	_ =	shalt  }
0x70: {  	_ =	shalt  }
0x71: {  	_ =	shalt  }
0x72: {  	_ =	shalt  }
0x73: {  	_ =	shalt  }
0x74: {  	_ =	shalt  }
0x75: {  	_ =	shalt  }
0x76: {  	_ =	shalt  }
0x77: {  	_ =	shalt  }
0x78: {  	_ =	shalt  }
0x79: {  	_ =	shalt  }
0x7a: {  	_ =	shalt  }
0x7b: {  	_ =	shalt  }
0x7c: {  	_ =	shalt  }
0x7d: {  	_ =	shalt  }
0x7e: {  	_ =	shalt  }
0x7f: {  	_ =	shalt  }
0x80: {  	_ =	shalt  }
0x81: {  	_ =	shalt  }
0x82: {  	_ =	shalt  }
0x83: {  	_ =	shalt  }
0x84: {  	_ =	shalt  }
0x85: {  	_ =	shalt  }
0x86: {  	_ =	shalt  }
0x87: {  	_ =	shalt  }
.Lfunc_end0:
.L_simem_size_0:
called_computation.1_lowered:
.L_overlay_start_0:
0x88: {  	s2 =	sld [smem:$0x3FD9]  }
0x89: {  	s3 =	sld [smem:$0x3FFE];
	_ =	sdelay $0x1  }
0x8a: {  	s1 =	srdreg.scid  }
0x8b: {  	s0 =	sand.u32 $0x1, s1  }
0x8c: {  	s17 =	sshll.u32 s0, $0xA;
	s2 =	sadd.s32 s3, s2  }
0x8d: {  	s2 =	sadd.s32 s2, s17  }
0x8e: {  	[smem:$0x3FC1] =	sst s2  }
0x8f: {  	_ = 	snop  }
0x90: {  	s18 =	sld [smem:$0x3FC9];
	(tm) =	ssettm $0x1  }
0x91: {  	s19 =	sld [smem:$0x3FFB];
	_ =	sdelay $0x3  }
0x92: {  	_ =	strace s19  }
0x93: {  	s2 =	sld [smem:$0x3FFC];
	_ =	sdelay $0x3  }
0x94: {  	_ =	strace s2  }
0x95: {  	s2 =	sld [smem:$0x3FFD];
	_ =	sdelay $0x3  }
0x96: {  	_ =	strace s2  }
0x97: {  	_ =	strace $0x8FFFFFFF  }
0x98: {  	s20 =	sld [smem:$0x3FDB];
	_ =	sdelay $0x1  }
0x99: {  	s4 =	simm.s32 $_scs_section_size  }
0x9a: {  	s5 =	simm.s32 $_size__tile_overlayer_lowered;
	s6 =	simm.s32 $_tile_overlayer_lowered  }
0x9b: {  	s7 =	simm.s32 $0x1BFF;
	s21 =	sshll.u32 s6, $0x1;
	s4 =	sadd.s32 s4, s20  }
0x9c: {  	s22 =	simm.s32 $0x0;
	s5 =	sshll.u32 s5, $0x1;
	s6 =	sadd.s32 s21, s4  }
0x9d: {  	[timem:s22], [sflag:s7] =	dma.local [hbm:s6], s5  }
0x9e: {  	_ =	swait.ge [sflag:s7], s5  }
0x9f: {  	s5 =	ssub.s32 $0x0, s5;
	[sflag:s7] =	ssyncset.done $0x0  }
0xa0: {  	[sflag:s7] =	ssyncadd.s32 s5;
	_ =	sdelay $0x1  }
0xa1: {  	s23 =	simm.s32 $0x1B8B  }
0xa2: {  	_ =	swait.ge [sflag:s23], $0x1  }
0xa3: {  	[sflag:s23] =	ssyncset.done $0x0  }
0xa4: {  	[sflag:s23] =	ssyncadd.s32 $0xFFFFFFFF  }
0xa5: {  	s5 =	sld [smem:$0x0]  }
0xa6: {  	s6 =	sand.u32 $0xFFFFFFFE, s1  }
0xa7: {  	p0 =	sne.s32 s1, s6  }
0xa8: {  	s6 =	sshll.u32 @p0 s6, $0xE  }
0xa9: {  	s6 =	sadd.s32 @p0 $0x11B8D, s6;
	s7 =	sshll.u32 @p0 s5, $0x11  }
0xaa: {  	s6 =	sor.u32 @p0 s7, s6  }
0xab: {  	[sflag:s6] =	ssyncadd.remote.s32 @p0 $0x1;
	_ =	sdelay $0x1  }
0xac: {  	s6 =	simm.s32 @p0 $0x1B8D  }
0xad: {  	_ =	swait.eq @p0 [sflag:s6], $0x1  }
0xae: {  	[sflag:s6] =	ssyncadd.s32 @p0 $0xFFFFFFFF  }
0xaf: {  	s7 =	sshll.u32 @!p0 s1, $0xE  }
0xb0: {  	s7 =	sor.u32 @!p0 $0x4000, s7;
	s6 =	simm.s32 @!p0 $0x1B8D  }
0xb1: {  	s5 =	sshll.u32 @!p0 s5, $0x11;
	s7 =	sadd.s32 @!p0 $0x11B8D, s7;
	_ =	swait.eq @!p0 [sflag:s6], $0x1  }
0xb2: {  	s5 =	sor.u32 @!p0 s5, s7;
	[sflag:s6] =	ssyncadd.s32 @!p0 $0xFFFFFFFF  }
0xb3: {  	s25 =	simm.s32 $0x1B8E;
	s24 =	sld [smem:$0x3FFE];
	[sflag:s5] =	ssyncadd.remote.s32 @!p0 $0x1  }
0xb4: {  	s26 =	simm.s32 $execute0_lowered;
	[smem:$0x3FD2] =	sst s25  }
0xb5: {  	s6 =	sshll.u32 s26, $0x1;
	_ =	strace $0x80000049;
	[dreg:$0x1] =	wrdreg $0xFFFFFFFF  }
0xb6: {  	s28 =	simm.s32 $_size_execute0_lowered;
	s4 =	sadd.s32 s4, s6;
	[dreg:$0x0] =	wrdreg $0x0  }
0xb7: {  	s6 =	sshll.u32 s28, $0x1;
	[dreg:$0x2] =	wrdreg s4  }
0xb8: {  	[dreg:$0x3] =	wrdreg s6  }
0xb9: {  	[dreg:$0x4] =	wrdreg $0xC0  }
0xba: {  	_ =	task [dreg:s22], $0x5FFFF  }
0xbb: {  	[dreg:$0x1] =	wrdreg $0xFFFFFFFF  }
0xbc: {  	[dreg:$0x0] =	wrdreg $0x60  }
0xbd: {  	[dreg:$0x2] =	wrdreg s18  }
0xbe: {  	[dreg:$0x3] =	wrdreg s24  }
0xbf: {  	[dreg:$0x4] =	wrdreg $0x9  }
0xc0: {  	_ =	task.clear_ibuf [dreg:s22], $0x5FFFF;
	_ =	strace $0x90000049  }
0xc1: {  	s29 =	simm.s32 $0x9;
	_ =	strace $0x8000004B  }
0xc2: {  	_ =	swait.ge [sflag:s29], $0x1  }
0xc3: {  	[sflag:s29] =	ssyncadd.s32 $0xFFFFFFFF  }
0xc4: {  	_ =	strace $0x9000004B  }
0xc5: {  	_ =	sfence  }
0xc6: {  	s30 =	sld [smem:$0x0];
	_ =	sdelay $0x2  }
0xc7: {  	s31 =	sshll.u32 s1, $0xD;
	s1 =	sshrl.u32 s1, $0x2  }
0xc8: {  	s4 =	sand.u32 $0x4000, s31;
	s1 =	sadd.s32 s1, s30  }
0xc9: {  	s0 =	sor.u32 s4, s0;
	s1 =	sshll.u32 s1, $0x11  }
0xca: {  	s0 =	sor.u32 s1, s0  }
0xcb: {  	s0 =	sadd.s32 $0x8F2B, s0  }
0xcc: {  	[sflag:s0] =	ssyncadd.remote.s32 $0x1  }
0xcd: {  	_ =	sfence.sel $0xFFFF  }
0xce: {  	[dreg:$0x0] =	wrdreg $0xFFFFFFFF;
	(pc) =	sbr.abs _section_cstart, $3  }
0xcf: {  	[dreg:$0x1] =	wrdreg $0xFFFFFFFF  }
0xd0: {  	_ =	task.clear_ibuf [dreg:s22], $0x2FFFF;
	_ =	strace $0x9FFFFFFF  }
0xd1: {  	(tm) =	ssettm $0x7FFFFFFF  }
tec
execute0_lowered:
.L_overlay_start_1:
0x0: {  	(tag) =	ssettag $0x1  }
0x1: {  	s1 =	rddreg [dreg:$0x0]  }
0x2: {  	s0 =	rddreg [dreg:$0x1]  }
0x3: {  	s2 =	srdreg.scid;
	s3 =	simm.s32 $0x0;
	s4 =	stileid.u32  }
0x4: {  	s29 =	simm.s32 $0x880;
	s30 =	simm.s32 $0x1080;
	s31 =	simm.s32 $0x1880  }
0x5: {  	s14 =	simm.s32 $0x3080;
	s15 =	simm.s32 $0x3880;
	s16 =	simm.s32 $0x4080  }
0x6: {  	s17 =	simm.s32 $0x4880;
	s18 =	simm.s32 $0x5080;
	s19 =	simm.s32 $0x5880  }
0x7: {  	s20 =	simm.s32 $0x6080;
	s21 =	simm.s32 $0x6880;
	s22 =	simm.s32 $0x7080  }
0x8: {  	s23 =	simm.s32 $0x7880;
	s24 =	simm.s32 $0x8080;
	s25 =	simm.s32 $0x8880  }
0x9: {  	s2 =	sand.u32 $0x1, s2;
	[smem:$0x7FF] =	sst s3;
	s4 =	sshll.u32 s4, $0x7  }
0xa: {  	s10 =	sadd.s32 $0x1E00, s0;
	s0 =	sadd.s32 $0x2000, s0;
	s6 =	sadd.s32 $0x300, s1  }
0xb: {  	s7 =	sadd.s32 $0x400, s1;
	s8 =	sadd.s32 $0x500, s1;
	s5 =	sshll.u32 s2, $0x6  }
0xc: {  	_ =	strace $0x8000004A;
	s2 =	ssub.s32 $0x2, s2;
	s9 =	sor.u32 s5, s4  }
0xd: {  	s26 =	sshrl.u32 s2, $0x1;
	s5 =	sadd.s32 $0x200, s1;
	s4 =	sshrl.u32 s9, $0x3  }
0xe: {  	s2 =	ssub.s32 s2, s26;
	s11 =	sshll.u32 s9, $0x8;
	s12 =	sor.u32 $0x20, s9  }
0xf: {  	s9 =	sadd.s32 $0x600, s1;
	s26 =	simm.s32 $0x1;
	s4 =	sadd.s32 s10, s4  }
0x10: {  	s11 =	sadd.s32 s0, s11;
	s13 =	sshrl.u32 s12, $0x3;
	[dreg:$0x3] =	wrdreg s4  }
0x11: {  	s12 =	sshll.u32 s12, $0x8;
	s4 =	sadd.s32 $0x100, s1;
	[dreg:$0x4] =	wrdreg s11  }
0x12: {  	v2 =	vlaneseq.u32;
	s28 =	sadd.s32 s10, s13;
	s10 =	sadd.s32 $0x700, s1;
	s0 =	sadd.s32 s0, s12  }
0x13: {  	vm0 =	vmmov $0xffff;
	v1 =	vshrl.u32 v2, $0x3;
	s11 =	smax.u32 s2, $0x1;
	s12 =	simm.s32 $0x2;
	[dreg:$0x5] =	wrdreg s28  }
0x14: {  	v0 =	vand.u32 $0x7, v2;
	v2 =	vor.u32 $0x8, v2;
	v1 =	vmul.u32 $0x8, v1;
	s13 =	simm.s32 $0x9080;
	[dreg:$0x6] =	wrdreg s0;
	s0 =	simm.s32 $0x80  }
.LBB2_1:
0x15: {  	s28 =	rddreg [dreg:$0x3]  }
0x16: {  	[tilespmem:s3], [sflag:$0x2] =	stream.linear.gather [hbm4b:s28+s3], $0x20, $0x38;
	[tilespmem:$0x10080] =	vst v63  }
0x17: {  	_ =	swait.ge [sflag:s12], $0x20  }
0x18: {  	[sflag:s12] =	ssyncset.done $0x0  }
0x19: {  	[sflag:s12] =	ssyncadd.s32 $0xFFFFFFE0  }
0x1a: {  	v3 =	vld [tilespmem:$0x0];
	_ =	sdelay $0x4  }
0x1b: {  	v4 =	vshll.u32 v3, $0x4  }
0x1c: {  	v3 =	vand.u32 $0x7, v3;
	v4 =	vand.u32 $0xFFFFFF80, v4  }
0x1d: {  	v3 =	vor.u32 v3, v4  }
0x1e: {  	v4 =	vperm.xlane v3, v0;
	_ =	sdelay $0x1  }
0x1f: {  	v4 =	vadd.s32 v1, v4;
	_ =	sdelay $0x4  }
0x20: {  	[tilespmem:s0], [sflag:$0x1] =	stream.indirect_vreg.gather [hbm4b:s1+s3], $0x80, v4, vm0, $0xb8;
	[tilespmem:$0x10080] =	vst v63  }
0x21: {  	_ = 	snop  }
0x22: {  	[tilespmem:s29], [sflag:$0x1] =	stream.indirect_vreg.gather [hbm4b:s4+s3], $0x80, v4, vm0, $0xb8;
	[tilespmem:$0x10080] =	vst v63  }
0x23: {  	_ = 	snop  }
0x24: {  	[tilespmem:s30], [sflag:$0x1] =	stream.indirect_vreg.gather [hbm4b:s5+s3], $0x80, v4, vm0, $0xb8;
	[tilespmem:$0x10080] =	vst v63  }
0x25: {  	_ = 	snop  }
0x26: {  	[tilespmem:s31], [sflag:$0x1] =	stream.indirect_vreg.gather [hbm4b:s6+s3], $0x80, v4, vm0, $0xb8;
	[tilespmem:$0x10080] =	vst v63  }
0x27: {  	s2 =	simm.s32 $0x2080  }
0x28: {  	[tilespmem:s2], [sflag:$0x1] =	stream.indirect_vreg.gather [hbm4b:s7+s3], $0x80, v4, vm0, $0xb8;
	[tilespmem:$0x10080] =	vst v63  }
0x29: {  	v3 =	vperm.xlane v3, v2;
	s2 =	simm.s32 $0x2880  }
0x2a: {  	[tilespmem:s2], [sflag:$0x1] =	stream.indirect_vreg.gather [hbm4b:s8+s3], $0x80, v4, vm0, $0xb8;
	[tilespmem:$0x10080] =	vst v63  }
0x2b: {  	v3 =	vadd.s32 v1, v3  }
0x2c: {  	[tilespmem:s14], [sflag:$0x1] =	stream.indirect_vreg.gather [hbm4b:s9+s3], $0x80, v4, vm0, $0xb8;
	[tilespmem:$0x10080] =	vst v63  }
0x2d: {  	_ = 	snop  }
0x2e: {  	[tilespmem:s15], [sflag:$0x1] =	stream.indirect_vreg.gather [hbm4b:s10+s3], $0x80, v4, vm0, $0xb8;
	[tilespmem:$0x10080] =	vst v63  }
0x2f: {  	_ = 	snop  }
0x30: {  	[tilespmem:s16], [sflag:$0x1] =	stream.indirect_vreg.gather [hbm4b:s1+s3], $0x80, v3, vm0, $0xb8;
	[tilespmem:$0x10080] =	vst v63  }
0x31: {  	_ = 	snop  }
0x32: {  	[tilespmem:s17], [sflag:$0x1] =	stream.indirect_vreg.gather [hbm4b:s4+s3], $0x80, v3, vm0, $0xb8;
	[tilespmem:$0x10080] =	vst v63  }
0x33: {  	_ = 	snop  }
0x34: {  	[tilespmem:s18], [sflag:$0x1] =	stream.indirect_vreg.gather [hbm4b:s5+s3], $0x80, v3, vm0, $0xb8;
	[tilespmem:$0x10080] =	vst v63  }
0x35: {  	_ = 	snop  }
0x36: {  	[tilespmem:s19], [sflag:$0x1] =	stream.indirect_vreg.gather [hbm4b:s6+s3], $0x80, v3, vm0, $0xb8;
	[tilespmem:$0x10080] =	vst v63  }
0x37: {  	_ = 	snop  }
0x38: {  	[tilespmem:s20], [sflag:$0x1] =	stream.indirect_vreg.gather [hbm4b:s7+s3], $0x80, v3, vm0, $0xb8;
	[tilespmem:$0x10080] =	vst v63  }
0x39: {  	_ = 	snop  }
0x3a: {  	[tilespmem:s21], [sflag:$0x1] =	stream.indirect_vreg.gather [hbm4b:s8+s3], $0x80, v3, vm0, $0xb8;
	[tilespmem:$0x10080] =	vst v63  }
0x3b: {  	_ = 	snop  }
0x3c: {  	[tilespmem:s22], [sflag:$0x1] =	stream.indirect_vreg.gather [hbm4b:s9+s3], $0x80, v3, vm0, $0xb8;
	[tilespmem:$0x10080] =	vst v63  }
0x3d: {  	_ = 	snop  }
0x3e: {  	[tilespmem:s23], [sflag:$0x1] =	stream.indirect_vreg.gather [hbm4b:s10+s3], $0x80, v3, vm0, $0xb8;
	[tilespmem:$0x10080] =	vst v63  }
0x3f: {  	v3 =	vld [tilespmem:$0x10];
	_ =	sdelay $0x4  }
0x40: {  	v61 =	vshll.u32 v3, $0x4  }
0x41: {  	v3 =	vand.u32 $0x7, v3;
	v4 =	vand.u32 $0xFFFFFF80, v61  }
0x42: {  	v3 =	vor.u32 v3, v4  }
0x43: {  	v4 =	vperm.xlane v3, v0;
	_ =	sdelay $0x1  }
0x44: {  	v4 =	vadd.s32 v1, v4;
	_ =	sdelay $0x4  }
0x45: {  	[tilespmem:s24], [sflag:$0x1] =	stream.indirect_vreg.gather [hbm4b:s1+s3], $0x80, v4, vm0, $0xb8;
	[tilespmem:$0x10080] =	vst v63  }
0x46: {  	_ = 	snop  }
0x47: {  	[tilespmem:s25], [sflag:$0x1] =	stream.indirect_vreg.gather [hbm4b:s4+s3], $0x80, v4, vm0, $0xb8;
	[tilespmem:$0x10080] =	vst v63  }
0x48: {  	_ = 	snop  }
0x49: {  	[tilespmem:s13], [sflag:$0x1] =	stream.indirect_vreg.gather [hbm4b:s5+s3], $0x80, v4, vm0, $0xb8;
	[tilespmem:$0x10080] =	vst v63  }
0x4a: {  	s28 =	simm.s32 $0x9880  }
0x4b: {  	[tilespmem:s28], [sflag:$0x1] =	stream.indirect_vreg.gather [hbm4b:s6+s3], $0x80, v4, vm0, $0xb8;
	[tilespmem:$0x10080] =	vst v63  }
0x4c: {  	s28 =	simm.s32 $0xA080  }
0x4d: {  	[tilespmem:s28], [sflag:$0x1] =	stream.indirect_vreg.gather [hbm4b:s7+s3], $0x80, v4, vm0, $0xb8;
	[tilespmem:$0x10080] =	vst v63  }
0x4e: {  	v3 =	vperm.xlane v3, v2;
	s28 =	simm.s32 $0xA880  }
0x4f: {  	[tilespmem:s28], [sflag:$0x1] =	stream.indirect_vreg.gather [hbm4b:s8+s3], $0x80, v4, vm0, $0xb8;
	[tilespmem:$0x10080] =	vst v63  }
0x50: {  	v3 =	vadd.s32 v1, v3;
	s28 =	simm.s32 $0xB080  }
0x51: {  	[tilespmem:s28], [sflag:$0x1] =	stream.indirect_vreg.gather [hbm4b:s9+s3], $0x80, v4, vm0, $0xb8;
	[tilespmem:$0x10080] =	vst v63  }
0x52: {  	s28 =	simm.s32 $0xB880  }
0x53: {  	[tilespmem:s28], [sflag:$0x1] =	stream.indirect_vreg.gather [hbm4b:s10+s3], $0x80, v4, vm0, $0xb8;
	[tilespmem:$0x10080] =	vst v63  }
0x54: {  	s28 =	simm.s32 $0xC080  }
0x55: {  	[tilespmem:s28], [sflag:$0x1] =	stream.indirect_vreg.gather [hbm4b:s1+s3], $0x80, v3, vm0, $0xb8;
	[tilespmem:$0x10080] =	vst v63  }
0x56: {  	s28 =	simm.s32 $0xC880  }
0x57: {  	[tilespmem:s28], [sflag:$0x1] =	stream.indirect_vreg.gather [hbm4b:s4+s3], $0x80, v3, vm0, $0xb8;
	[tilespmem:$0x10080] =	vst v63  }
0x58: {  	s28 =	simm.s32 $0xD080  }
0x59: {  	[tilespmem:s28], [sflag:$0x1] =	stream.indirect_vreg.gather [hbm4b:s5+s3], $0x80, v3, vm0, $0xb8;
	[tilespmem:$0x10080] =	vst v63  }
0x5a: {  	s28 =	simm.s32 $0xD880  }
0x5b: {  	[tilespmem:s28], [sflag:$0x1] =	stream.indirect_vreg.gather [hbm4b:s6+s3], $0x80, v3, vm0, $0xb8;
	[tilespmem:$0x10080] =	vst v63  }
0x5c: {  	s28 =	simm.s32 $0xE080  }
0x5d: {  	[tilespmem:s28], [sflag:$0x1] =	stream.indirect_vreg.gather [hbm4b:s7+s3], $0x80, v3, vm0, $0xb8;
	[tilespmem:$0x10080] =	vst v63  }
0x5e: {  	s28 =	simm.s32 $0xE880  }
0x5f: {  	[tilespmem:s28], [sflag:$0x1] =	stream.indirect_vreg.gather [hbm4b:s8+s3], $0x80, v3, vm0, $0xb8;
	[tilespmem:$0x10080] =	vst v63  }
0x60: {  	s28 =	simm.s32 $0xF080  }
0x61: {  	[tilespmem:s28], [sflag:$0x1] =	stream.indirect_vreg.gather [hbm4b:s9+s3], $0x80, v3, vm0, $0xb8;
	[tilespmem:$0x10080] =	vst v63  }
0x62: {  	s28 =	simm.s32 $0xF880  }
0x63: {  	[tilespmem:s28], [sflag:$0x1] =	stream.indirect_vreg.gather [hbm4b:s10+s3], $0x80, v3, vm0, $0xb8;
	[tilespmem:$0x10080] =	vst v63  }
0x64: {  	_ =	swait.ge [sflag:s26], $0x10000  }
0x65: {  	[sflag:s26] =	ssyncset.done $0x0  }
0x66: {  	s28 =	rddreg [dreg:$0x4];
	[sflag:s26] =	ssyncadd.s32 $0xFFFF0000  }
0x67: {  	[hbm4b:s28+s3] =	stream.linear.scatter [tilespmem:s0], [sflag:$0x2], $0x10000, $0x38;
	[tilespmem:$0x10080] =	vst v63  }
0x68: {  	_ =	swait.ge [sflag:s12], $0x10000  }
0x69: {  	[sflag:s12] =	ssyncset.done $0x0  }
0x6a: {  	s28 =	rddreg [dreg:$0x5];
	[sflag:s12] =	ssyncadd.s32 $0xFFFF0000  }
0x6b: {  	[tilespmem:s3], [sflag:$0x2] =	stream.linear.gather [hbm4b:s28+s3], $0x20, $0x38;
	[tilespmem:$0x10080] =	vst v63  }
0x6c: {  	_ =	swait.ge [sflag:s12], $0x20  }
0x6d: {  	[sflag:s12] =	ssyncset.done $0x0  }
0x6e: {  	[sflag:s12] =	ssyncadd.s32 $0xFFFFFFE0  }
0x6f: {  	v3 =	vld [tilespmem:$0x0];
	_ =	sdelay $0x4  }
0x70: {  	v62 =	vshll.u32 v3, $0x4  }
0x71: {  	v3 =	vand.u32 $0x7, v3;
	v4 =	vand.u32 $0xFFFFFF80, v62  }
0x72: {  	v3 =	vor.u32 v3, v4  }
0x73: {  	v4 =	vperm.xlane v3, v0;
	_ =	sdelay $0x1  }
0x74: {  	v4 =	vadd.s32 v1, v4;
	_ =	sdelay $0x4  }
0x75: {  	[tilespmem:s0], [sflag:$0x1] =	stream.indirect_vreg.gather [hbm4b:s1+s3], $0x80, v4, vm0, $0xb8;
	[tilespmem:$0x10080] =	vst v63  }
0x76: {  	_ = 	snop  }
0x77: {  	[tilespmem:s29], [sflag:$0x1] =	stream.indirect_vreg.gather [hbm4b:s4+s3], $0x80, v4, vm0, $0xb8;
	[tilespmem:$0x10080] =	vst v63  }
0x78: {  	_ = 	snop  }
0x79: {  	[tilespmem:s30], [sflag:$0x1] =	stream.indirect_vreg.gather [hbm4b:s5+s3], $0x80, v4, vm0, $0xb8;
	[tilespmem:$0x10080] =	vst v63  }
0x7a: {  	_ = 	snop  }
0x7b: {  	[tilespmem:s31], [sflag:$0x1] =	stream.indirect_vreg.gather [hbm4b:s6+s3], $0x80, v4, vm0, $0xb8;
	[tilespmem:$0x10080] =	vst v63  }
0x7c: {  	s28 =	simm.s32 $0x2080  }
0x7d: {  	[tilespmem:s28], [sflag:$0x1] =	stream.indirect_vreg.gather [hbm4b:s7+s3], $0x80, v4, vm0, $0xb8;
	[tilespmem:$0x10080] =	vst v63  }
0x7e: {  	v3 =	vperm.xlane v3, v2  }
0x7f: {  	[tilespmem:s2], [sflag:$0x1] =	stream.indirect_vreg.gather [hbm4b:s8+s3], $0x80, v4, vm0, $0xb8;
	[tilespmem:$0x10080] =	vst v63  }
0x80: {  	v3 =	vadd.s32 v1, v3  }
0x81: {  	[tilespmem:s14], [sflag:$0x1] =	stream.indirect_vreg.gather [hbm4b:s9+s3], $0x80, v4, vm0, $0xb8;
	[tilespmem:$0x10080] =	vst v63  }
0x82: {  	_ = 	snop  }
0x83: {  	[tilespmem:s15], [sflag:$0x1] =	stream.indirect_vreg.gather [hbm4b:s10+s3], $0x80, v4, vm0, $0xb8;
	[tilespmem:$0x10080] =	vst v63  }
0x84: {  	_ = 	snop  }
0x85: {  	[tilespmem:s16], [sflag:$0x1] =	stream.indirect_vreg.gather [hbm4b:s1+s3], $0x80, v3, vm0, $0xb8;
	[tilespmem:$0x10080] =	vst v63  }
0x86: {  	_ = 	snop  }
0x87: {  	[tilespmem:s17], [sflag:$0x1] =	stream.indirect_vreg.gather [hbm4b:s4+s3], $0x80, v3, vm0, $0xb8;
	[tilespmem:$0x10080] =	vst v63  }
0x88: {  	_ = 	snop  }
0x89: {  	[tilespmem:s18], [sflag:$0x1] =	stream.indirect_vreg.gather [hbm4b:s5+s3], $0x80, v3, vm0, $0xb8;
	[tilespmem:$0x10080] =	vst v63  }
0x8a: {  	_ = 	snop  }
0x8b: {  	[tilespmem:s19], [sflag:$0x1] =	stream.indirect_vreg.gather [hbm4b:s6+s3], $0x80, v3, vm0, $0xb8;
	[tilespmem:$0x10080] =	vst v63  }
0x8c: {  	_ = 	snop  }
0x8d: {  	[tilespmem:s20], [sflag:$0x1] =	stream.indirect_vreg.gather [hbm4b:s7+s3], $0x80, v3, vm0, $0xb8;
	[tilespmem:$0x10080] =	vst v63  }
0x8e: {  	_ = 	snop  }
0x8f: {  	[tilespmem:s21], [sflag:$0x1] =	stream.indirect_vreg.gather [hbm4b:s8+s3], $0x80, v3, vm0, $0xb8;
	[tilespmem:$0x10080] =	vst v63  }
0x90: {  	_ = 	snop  }
0x91: {  	[tilespmem:s22], [sflag:$0x1] =	stream.indirect_vreg.gather [hbm4b:s9+s3], $0x80, v3, vm0, $0xb8;
	[tilespmem:$0x10080] =	vst v63  }
0x92: {  	_ = 	snop  }
0x93: {  	[tilespmem:s23], [sflag:$0x1] =	stream.indirect_vreg.gather [hbm4b:s10+s3], $0x80, v3, vm0, $0xb8;
	[tilespmem:$0x10080] =	vst v63  }
0x94: {  	v3 =	vld [tilespmem:$0x10];
	_ =	sdelay $0x4  }
0x95: {  	v63 =	vshll.u32 v3, $0x4  }
0x96: {  	v3 =	vand.u32 $0x7, v3;
	v4 =	vand.u32 $0xFFFFFF80, v63  }
0x97: {  	v3 =	vor.u32 v3, v4  }
0x98: {  	v4 =	vperm.xlane v3, v0;
	_ =	sdelay $0x1  }
0x99: {  	v4 =	vadd.s32 v1, v4;
	_ =	sdelay $0x4  }
0x9a: {  	[tilespmem:s24], [sflag:$0x1] =	stream.indirect_vreg.gather [hbm4b:s1+s3], $0x80, v4, vm0, $0xb8;
	[tilespmem:$0x10080] =	vst v63  }
0x9b: {  	_ = 	snop  }
0x9c: {  	[tilespmem:s25], [sflag:$0x1] =	stream.indirect_vreg.gather [hbm4b:s4+s3], $0x80, v4, vm0, $0xb8;
	[tilespmem:$0x10080] =	vst v63  }
0x9d: {  	_ = 	snop  }
0x9e: {  	[tilespmem:s13], [sflag:$0x1] =	stream.indirect_vreg.gather [hbm4b:s5+s3], $0x80, v4, vm0, $0xb8;
	[tilespmem:$0x10080] =	vst v63  }
0x9f: {  	s28 =	simm.s32 $0x9880  }
0xa0: {  	[tilespmem:s28], [sflag:$0x1] =	stream.indirect_vreg.gather [hbm4b:s6+s3], $0x80, v4, vm0, $0xb8;
	[tilespmem:$0x10080] =	vst v63  }
0xa1: {  	s28 =	simm.s32 $0xA080  }
0xa2: {  	[tilespmem:s28], [sflag:$0x1] =	stream.indirect_vreg.gather [hbm4b:s7+s3], $0x80, v4, vm0, $0xb8;
	[tilespmem:$0x10080] =	vst v63  }
0xa3: {  	v3 =	vperm.xlane v3, v2;
	s28 =	simm.s32 $0xA880  }
0xa4: {  	[tilespmem:s28], [sflag:$0x1] =	stream.indirect_vreg.gather [hbm4b:s8+s3], $0x80, v4, vm0, $0xb8;
	[tilespmem:$0x10080] =	vst v63  }
0xa5: {  	v3 =	vadd.s32 v1, v3;
	s28 =	simm.s32 $0xB080  }
0xa6: {  	[tilespmem:s28], [sflag:$0x1] =	stream.indirect_vreg.gather [hbm4b:s9+s3], $0x80, v4, vm0, $0xb8;
	[tilespmem:$0x10080] =	vst v63  }
0xa7: {  	s28 =	simm.s32 $0xB880  }
0xa8: {  	[tilespmem:s28], [sflag:$0x1] =	stream.indirect_vreg.gather [hbm4b:s10+s3], $0x80, v4, vm0, $0xb8;
	[tilespmem:$0x10080] =	vst v63  }
0xa9: {  	s28 =	simm.s32 $0xC080  }
0xaa: {  	[tilespmem:s28], [sflag:$0x1] =	stream.indirect_vreg.gather [hbm4b:s1+s3], $0x80, v3, vm0, $0xb8;
	[tilespmem:$0x10080] =	vst v63  }
0xab: {  	s28 =	simm.s32 $0xC880  }
0xac: {  	[tilespmem:s28], [sflag:$0x1] =	stream.indirect_vreg.gather [hbm4b:s4+s3], $0x80, v3, vm0, $0xb8;
	[tilespmem:$0x10080] =	vst v63  }
0xad: {  	s28 =	simm.s32 $0xD080  }
0xae: {  	[tilespmem:s28], [sflag:$0x1] =	stream.indirect_vreg.gather [hbm4b:s5+s3], $0x80, v3, vm0, $0xb8;
	[tilespmem:$0x10080] =	vst v63  }
0xaf: {  	s28 =	simm.s32 $0xD880  }
0xb0: {  	[tilespmem:s28], [sflag:$0x1] =	stream.indirect_vreg.gather [hbm4b:s6+s3], $0x80, v3, vm0, $0xb8;
	[tilespmem:$0x10080] =	vst v63  }
0xb1: {  	s28 =	simm.s32 $0xE080  }
0xb2: {  	[tilespmem:s28], [sflag:$0x1] =	stream.indirect_vreg.gather [hbm4b:s7+s3], $0x80, v3, vm0, $0xb8;
	[tilespmem:$0x10080] =	vst v63  }
0xb3: {  	s28 =	simm.s32 $0xE880  }
0xb4: {  	[tilespmem:s28], [sflag:$0x1] =	stream.indirect_vreg.gather [hbm4b:s8+s3], $0x80, v3, vm0, $0xb8;
	[tilespmem:$0x10080] =	vst v63  }
0xb5: {  	s28 =	simm.s32 $0xF080  }
0xb6: {  	[tilespmem:s28], [sflag:$0x1] =	stream.indirect_vreg.gather [hbm4b:s9+s3], $0x80, v3, vm0, $0xb8;
	[tilespmem:$0x10080] =	vst v63  }
0xb7: {  	s28 =	simm.s32 $0xF880  }
0xb8: {  	[tilespmem:s28], [sflag:$0x1] =	stream.indirect_vreg.gather [hbm4b:s10+s3], $0x80, v3, vm0, $0xb8;
	[tilespmem:$0x10080] =	vst v63  }
0xb9: {  	_ =	swait.ge [sflag:s26], $0x10000  }
0xba: {  	p0 =	sne.s32 s11, $0x1;
	[sflag:s26] =	ssyncset.done $0x0  }
.Ltmp0:
0xbb: {  	s2 =	rddreg [dreg:$0x6];
	[sflag:s26] =	ssyncadd.s32 $0xFFFF0000;
	(pc) =	sbr.rel @p0 .LBB2_1-.Ltmp0, $4  }
0xbc: {  	[hbm4b:s2+s3] =	stream.linear.scatter [tilespmem:s0], [sflag:$0x2], $0x10000, $0x38;
	[tilespmem:$0x10080] =	vst v63  }
0xbd: {  	_ =	swait.ge [sflag:s12], $0x10000  }
0xbe: {  	[sflag:s12] =	ssyncset.done $0x0  }
0xbf: {  	s11 =	sadd.s32 $0xFFFFFFFF, s11;
	[sflag:s12] =	ssyncadd.s32 $0xFFFF0000  }
0xc0: {  	_ =	sfence.sel $0x180000  }
0xc1: {  	[bflag:$0x0] =	sbarrier.arrive $0xFFFF  }
0xc2: {  	_ =	strace $0x9000004A  }
0xc3: {  	s0 =	stileid.u32;
	[bflag:$0x2] =	sbarrier.arrive $0xFFFF  }
0xc4: {  	p0 =	sne.s32 s0, $0x0;
	s0 =	rddreg [dreg:$0x2]  }
0xc5: {  	s0 =	sadd.s32 @!p0 $0x100000, s0  }
0xc6: {  	[sflag:s0] =	ssyncadd.tile.s32 @!p0 $0x1;
	_ =	shalt  }
.Lfunc_end2:
_tile_overlayer_lowered:
.L_overlay_start_2:
0xc7: {  	(tag) =	ssettag $0x2  }
0xc8: {  	s0 =	rddreg [dreg:$0x0];
	s2 =	stileid.u32  }
0xc9: {  	s1 =	rddreg [dreg:$0x1];
	p0 =	sne.s32 s2, $0x0  }
0xca: {  	s3 =	rddreg [dreg:$0x2];
	[bflag:$0x3] =	sbarrier.arrive $0xFFFF;
	s2 =	simm.s32 @!p0 $0x1C02  }
0xcb: {  	[timem:s3], [sflag:s2] =	dma.local @!p0 [hbm:s0], s1  }
0xcc: {  	s0 =	simm.s32 @!p0 $0x2  }
0xcd: {  	_ =	swait.ge @!p0 [sflag:s0], s1  }
0xce: {  	s1 =	ssub.s32 @!p0 $0x0, s1;
	[sflag:s0] =	ssyncset.done @!p0 $0x0  }
0xcf: {  	[sflag:s0] =	ssyncadd.s32 @!p0 s1  }
0xd0: {  	[bflag:$0x3] =	sbarrier.arrive $0xFFFF  }
0xd1: {  	_ =	shalt  }

// kernel: sc_copy_0.3.cloned.1.call-start
scs
__scs_entry_jumppad:
0x0: {  	(pc) =	sbr.rel $0x88, $3  }
0x1: {  	(tag) =	ssettag $0x0;
	lr =	simm.s32 $0x1  }
0x2: {  	[smem:$0x3F9A] =	sst lr;
	_ =	strace $0xD0000000  }
0x3: {  	_ = 	snop  }
0x4: {  	_ = 	snop  }
0x5: {  	_ = 	snop  }
0x6: {  	_ = 	snop  }
0x7: {  	_ = 	snop  }
__scs_overlays_trampoline_lowered:
0x8: {  	[smem:$0x3FA9] =	sst s0  }
0x9: {  	[smem:$0x3FAA] =	sst s1  }
0xa: {  	[smem:$0x3FAB] =	sst s2  }
0xb: {  	[smem:$0x3FAC] =	sst s3  }
0xc: {  	[smem:$0x3FAD] =	sst s4  }
0xd: {  	[smem:$0x3FAE] =	sst s5  }
0xe: {  	[smem:$0x3FAF] =	sst s6  }
0xf: {  	[smem:$0x3FB0] =	sst s7  }
0x10: {  	[smem:$0x3FB1] =	sst s8  }
0x11: {  	[smem:$0x3FB2] =	sst s9;
	s0 =	simm.s32 @!p0 $0x0  }
0x12: {  	s1 =	sld [smem:$0x3F98];
	s0 =	simm.s32 @p0 $0x1  }
0x13: {  	[smem:$0x3FB3] =	sst s0;
	s0 =	simm.s32 @!p1 $0x0  }
0x14: {  	s2 =	sld [smem:$0x3F97];
	s0 =	simm.s32 @p1 $0x1  }
0x15: {  	[smem:$0x3FB4] =	sst s0;
	s0 =	simm.s32 @!p2 $0x0  }
0x16: {  	s3 =	sld [smem:$0x3FDB];
	s0 =	simm.s32 @p2 $0x1  }
0x17: {  	s4 =	simm.s32 $0x1BF5;
	[smem:$0x3FB6] =	sst s0  }
0x18: {  	s0 =	sld [smem:$0x3F99];
	_ =	swait.ge [sflag:s4], $0x0  }
0x19: {  	s7 =	sld [smem:$0x3F9A]  }
0x1a: {  	s8 =	sadd.s32 $0xFFFFE003, lr  }
0x1b: {  	s9 =	sadd.s32 $0xFFFFFEF7, lr;
	s5 =	simm.s32 $0xFFFFFFFF;
	p2 =	slt.u32 s8, $0xFFFFF086  }
0x1c: {  	p1 =	slt.u32 s9, $0xF7A;
	s5 =	simm.s32 @!p2 $0x0  }
0x1d: {  	s5 =	simm.s32 @p1 $0x1;
	p0 =	seq.s32 s7, s2  }
0x1e: {  	s7 =	smul.u32 @!p0 $0xF7A, s2;
	p2 =	seq.s32 @!p0 s5, $0x0  }
0x1f: {  	s9 =	smul.u32 $0xF7A, s1;
	s8 =	simm.s32 @!p0 $0x1BF5;
	p2 =	por !p2, p0  }
0x20: {  	[sflag:s8] =	ssyncset.s32 @!p0 $0xFFFFF086;
	s6 =	sadd.s32 @!p0 s3, s7;
	s7 =	simm.s32 @!p0 $0x108  }
0x21: {  	s3 =	sadd.s32 s3, s9;
	s6 =	sadd.s32 @!p0 $0x88, s6;
	s7 =	simm.s32 @p2 $0x1082  }
0x22: {  	[simem:s7], [sflag:s8] =	dma.local @!p0 [hbm:s6], $0xF7A  }
0x23: {  	s9 =	sor.u32 $0xD0000000, s2;
	s6 =	simm.s32 $0x108;
	_ =	swait.ge @!p0 [sflag:s8], $0x0  }
0x24: {  	s3 =	sadd.s32 $0x88, s3;
	s6 =	simm.s32 @!p1 $0x1082;
	[sflag:s4] =	ssyncset.s32 $0xFFFFF086  }
0x25: {  	[simem:s6], [sflag:s4] =	dma.local [hbm:s3], $0xF7A  }
0x26: {  	[smem:$0x3F9A] =	sst s1;
	(tag) =	ssettag s2;
	_ =	strace s9  }
0x27: {  	s1 =	sld [smem:$0x3FAA]  }
0x28: {  	s2 =	sld [smem:$0x3FAB]  }
0x29: {  	s4 =	sld [smem:$0x3FAD]  }
0x2a: {  	p0 =	seq.s32 s5, $0x0;
	s5 =	sld [smem:$0x3FAE]  }
0x2b: {  	s6 =	sld [smem:$0x3FAF]  }
0x2c: {  	s7 =	sld [smem:$0x3FB0]  }
0x2d: {  	s3 =	simm.s32 $0x108;
	s8 =	sld [smem:$0x3FB1]  }
0x2e: {  	s3 =	simm.s32 @!p0 $0x1082;
	s9 =	sld [smem:$0x3FB2]  }
0x2f: {  	lr =	sadd.s32 s0, s3;
	s0 =	sld [smem:$0x3FA9]  }
0x30: {  	s3 =	sld [smem:$0x3FAC]  }
0x31: {  	[smem:$0x3FB5] =	sst s10  }
0x32: {  	s10 =	sld [smem:$0x3FB3];
	_ =	sdelay $0x3  }
0x33: {  	p0 =	seq.s32 s10, $0x1;
	s10 =	sld [smem:$0x3FB5];
	_ =	sdelay $0x3  }
0x34: {  	[smem:$0x3FB5] =	sst s10  }
0x35: {  	s10 =	sld [smem:$0x3FB4];
	_ =	sdelay $0x3  }
0x36: {  	p1 =	seq.s32 s10, $0x1;
	s10 =	sld [smem:$0x3FB5];
	_ =	sdelay $0x3  }
0x37: {  	[smem:$0x3FB5] =	sst s10  }
0x38: {  	s10 =	sld [smem:$0x3FB6]  }
0x39: {  	_ = 	snop;
	(pc) =	sbr.ind lr, $3  }
0x3a: {  	_ = 	snop  }
0x3b: {  	_ = 	snop  }
0x3c: {  	p2 =	seq.s32 s10, $0x1;
	s10 =	sld [smem:$0x3FB5]  }
0x3d: {  	_ =	shalt  }
0x3e: {  	_ =	shalt  }
0x3f: {  	_ =	shalt  }
0x40: {  	_ =	shalt  }
0x41: {  	_ =	shalt  }
0x42: {  	_ =	shalt  }
0x43: {  	_ =	shalt  }
0x44: {  	_ =	shalt  }
0x45: {  	_ =	shalt  }
0x46: {  	_ =	shalt  }
0x47: {  	_ =	shalt  }
0x48: {  	_ =	shalt  }
0x49: {  	_ =	shalt  }
0x4a: {  	_ =	shalt  }
0x4b: {  	_ =	shalt  }
0x4c: {  	_ =	shalt  }
0x4d: {  	_ =	shalt  }
0x4e: {  	_ =	shalt  }
0x4f: {  	_ =	shalt  }
0x50: {  	_ =	shalt  }
0x51: {  	_ =	shalt  }
0x52: {  	_ =	shalt  }
0x53: {  	_ =	shalt  }
0x54: {  	_ =	shalt  }
0x55: {  	_ =	shalt  }
0x56: {  	_ =	shalt  }
0x57: {  	_ =	shalt  }
0x58: {  	_ =	shalt  }
0x59: {  	_ =	shalt  }
0x5a: {  	_ =	shalt  }
0x5b: {  	_ =	shalt  }
0x5c: {  	_ =	shalt  }
0x5d: {  	_ =	shalt  }
0x5e: {  	_ =	shalt  }
0x5f: {  	_ =	shalt  }
0x60: {  	_ =	shalt  }
0x61: {  	_ =	shalt  }
0x62: {  	_ =	shalt  }
0x63: {  	_ =	shalt  }
0x64: {  	_ =	shalt  }
0x65: {  	_ =	shalt  }
0x66: {  	_ =	shalt  }
0x67: {  	_ =	shalt  }
0x68: {  	_ =	shalt  }
0x69: {  	_ =	shalt  }
0x6a: {  	_ =	shalt  }
0x6b: {  	_ =	shalt  }
0x6c: {  	_ =	shalt  }
0x6d: {  	_ =	shalt  }
0x6e: {  	_ =	shalt  }
0x6f: {  	_ =	shalt  }
0x70: {  	_ =	shalt  }
0x71: {  	_ =	shalt  }
0x72: {  	_ =	shalt  }
0x73: {  	_ =	shalt  }
0x74: {  	_ =	shalt  }
0x75: {  	_ =	shalt  }
0x76: {  	_ =	shalt  }
0x77: {  	_ =	shalt  }
0x78: {  	_ =	shalt  }
0x79: {  	_ =	shalt  }
0x7a: {  	_ =	shalt  }
0x7b: {  	_ =	shalt  }
0x7c: {  	_ =	shalt  }
0x7d: {  	_ =	shalt  }
0x7e: {  	_ =	shalt  }
0x7f: {  	_ =	shalt  }
0x80: {  	_ =	shalt  }
0x81: {  	_ =	shalt  }
0x82: {  	_ =	shalt  }
0x83: {  	_ =	shalt  }
0x84: {  	_ =	shalt  }
0x85: {  	_ =	shalt  }
0x86: {  	_ =	shalt  }
0x87: {  	_ =	shalt  }
.Lfunc_end0:
.L_simem_size_0:
called_computation_lowered:
.L_overlay_start_0:
0x88: {  	s2 =	sld [smem:$0x3FD9]  }
0x89: {  	s3 =	sld [smem:$0x3FFE];
	_ =	sdelay $0x1  }
0x8a: {  	s1 =	srdreg.scid  }
0x8b: {  	s0 =	sand.u32 $0x1, s1  }
0x8c: {  	s15 =	sshll.u32 s0, $0xA;
	s2 =	sadd.s32 s3, s2  }
0x8d: {  	s2 =	sadd.s32 s2, s15  }
0x8e: {  	[smem:$0x3FC1] =	sst s2  }
0x8f: {  	_ = 	snop  }
0x90: {  	s2 =	sld [smem:$0x3FD0];
	_ =	sdelay $0x2  }
0x91: {  	s4 =	simm.s32 $0xB;
	s5 =	simm.s32 $0x10;
	s16 =	sld [smem:$0x3FC9]  }
0x92: {  	[smem:s5], [sflag:s4] =	dma.local [hbm:s2], $0x1  }
0x93: {  	_ =	swait.eq [sflag:s4], $0x1  }
0x94: {  	[sflag:s4] =	ssyncset.done $0x0  }
0x95: {  	[sflag:s4] =	ssyncadd.s32 $0xFFFFFFFF  }
0x96: {  	s17 =	sld [smem:$0x10];
	(tm) =	ssettm $0x1  }
0x97: {  	s18 =	sld [smem:$0x3FFB];
	_ =	sdelay $0x3  }
0x98: {  	_ =	strace s18  }
0x99: {  	s4 =	sld [smem:$0x3FFC];
	_ =	sdelay $0x3  }
0x9a: {  	_ =	strace s4  }
0x9b: {  	s4 =	sld [smem:$0x3FFD];
	_ =	sdelay $0x3  }
0x9c: {  	_ =	strace s4  }
0x9d: {  	_ =	strace $0x8FFFFFFF  }
0x9e: {  	s19 =	sld [smem:$0x3FDB];
	_ =	sdelay $0x1  }
0x9f: {  	s20 =	simm.s32 $_scs_section_size  }
0xa0: {  	s6 =	simm.s32 $_size__tile_overlayer_lowered;
	s7 =	simm.s32 $_tile_overlayer_lowered  }
0xa1: {  	s23 =	simm.s32 $0x1BFF;
	s22 =	sshll.u32 s7, $0x1;
	s4 =	sadd.s32 s20, s19  }
0xa2: {  	s8 =	simm.s32 $0x0;
	s21 =	sshll.u32 s6, $0x1;
	s6 =	sadd.s32 s22, s4  }
0xa3: {  	[timem:s8], [sflag:s23] =	dma.local [hbm:s6], s21  }
0xa4: {  	_ =	swait.ge [sflag:s23], s21  }
0xa5: {  	s5 =	ssub.s32 $0x0, s21;
	[sflag:s23] =	ssyncset.done $0x0  }
0xa6: {  	[sflag:s23] =	ssyncadd.s32 s5;
	_ =	sdelay $0x1  }
0xa7: {  	s24 =	simm.s32 $0x1B8B  }
0xa8: {  	_ =	swait.ge [sflag:s24], $0x1  }
0xa9: {  	[sflag:s24] =	ssyncset.done $0x0  }
0xaa: {  	s25 =	simm.s32 $0x1B8E;
	[sflag:s24] =	ssyncadd.s32 $0xFFFFFFFF  }
0xab: {  	s26 =	simm.s32 $execute0_lowered;
	[smem:$0x3FD2] =	sst s25  }
0xac: {  	s5 =	sshll.u32 s26, $0x1;
	_ =	strace $0x80000046;
	[dreg:$0x1] =	wrdreg $0xFFFFFFFF  }
0xad: {  	s28 =	simm.s32 $_size_execute0_lowered;
	s4 =	sadd.s32 s4, s5;
	[dreg:$0x0] =	wrdreg $0x0  }
0xae: {  	s5 =	sshll.u32 s28, $0x1;
	[dreg:$0x2] =	wrdreg s4  }
0xaf: {  	[dreg:$0x3] =	wrdreg s5  }
0xb0: {  	[dreg:$0x4] =	wrdreg $0xC0  }
0xb1: {  	_ =	task [dreg:s8], $0x5FFFF  }
0xb2: {  	[dreg:$0x1] =	wrdreg $0xFFFFFFFF  }
0xb3: {  	[dreg:$0x0] =	wrdreg $0x60  }
0xb4: {  	[dreg:$0x2] =	wrdreg s16  }
0xb5: {  	[dreg:$0x3] =	wrdreg s17  }
0xb6: {  	[dreg:$0x4] =	wrdreg $0xA  }
0xb7: {  	_ =	task.clear_ibuf [dreg:s8], $0x5FFFF;
	_ =	strace $0x90000046  }
0xb8: {  	s29 =	simm.s32 $0xA;
	_ =	strace $0x80000048  }
0xb9: {  	_ =	swait.ge [sflag:s29], $0x1  }
0xba: {  	[sflag:s29] =	ssyncadd.s32 $0xFFFFFFFF  }
0xbb: {  	_ =	strace $0x90000048  }
0xbc: {  	_ =	sfence  }
0xbd: {  	s30 =	sld [smem:$0x0];
	_ =	sdelay $0x2  }
0xbe: {  	s31 =	sshll.u32 s1, $0xD;
	s1 =	sshrl.u32 s1, $0x2  }
0xbf: {  	s3 =	sand.u32 $0x4000, s31;
	s1 =	sadd.s32 s1, s30  }
0xc0: {  	s0 =	sor.u32 s3, s0;
	s1 =	sshll.u32 s1, $0x11  }
0xc1: {  	s0 =	sor.u32 s1, s0  }
0xc2: {  	s0 =	sadd.s32 $0x8F2B, s0  }
0xc3: {  	[sflag:s0] =	ssyncadd.remote.s32 $0x1  }
0xc4: {  	_ =	sfence.sel $0xFFFF  }
0xc5: {  	[dreg:$0x0] =	wrdreg $0xFFFFFFFF;
	(pc) =	sbr.abs _section_cstart, $3  }
0xc6: {  	[dreg:$0x1] =	wrdreg $0xFFFFFFFF  }
0xc7: {  	_ =	task.clear_ibuf [dreg:s8], $0x2FFFF;
	_ =	strace $0x9FFFFFFF  }
0xc8: {  	(tm) =	ssettm $0x7FFFFFFF  }
0xc9: {  	_ =	shalt  }
tec
execute0_lowered:
.L_overlay_start_1:
0x0: {  	(tag) =	ssettag $0x1  }
0x1: {  	s21 =	rddreg [dreg:$0x0]  }
0x2: {  	s23 =	rddreg [dreg:$0x1];
	s2 =	srdreg.scid  }
0x3: {  	s0 =	rddreg [dreg:$0x2];
	s1 =	stileid.u32;
	s24 =	sand.u32 $0x1, s2  }
0x4: {  	s2 =	simm.s32 $0x0;
	s3 =	sshll.u32 s1, $0x12;
	s4 =	sshll.u32 s24, $0x11  }
0x5: {  	[smem:$0x7FF] =	sst s2;
	s22 =	sor.u32 s4, s3  }
0x6: {  	_ =	strace $0x80000047;
	s3 =	sadd.s32 s21, s22;
	s11 =	sor.u32 $0x2000, s22  }
0x7: {  	[tilespmem:s2], [sflag:$0x1] =	stream.linear.gather [hbm4b:s3+s2], $0x10000, $0x38;
	v63 =	vld [tilespmem:$0x0]  }
0x8: {  	s5 =	simm.s32 $0x10000;
	s6 =	simm.s32 $0x1;
	s4 =	sadd.s32 s21, s11  }
0x9: {  	[tilespmem:s5], [sflag:$0x2] =	stream.linear.gather [hbm4b:s4+s2], $0x10000, $0x38;
	v63 =	vld [tilespmem:$0x0]  }
0xa: {  	_ =	swait.ge [sflag:s6], $0x10000  }
0xb: {  	[sflag:s6] =	ssyncset.done $0x0  }
0xc: {  	s8 =	simm.s32 $0x3;
	s7 =	sadd.s32 s23, s22;
	[sflag:s6] =	ssyncadd.s32 $0xFFFF0000  }
0xd: {  	[hbm4b:s7+s2] =	stream.linear.scatter [tilespmem:s2], [sflag:$0x3], $0x10000, $0x38;
	v63 =	vld [tilespmem:$0x0]  }
0xe: {  	_ =	swait.ge [sflag:s8], $0x10000  }
0xf: {  	s14 =	sor.u32 $0x4000, s22;
	[sflag:s8] =	ssyncset.done $0x0  }
0x10: {  	s10 =	simm.s32 $0x2;
	s9 =	sadd.s32 s21, s14;
	[sflag:s8] =	ssyncadd.s32 $0xFFFF0000  }
0x11: {  	[tilespmem:s2], [sflag:$0x1] =	stream.linear.gather [hbm4b:s9+s2], $0x10000, $0x38;
	v63 =	vld [tilespmem:$0x0]  }
0x12: {  	_ =	swait.ge [sflag:s10], $0x10000  }
0x13: {  	[sflag:s10] =	ssyncset.done $0x0  }
0x14: {  	s12 =	sadd.s32 s23, s11;
	s11 =	simm.s32 $0x4;
	[sflag:s10] =	ssyncadd.s32 $0xFFFF0000  }
0x15: {  	[hbm4b:s12+s2] =	stream.linear.scatter [tilespmem:s5], [sflag:$0x4], $0x10000, $0x38;
	v63 =	vld [tilespmem:$0x0]  }
0x16: {  	_ =	swait.ge [sflag:s11], $0x10000  }
0x17: {  	s16 =	sor.u32 $0x6000, s22;
	[sflag:s11] =	ssyncset.done $0x0  }
0x18: {  	s13 =	sadd.s32 s21, s16;
	[sflag:s11] =	ssyncadd.s32 $0xFFFF0000  }
0x19: {  	[tilespmem:s5], [sflag:$0x2] =	stream.linear.gather [hbm4b:s13+s2], $0x10000, $0x38;
	v63 =	vld [tilespmem:$0x0]  }
0x1a: {  	_ =	swait.ge [sflag:s6], $0x10000  }
0x1b: {  	[sflag:s6] =	ssyncset.done $0x0  }
0x1c: {  	s14 =	sadd.s32 s23, s14;
	[sflag:s6] =	ssyncadd.s32 $0xFFFF0000  }
0x1d: {  	[hbm4b:s14+s2] =	stream.linear.scatter [tilespmem:s2], [sflag:$0x3], $0x10000, $0x38;
	v63 =	vld [tilespmem:$0x0]  }
0x1e: {  	_ =	swait.ge [sflag:s8], $0x10000  }
0x1f: {  	s18 =	sor.u32 $0x8000, s22;
	[sflag:s8] =	ssyncset.done $0x0  }
0x20: {  	s15 =	sadd.s32 s21, s18;
	[sflag:s8] =	ssyncadd.s32 $0xFFFF0000  }
0x21: {  	[tilespmem:s2], [sflag:$0x1] =	stream.linear.gather [hbm4b:s15+s2], $0x10000, $0x38;
	v63 =	vld [tilespmem:$0x0]  }
0x22: {  	_ =	swait.ge [sflag:s10], $0x10000  }
0x23: {  	[sflag:s10] =	ssyncset.done $0x0  }
0x24: {  	s16 =	sadd.s32 s23, s16;
	[sflag:s10] =	ssyncadd.s32 $0xFFFF0000  }
0x25: {  	[hbm4b:s16+s2] =	stream.linear.scatter [tilespmem:s5], [sflag:$0x4], $0x10000, $0x38;
	v63 =	vld [tilespmem:$0x0]  }
0x26: {  	_ =	swait.ge [sflag:s11], $0x10000  }
0x27: {  	s20 =	sor.u32 $0xA000, s22;
	[sflag:s11] =	ssyncset.done $0x0  }
0x28: {  	s17 =	sadd.s32 s21, s20;
	[sflag:s11] =	ssyncadd.s32 $0xFFFF0000  }
0x29: {  	[tilespmem:s5], [sflag:$0x2] =	stream.linear.gather [hbm4b:s17+s2], $0x10000, $0x38;
	v63 =	vld [tilespmem:$0x0]  }
0x2a: {  	_ =	swait.ge [sflag:s6], $0x10000  }
0x2b: {  	[sflag:s6] =	ssyncset.done $0x0  }
0x2c: {  	s18 =	sadd.s32 s23, s18;
	[sflag:s6] =	ssyncadd.s32 $0xFFFF0000  }
0x2d: {  	[hbm4b:s18+s2] =	stream.linear.scatter [tilespmem:s2], [sflag:$0x3], $0x10000, $0x38;
	v63 =	vld [tilespmem:$0x0]  }
0x2e: {  	_ =	swait.ge [sflag:s8], $0x10000  }
0x2f: {  	s25 =	sor.u32 $0xC000, s22;
	[sflag:s8] =	ssyncset.done $0x0  }
0x30: {  	s19 =	sadd.s32 s21, s25;
	[sflag:s8] =	ssyncadd.s32 $0xFFFF0000  }
0x31: {  	[tilespmem:s2], [sflag:$0x1] =	stream.linear.gather [hbm4b:s19+s2], $0x10000, $0x38;
	v63 =	vld [tilespmem:$0x0]  }
0x32: {  	_ =	swait.ge [sflag:s10], $0x10000  }
0x33: {  	[sflag:s10] =	ssyncset.done $0x0  }
0x34: {  	s20 =	sadd.s32 s23, s20;
	[sflag:s10] =	ssyncadd.s32 $0xFFFF0000  }
0x35: {  	[hbm4b:s20+s2] =	stream.linear.scatter [tilespmem:s5], [sflag:$0x4], $0x10000, $0x38;
	v63 =	vld [tilespmem:$0x0]  }
0x36: {  	_ =	swait.ge [sflag:s11], $0x10000  }
0x37: {  	s26 =	sor.u32 $0xE000, s22;
	[sflag:s11] =	ssyncset.done $0x0  }
0x38: {  	s21 =	sadd.s32 s21, s26;
	[sflag:s11] =	ssyncadd.s32 $0xFFFF0000  }
0x39: {  	[tilespmem:s5], [sflag:$0x2] =	stream.linear.gather [hbm4b:s21+s2], $0x10000, $0x38;
	v63 =	vld [tilespmem:$0x0]  }
0x3a: {  	_ =	swait.ge [sflag:s6], $0x10000  }
0x3b: {  	s24 =	ssub.s32 $0x2, s24;
	[sflag:s6] =	ssyncset.done $0x0  }
0x3c: {  	s31 =	sshrl.u32 s24, $0x1;
	s22 =	sadd.s32 s23, s25;
	[sflag:s6] =	ssyncadd.s32 $0xFFFF0000  }
0x3d: {  	[hbm4b:s22+s2] =	stream.linear.scatter [tilespmem:s2], [sflag:$0x3], $0x10000, $0x38;
	v63 =	vld [tilespmem:$0x0]  }
0x3e: {  	s24 =	ssub.s32 s24, s31;
	_ =	swait.ge [sflag:s10], $0x10000  }
0x3f: {  	s24 =	smax.u32 s24, $0x1;
	[sflag:s10] =	ssyncset.done $0x0  }
0x40: {  	s23 =	sadd.s32 s23, s26;
	p0 =	sne.s32 s24, $0x1;
	[sflag:s10] =	ssyncadd.s32 $0xFFFF0000  }
0x41: {  	[hbm4b:s23+s2] =	stream.linear.scatter [tilespmem:s5], [sflag:$0x4], $0x10000, $0x38;
	v63 =	vld [tilespmem:$0x0]  }
.Ltmp0:
0x42: {  	_ =	swait.ge [sflag:s8], $0x10000;
	(pc) =	sbr.rel @!p0 .LBB2_2-.Ltmp0, $4  }
0x43: {  	[sflag:s8] =	ssyncset.done $0x0  }
0x44: {  	[sflag:s8] =	ssyncadd.s32 $0xFFFF0000  }
0x45: {  	_ =	swait.ge [sflag:s11], $0x10000  }
0x46: {  	s24 =	sadd.s32 $0xFFFFFFFF, s24;
	[sflag:s11] =	ssyncset.done $0x0  }
.LBB2_1:
0x47: {  	p0 =	sne.s32 s24, $0x1;
	s24 =	sadd.s32 $0xFFFFFFFF, s24;
	[sflag:s11] =	ssyncadd.s32 $0xFFFF0000  }
0x48: {  	[tilespmem:s2], [sflag:$0x1] =	stream.linear.gather [hbm4b:s3+s2], $0x10000, $0x38;
	v63 =	vld [tilespmem:$0x0]  }
0x49: {  	_ = 	snop  }
0x4a: {  	[tilespmem:s5], [sflag:$0x2] =	stream.linear.gather [hbm4b:s4+s2], $0x10000, $0x38;
	v63 =	vld [tilespmem:$0x0]  }
0x4b: {  	_ =	swait.ge [sflag:s6], $0x10000  }
0x4c: {  	[sflag:s6] =	ssyncset.done $0x0  }
0x4d: {  	[sflag:s6] =	ssyncadd.s32 $0xFFFF0000  }
0x4e: {  	[hbm4b:s7+s2] =	stream.linear.scatter [tilespmem:s2], [sflag:$0x3], $0x10000, $0x38;
	v63 =	vld [tilespmem:$0x0]  }
0x4f: {  	_ =	swait.ge [sflag:s8], $0x10000  }
0x50: {  	[sflag:s8] =	ssyncset.done $0x0  }
0x51: {  	[sflag:s8] =	ssyncadd.s32 $0xFFFF0000  }
0x52: {  	[tilespmem:s2], [sflag:$0x1] =	stream.linear.gather [hbm4b:s9+s2], $0x10000, $0x38;
	v63 =	vld [tilespmem:$0x0]  }
0x53: {  	_ =	swait.ge [sflag:s10], $0x10000  }
0x54: {  	[sflag:s10] =	ssyncset.done $0x0  }
0x55: {  	[sflag:s10] =	ssyncadd.s32 $0xFFFF0000  }
0x56: {  	[hbm4b:s12+s2] =	stream.linear.scatter [tilespmem:s5], [sflag:$0x4], $0x10000, $0x38;
	v63 =	vld [tilespmem:$0x0]  }
0x57: {  	_ =	swait.ge [sflag:s11], $0x10000  }
0x58: {  	[sflag:s11] =	ssyncset.done $0x0  }
0x59: {  	[sflag:s11] =	ssyncadd.s32 $0xFFFF0000  }
0x5a: {  	[tilespmem:s5], [sflag:$0x2] =	stream.linear.gather [hbm4b:s13+s2], $0x10000, $0x38;
	v63 =	vld [tilespmem:$0x0]  }
0x5b: {  	_ =	swait.ge [sflag:s6], $0x10000  }
0x5c: {  	[sflag:s6] =	ssyncset.done $0x0  }
0x5d: {  	[sflag:s6] =	ssyncadd.s32 $0xFFFF0000  }
0x5e: {  	[hbm4b:s14+s2] =	stream.linear.scatter [tilespmem:s2], [sflag:$0x3], $0x10000, $0x38;
	v63 =	vld [tilespmem:$0x0]  }
0x5f: {  	_ =	swait.ge [sflag:s8], $0x10000  }
0x60: {  	[sflag:s8] =	ssyncset.done $0x0  }
0x61: {  	[sflag:s8] =	ssyncadd.s32 $0xFFFF0000  }
0x62: {  	[tilespmem:s2], [sflag:$0x1] =	stream.linear.gather [hbm4b:s15+s2], $0x10000, $0x38;
	v63 =	vld [tilespmem:$0x0]  }
0x63: {  	_ =	swait.ge [sflag:s10], $0x10000  }
0x64: {  	[sflag:s10] =	ssyncset.done $0x0  }
0x65: {  	[sflag:s10] =	ssyncadd.s32 $0xFFFF0000  }
0x66: {  	[hbm4b:s16+s2] =	stream.linear.scatter [tilespmem:s5], [sflag:$0x4], $0x10000, $0x38;
	v63 =	vld [tilespmem:$0x0]  }
0x67: {  	_ =	swait.ge [sflag:s11], $0x10000  }
0x68: {  	[sflag:s11] =	ssyncset.done $0x0  }
0x69: {  	[sflag:s11] =	ssyncadd.s32 $0xFFFF0000  }
0x6a: {  	[tilespmem:s5], [sflag:$0x2] =	stream.linear.gather [hbm4b:s17+s2], $0x10000, $0x38;
	v63 =	vld [tilespmem:$0x0]  }
0x6b: {  	_ =	swait.ge [sflag:s6], $0x10000  }
0x6c: {  	[sflag:s6] =	ssyncset.done $0x0  }
0x6d: {  	[sflag:s6] =	ssyncadd.s32 $0xFFFF0000  }
0x6e: {  	[hbm4b:s18+s2] =	stream.linear.scatter [tilespmem:s2], [sflag:$0x3], $0x10000, $0x38;
	v63 =	vld [tilespmem:$0x0]  }
0x6f: {  	_ =	swait.ge [sflag:s8], $0x10000  }
0x70: {  	[sflag:s8] =	ssyncset.done $0x0  }
0x71: {  	[sflag:s8] =	ssyncadd.s32 $0xFFFF0000  }
0x72: {  	[tilespmem:s2], [sflag:$0x1] =	stream.linear.gather [hbm4b:s19+s2], $0x10000, $0x38;
	v63 =	vld [tilespmem:$0x0]  }
0x73: {  	_ =	swait.ge [sflag:s10], $0x10000  }
0x74: {  	[sflag:s10] =	ssyncset.done $0x0  }
0x75: {  	[sflag:s10] =	ssyncadd.s32 $0xFFFF0000  }
0x76: {  	[hbm4b:s20+s2] =	stream.linear.scatter [tilespmem:s5], [sflag:$0x4], $0x10000, $0x38;
	v63 =	vld [tilespmem:$0x0]  }
0x77: {  	_ =	swait.ge [sflag:s11], $0x10000  }
0x78: {  	[sflag:s11] =	ssyncset.done $0x0  }
0x79: {  	[sflag:s11] =	ssyncadd.s32 $0xFFFF0000  }
0x7a: {  	[tilespmem:s5], [sflag:$0x2] =	stream.linear.gather [hbm4b:s21+s2], $0x10000, $0x38;
	v63 =	vld [tilespmem:$0x0]  }
0x7b: {  	_ =	swait.ge [sflag:s6], $0x10000  }
0x7c: {  	[sflag:s6] =	ssyncset.done $0x0  }
0x7d: {  	[sflag:s6] =	ssyncadd.s32 $0xFFFF0000  }
0x7e: {  	[hbm4b:s22+s2] =	stream.linear.scatter [tilespmem:s2], [sflag:$0x3], $0x10000, $0x38;
	v63 =	vld [tilespmem:$0x0]  }
0x7f: {  	_ =	swait.ge [sflag:s10], $0x10000  }
0x80: {  	[sflag:s10] =	ssyncset.done $0x0  }
0x81: {  	[sflag:s10] =	ssyncadd.s32 $0xFFFF0000  }
0x82: {  	[hbm4b:s23+s2] =	stream.linear.scatter [tilespmem:s5], [sflag:$0x4], $0x10000, $0x38;
	v63 =	vld [tilespmem:$0x0]  }
.Ltmp1:
0x83: {  	_ =	swait.ge [sflag:s8], $0x10000;
	(pc) =	sbr.rel @p0 .LBB2_1-.Ltmp1, $4  }
0x84: {  	[sflag:s8] =	ssyncset.done $0x0  }
0x85: {  	[sflag:s8] =	ssyncadd.s32 $0xFFFF0000  }
0x86: {  	_ =	swait.ge [sflag:s11], $0x10000  }
0x87: {  	[sflag:s11] =	ssyncset.done $0x0  }
.LBB2_2:
0x88: {  	[sflag:s11] =	ssyncadd.s32 $0xFFFF0000  }
0x89: {  	_ =	sfence.sel $0x180000  }
0x8a: {  	[bflag:$0x0] =	sbarrier.arrive $0xFFFF  }
0x8b: {  	p0 =	sne.s32 s1, $0x0;
	_ =	strace $0x90000047  }
0x8c: {  	s0 =	sadd.s32 @!p0 $0x100000, s0;
	[bflag:$0x2] =	sbarrier.arrive $0xFFFF  }
0x8d: {  	[sflag:s0] =	ssyncadd.tile.s32 @!p0 $0x1;
	_ =	shalt  }
.Lfunc_end2:
_tile_overlayer_lowered:
.L_overlay_start_2:
0x8e: {  	(tag) =	ssettag $0x2  }
0x8f: {  	s0 =	rddreg [dreg:$0x0];
	s2 =	stileid.u32  }
0x90: {  	s1 =	rddreg [dreg:$0x1];
	p0 =	sne.s32 s2, $0x0  }
0x91: {  	s3 =	rddreg [dreg:$0x2];
	[bflag:$0x3] =	sbarrier.arrive $0xFFFF;
	s2 =	simm.s32 @!p0 $0x1C05  }
0x92: {  	[timem:s3], [sflag:s2] =	dma.local @!p0 [hbm:s0], s1  }
0x93: {  	s0 =	simm.s32 @!p0 $0x5  }
0x94: {  	_ =	swait.ge @!p0 [sflag:s0], s1  }
0x95: {  	s1 =	ssub.s32 @!p0 $0x0, s1;
	[sflag:s0] =	ssyncset.done @!p0 $0x0  }
0x96: {  	[sflag:s0] =	ssyncadd.s32 @!p0 s1  }
0x97: {  	[bflag:$0x3] =	sbarrier.arrive $0xFFFF  }
0x98: {  	_ =	shalt  }

// kernel: sc_copy_1.3.cloned.1.call-start
scs
__scs_entry_jumppad:
0x0: {  	(pc) =	sbr.rel $0x88, $3  }
0x1: {  	(tag) =	ssettag $0x0;
	lr =	simm.s32 $0x1  }
0x2: {  	[smem:$0x3F9A] =	sst lr;
	_ =	strace $0xD0000000  }
0x3: {  	_ = 	snop  }
0x4: {  	_ = 	snop  }
0x5: {  	_ = 	snop  }
0x6: {  	_ = 	snop  }
0x7: {  	_ = 	snop  }
__scs_overlays_trampoline_lowered:
0x8: {  	[smem:$0x3FA9] =	sst s0  }
0x9: {  	[smem:$0x3FAA] =	sst s1  }
0xa: {  	[smem:$0x3FAB] =	sst s2  }
0xb: {  	[smem:$0x3FAC] =	sst s3  }
0xc: {  	[smem:$0x3FAD] =	sst s4  }
0xd: {  	[smem:$0x3FAE] =	sst s5  }
0xe: {  	[smem:$0x3FAF] =	sst s6  }
0xf: {  	[smem:$0x3FB0] =	sst s7  }
0x10: {  	[smem:$0x3FB1] =	sst s8  }
0x11: {  	[smem:$0x3FB2] =	sst s9;
	s0 =	simm.s32 @!p0 $0x0  }
0x12: {  	s1 =	sld [smem:$0x3F98];
	s0 =	simm.s32 @p0 $0x1  }
0x13: {  	[smem:$0x3FB3] =	sst s0;
	s0 =	simm.s32 @!p1 $0x0  }
0x14: {  	s2 =	sld [smem:$0x3F97];
	s0 =	simm.s32 @p1 $0x1  }
0x15: {  	[smem:$0x3FB4] =	sst s0;
	s0 =	simm.s32 @!p2 $0x0  }
0x16: {  	s3 =	sld [smem:$0x3FDB];
	s0 =	simm.s32 @p2 $0x1  }
0x17: {  	s4 =	simm.s32 $0x1BF5;
	[smem:$0x3FB6] =	sst s0  }
0x18: {  	s0 =	sld [smem:$0x3F99];
	_ =	swait.ge [sflag:s4], $0x0  }
0x19: {  	s7 =	sld [smem:$0x3F9A]  }
0x1a: {  	s8 =	sadd.s32 $0xFFFFE003, lr  }
0x1b: {  	s9 =	sadd.s32 $0xFFFFFEF7, lr;
	s5 =	simm.s32 $0xFFFFFFFF;
	p2 =	slt.u32 s8, $0xFFFFF086  }
0x1c: {  	p1 =	slt.u32 s9, $0xF7A;
	s5 =	simm.s32 @!p2 $0x0  }
0x1d: {  	s5 =	simm.s32 @p1 $0x1;
	p0 =	seq.s32 s7, s2  }
0x1e: {  	s7 =	smul.u32 @!p0 $0xF7A, s2;
	p2 =	seq.s32 @!p0 s5, $0x0  }
0x1f: {  	s9 =	smul.u32 $0xF7A, s1;
	s8 =	simm.s32 @!p0 $0x1BF5;
	p2 =	por !p2, p0  }
0x20: {  	[sflag:s8] =	ssyncset.s32 @!p0 $0xFFFFF086;
	s6 =	sadd.s32 @!p0 s3, s7;
	s7 =	simm.s32 @!p0 $0x108  }
0x21: {  	s3 =	sadd.s32 s3, s9;
	s6 =	sadd.s32 @!p0 $0x88, s6;
	s7 =	simm.s32 @p2 $0x1082  }
0x22: {  	[simem:s7], [sflag:s8] =	dma.local @!p0 [hbm:s6], $0xF7A  }
0x23: {  	s9 =	sor.u32 $0xD0000000, s2;
	s6 =	simm.s32 $0x108;
	_ =	swait.ge @!p0 [sflag:s8], $0x0  }
0x24: {  	s3 =	sadd.s32 $0x88, s3;
	s6 =	simm.s32 @!p1 $0x1082;
	[sflag:s4] =	ssyncset.s32 $0xFFFFF086  }
0x25: {  	[simem:s6], [sflag:s4] =	dma.local [hbm:s3], $0xF7A  }
0x26: {  	[smem:$0x3F9A] =	sst s1;
	(tag) =	ssettag s2;
	_ =	strace s9  }
0x27: {  	s1 =	sld [smem:$0x3FAA]  }
0x28: {  	s2 =	sld [smem:$0x3FAB]  }
0x29: {  	s4 =	sld [smem:$0x3FAD]  }
0x2a: {  	p0 =	seq.s32 s5, $0x0;
	s5 =	sld [smem:$0x3FAE]  }
0x2b: {  	s6 =	sld [smem:$0x3FAF]  }
0x2c: {  	s7 =	sld [smem:$0x3FB0]  }
0x2d: {  	s3 =	simm.s32 $0x108;
	s8 =	sld [smem:$0x3FB1]  }
0x2e: {  	s3 =	simm.s32 @!p0 $0x1082;
	s9 =	sld [smem:$0x3FB2]  }
0x2f: {  	lr =	sadd.s32 s0, s3;
	s0 =	sld [smem:$0x3FA9]  }
0x30: {  	s3 =	sld [smem:$0x3FAC]  }
0x31: {  	[smem:$0x3FB5] =	sst s10  }
0x32: {  	s10 =	sld [smem:$0x3FB3];
	_ =	sdelay $0x3  }
0x33: {  	p0 =	seq.s32 s10, $0x1;
	s10 =	sld [smem:$0x3FB5];
	_ =	sdelay $0x3  }
0x34: {  	[smem:$0x3FB5] =	sst s10  }
0x35: {  	s10 =	sld [smem:$0x3FB4];
	_ =	sdelay $0x3  }
0x36: {  	p1 =	seq.s32 s10, $0x1;
	s10 =	sld [smem:$0x3FB5];
	_ =	sdelay $0x3  }
0x37: {  	[smem:$0x3FB5] =	sst s10  }
0x38: {  	s10 =	sld [smem:$0x3FB6]  }
0x39: {  	_ = 	snop;
	(pc) =	sbr.ind lr, $3  }
0x3a: {  	_ = 	snop  }
0x3b: {  	_ = 	snop  }
0x3c: {  	p2 =	seq.s32 s10, $0x1;
	s10 =	sld [smem:$0x3FB5]  }
0x3d: {  	_ =	shalt  }
0x3e: {  	_ =	shalt  }
0x3f: {  	_ =	shalt  }
0x40: {  	_ =	shalt  }
0x41: {  	_ =	shalt  }
0x42: {  	_ =	shalt  }
0x43: {  	_ =	shalt  }
0x44: {  	_ =	shalt  }
0x45: {  	_ =	shalt  }
0x46: {  	_ =	shalt  }
0x47: {  	_ =	shalt  }
0x48: {  	_ =	shalt  }
0x49: {  	_ =	shalt  }
0x4a: {  	_ =	shalt  }
0x4b: {  	_ =	shalt  }
0x4c: {  	_ =	shalt  }
0x4d: {  	_ =	shalt  }
0x4e: {  	_ =	shalt  }
0x4f: {  	_ =	shalt  }
0x50: {  	_ =	shalt  }
0x51: {  	_ =	shalt  }
0x52: {  	_ =	shalt  }
0x53: {  	_ =	shalt  }
0x54: {  	_ =	shalt  }
0x55: {  	_ =	shalt  }
0x56: {  	_ =	shalt  }
0x57: {  	_ =	shalt  }
0x58: {  	_ =	shalt  }
0x59: {  	_ =	shalt  }
0x5a: {  	_ =	shalt  }
0x5b: {  	_ =	shalt  }
0x5c: {  	_ =	shalt  }
0x5d: {  	_ =	shalt  }
0x5e: {  	_ =	shalt  }
0x5f: {  	_ =	shalt  }
0x60: {  	_ =	shalt  }
0x61: {  	_ =	shalt  }
0x62: {  	_ =	shalt  }
0x63: {  	_ =	shalt  }
0x64: {  	_ =	shalt  }
0x65: {  	_ =	shalt  }
0x66: {  	_ =	shalt  }
0x67: {  	_ =	shalt  }
0x68: {  	_ =	shalt  }
0x69: {  	_ =	shalt  }
0x6a: {  	_ =	shalt  }
0x6b: {  	_ =	shalt  }
0x6c: {  	_ =	shalt  }
0x6d: {  	_ =	shalt  }
0x6e: {  	_ =	shalt  }
0x6f: {  	_ =	shalt  }
0x70: {  	_ =	shalt  }
0x71: {  	_ =	shalt  }
0x72: {  	_ =	shalt  }
0x73: {  	_ =	shalt  }
0x74: {  	_ =	shalt  }
0x75: {  	_ =	shalt  }
0x76: {  	_ =	shalt  }
0x77: {  	_ =	shalt  }
0x78: {  	_ =	shalt  }
0x79: {  	_ =	shalt  }
0x7a: {  	_ =	shalt  }
0x7b: {  	_ =	shalt  }
0x7c: {  	_ =	shalt  }
0x7d: {  	_ =	shalt  }
0x7e: {  	_ =	shalt  }
0x7f: {  	_ =	shalt  }
0x80: {  	_ =	shalt  }
0x81: {  	_ =	shalt  }
0x82: {  	_ =	shalt  }
0x83: {  	_ =	shalt  }
0x84: {  	_ =	shalt  }
0x85: {  	_ =	shalt  }
0x86: {  	_ =	shalt  }
0x87: {  	_ =	shalt  }
.Lfunc_end0:
.L_simem_size_0:
called_computation.2_lowered:
.L_overlay_start_0:
0x88: {  	s2 =	sld [smem:$0x3FD9]  }
0x89: {  	s3 =	sld [smem:$0x3FFE];
	_ =	sdelay $0x1  }
0x8a: {  	s1 =	srdreg.scid  }
0x8b: {  	s0 =	sand.u32 $0x1, s1  }
0x8c: {  	s16 =	sshll.u32 s0, $0xA;
	s2 =	sadd.s32 s3, s2  }
0x8d: {  	s2 =	sadd.s32 s2, s16  }
0x8e: {  	[smem:$0x3FC1] =	sst s2  }
0x8f: {  	_ = 	snop  }
0x90: {  	s17 =	sld [smem:$0x3FD0];
	_ =	sdelay $0x2  }
0x91: {  	s4 =	simm.s32 $0xB;
	s5 =	simm.s32 $0x10;
	s2 =	sld [smem:$0x3FC9]  }
0x92: {  	[smem:s5], [sflag:s4] =	dma.local [hbm:s17], $0x1  }
0x93: {  	_ =	swait.eq [sflag:s4], $0x1  }
0x94: {  	[sflag:s4] =	ssyncset.done $0x0  }
0x95: {  	[sflag:s4] =	ssyncadd.s32 $0xFFFFFFFF  }
0x96: {  	s18 =	sld [smem:$0x10];
	(tm) =	ssettm $0x1  }
0x97: {  	s19 =	sld [smem:$0x3FFB];
	_ =	sdelay $0x3  }
0x98: {  	_ =	strace s19  }
0x99: {  	s3 =	sld [smem:$0x3FFC];
	_ =	sdelay $0x3  }
0x9a: {  	_ =	strace s3  }
0x9b: {  	s3 =	sld [smem:$0x3FFD];
	_ =	sdelay $0x3  }
0x9c: {  	_ =	strace s3  }
0x9d: {  	_ =	strace $0x8FFFFFFF  }
0x9e: {  	s20 =	sld [smem:$0x3FDB];
	_ =	sdelay $0x1  }
0x9f: {  	s21 =	simm.s32 $_scs_section_size  }
0xa0: {  	s6 =	simm.s32 $_size__tile_overlayer_lowered;
	s7 =	simm.s32 $_tile_overlayer_lowered  }
0xa1: {  	s8 =	simm.s32 $0x1BFF;
	s22 =	sshll.u32 s7, $0x1;
	s5 =	sadd.s32 s21, s20  }
0xa2: {  	s23 =	simm.s32 $0x0;
	s6 =	sshll.u32 s6, $0x1;
	s7 =	sadd.s32 s22, s5  }
0xa3: {  	[timem:s23], [sflag:s8] =	dma.local [hbm:s7], s6  }
0xa4: {  	_ =	swait.ge [sflag:s8], s6  }
0xa5: {  	s6 =	ssub.s32 $0x0, s6;
	[sflag:s8] =	ssyncset.done $0x0  }
0xa6: {  	[sflag:s8] =	ssyncadd.s32 s6;
	_ =	sdelay $0x1  }
0xa7: {  	s24 =	simm.s32 $0x1B8B  }
0xa8: {  	_ =	swait.ge [sflag:s24], $0x1  }
0xa9: {  	[sflag:s24] =	ssyncset.done $0x0  }
0xaa: {  	[sflag:s24] =	ssyncadd.s32 $0xFFFFFFFF  }
0xab: {  	s6 =	sld [smem:$0x0]  }
0xac: {  	s7 =	sand.u32 $0xFFFFFFFE, s1  }
0xad: {  	p0 =	sne.s32 s1, s7  }
0xae: {  	s7 =	sshll.u32 @p0 s7, $0xE  }
0xaf: {  	s7 =	sadd.s32 @p0 $0x11B8D, s7;
	s8 =	sshll.u32 @p0 s6, $0x11  }
0xb0: {  	s7 =	sor.u32 @p0 s8, s7  }
0xb1: {  	[sflag:s7] =	ssyncadd.remote.s32 @p0 $0x1;
	_ =	sdelay $0x1  }
0xb2: {  	s7 =	simm.s32 @p0 $0x1B8D  }
0xb3: {  	_ =	swait.eq @p0 [sflag:s7], $0x1  }
0xb4: {  	[sflag:s7] =	ssyncadd.s32 @p0 $0xFFFFFFFF  }
0xb5: {  	s8 =	sshll.u32 @!p0 s1, $0xE  }
0xb6: {  	s8 =	sor.u32 @!p0 $0x4000, s8;
	s7 =	simm.s32 @!p0 $0x1B8D  }
0xb7: {  	s6 =	sshll.u32 @!p0 s6, $0x11;
	s8 =	sadd.s32 @!p0 $0x11B8D, s8;
	_ =	swait.eq @!p0 [sflag:s7], $0x1  }
0xb8: {  	s6 =	sor.u32 @!p0 s6, s8;
	[sflag:s7] =	ssyncadd.s32 @!p0 $0xFFFFFFFF  }
0xb9: {  	s25 =	simm.s32 $0x1B8E;
	[sflag:s6] =	ssyncadd.remote.s32 @!p0 $0x1  }
0xba: {  	s26 =	simm.s32 $execute0_lowered;
	[smem:$0x3FD2] =	sst s25  }
0xbb: {  	s6 =	sshll.u32 s26, $0x1;
	_ =	strace $0x8000004C;
	[dreg:$0x1] =	wrdreg $0xFFFFFFFF  }
0xbc: {  	s28 =	simm.s32 $_size_execute0_lowered;
	s5 =	sadd.s32 s5, s6;
	[dreg:$0x0] =	wrdreg $0x0  }
0xbd: {  	s6 =	sshll.u32 s28, $0x1;
	[dreg:$0x2] =	wrdreg s5  }
0xbe: {  	[dreg:$0x3] =	wrdreg s6  }
0xbf: {  	[dreg:$0x4] =	wrdreg $0xC0  }
0xc0: {  	_ =	task [dreg:s23], $0x5FFFF  }
0xc1: {  	[dreg:$0x1] =	wrdreg $0xFFFFFFFF  }
0xc2: {  	[dreg:$0x0] =	wrdreg $0x60  }
0xc3: {  	[dreg:$0x2] =	wrdreg s2  }
0xc4: {  	[dreg:$0x3] =	wrdreg s18  }
0xc5: {  	[dreg:$0x4] =	wrdreg $0xA  }
0xc6: {  	_ =	task.clear_ibuf [dreg:s23], $0x5FFFF;
	_ =	strace $0x9000004C  }
0xc7: {  	s29 =	simm.s32 $0xA;
	_ =	strace $0x8000004E  }
0xc8: {  	_ =	swait.ge [sflag:s29], $0x1  }
0xc9: {  	[sflag:s29] =	ssyncadd.s32 $0xFFFFFFFF  }
0xca: {  	_ =	strace $0x9000004E  }
0xcb: {  	_ =	sfence  }
0xcc: {  	s30 =	sld [smem:$0x0];
	_ =	sdelay $0x2  }
0xcd: {  	s31 =	sshll.u32 s1, $0xD;
	s1 =	sshrl.u32 s1, $0x2  }
0xce: {  	s4 =	sand.u32 $0x4000, s31;
	s1 =	sadd.s32 s1, s30  }
0xcf: {  	s0 =	sor.u32 s4, s0;
	s1 =	sshll.u32 s1, $0x11  }
0xd0: {  	s0 =	sor.u32 s1, s0  }
0xd1: {  	s0 =	sadd.s32 $0x8F2B, s0  }
0xd2: {  	[sflag:s0] =	ssyncadd.remote.s32 $0x1  }
0xd3: {  	_ =	sfence.sel $0xFFFF  }
0xd4: {  	[dreg:$0x0] =	wrdreg $0xFFFFFFFF;
	(pc) =	sbr.abs _section_cstart, $3  }
0xd5: {  	[dreg:$0x1] =	wrdreg $0xFFFFFFFF  }
0xd6: {  	_ =	task.clear_ibuf [dreg:s23], $0x2FFFF;
	_ =	strace $0x9FFFFFFF  }
0xd7: {  	(tm) =	ssettm $0x7FFFFFFF  }
tec
execute0_lowered:
.L_overlay_start_1:
0x0: {  	(tag) =	ssettag $0x1  }
0x1: {  	s1 =	srdreg.scid  }
0x2: {  	s21 =	rddreg [dreg:$0x0];
	s0 =	stileid.u32;
	s24 =	sand.u32 $0x1, s1  }
0x3: {  	s23 =	rddreg [dreg:$0x1];
	s3 =	sshll.u32 s0, $0x12;
	s4 =	sshll.u32 s24, $0x11  }
0x4: {  	s2 =	simm.s32 $0x0;
	s1 =	rddreg [dreg:$0x2];
	s22 =	sor.u32 s4, s3  }
0x5: {  	[smem:$0x7FF] =	sst s2;
	s7 =	sor.u32 $0x10000, s22  }
0x6: {  	_ =	strace $0x8000004D;
	s11 =	sor.u32 $0x12000, s22;
	s3 =	sadd.s32 s21, s7  }
0x7: {  	[tilespmem:s2], [sflag:$0x1] =	stream.linear.gather [hbm4b:s3+s2], $0x10000, $0x38;
	v63 =	vld [tilespmem:$0x0]  }
0x8: {  	s5 =	simm.s32 $0x10000;
	s6 =	simm.s32 $0x1;
	s4 =	sadd.s32 s21, s11  }
0x9: {  	[tilespmem:s5], [sflag:$0x2] =	stream.linear.gather [hbm4b:s4+s2], $0x10000, $0x38;
	v63 =	vld [tilespmem:$0x0]  }
0xa: {  	_ =	swait.ge [sflag:s6], $0x10000  }
0xb: {  	[sflag:s6] =	ssyncset.done $0x0  }
0xc: {  	s8 =	simm.s32 $0x3;
	s7 =	sadd.s32 s23, s7;
	[sflag:s6] =	ssyncadd.s32 $0xFFFF0000  }
0xd: {  	[hbm4b:s7+s2] =	stream.linear.scatter [tilespmem:s2], [sflag:$0x3], $0x10000, $0x38;
	v63 =	vld [tilespmem:$0x0]  }
0xe: {  	_ =	swait.ge [sflag:s8], $0x10000  }
0xf: {  	s14 =	sor.u32 $0x14000, s22;
	[sflag:s8] =	ssyncset.done $0x0  }
0x10: {  	s10 =	simm.s32 $0x2;
	s9 =	sadd.s32 s21, s14;
	[sflag:s8] =	ssyncadd.s32 $0xFFFF0000  }
0x11: {  	[tilespmem:s2], [sflag:$0x1] =	stream.linear.gather [hbm4b:s9+s2], $0x10000, $0x38;
	v63 =	vld [tilespmem:$0x0]  }
0x12: {  	_ =	swait.ge [sflag:s10], $0x10000  }
0x13: {  	[sflag:s10] =	ssyncset.done $0x0  }
0x14: {  	s12 =	sadd.s32 s23, s11;
	s11 =	simm.s32 $0x4;
	[sflag:s10] =	ssyncadd.s32 $0xFFFF0000  }
0x15: {  	[hbm4b:s12+s2] =	stream.linear.scatter [tilespmem:s5], [sflag:$0x4], $0x10000, $0x38;
	v63 =	vld [tilespmem:$0x0]  }
0x16: {  	_ =	swait.ge [sflag:s11], $0x10000  }
0x17: {  	s16 =	sor.u32 $0x16000, s22;
	[sflag:s11] =	ssyncset.done $0x0  }
0x18: {  	s13 =	sadd.s32 s21, s16;
	[sflag:s11] =	ssyncadd.s32 $0xFFFF0000  }
0x19: {  	[tilespmem:s5], [sflag:$0x2] =	stream.linear.gather [hbm4b:s13+s2], $0x10000, $0x38;
	v63 =	vld [tilespmem:$0x0]  }
0x1a: {  	_ =	swait.ge [sflag:s6], $0x10000  }
0x1b: {  	[sflag:s6] =	ssyncset.done $0x0  }
0x1c: {  	s14 =	sadd.s32 s23, s14;
	[sflag:s6] =	ssyncadd.s32 $0xFFFF0000  }
0x1d: {  	[hbm4b:s14+s2] =	stream.linear.scatter [tilespmem:s2], [sflag:$0x3], $0x10000, $0x38;
	v63 =	vld [tilespmem:$0x0]  }
0x1e: {  	_ =	swait.ge [sflag:s8], $0x10000  }
0x1f: {  	s18 =	sor.u32 $0x18000, s22;
	[sflag:s8] =	ssyncset.done $0x0  }
0x20: {  	s15 =	sadd.s32 s21, s18;
	[sflag:s8] =	ssyncadd.s32 $0xFFFF0000  }
0x21: {  	[tilespmem:s2], [sflag:$0x1] =	stream.linear.gather [hbm4b:s15+s2], $0x10000, $0x38;
	v63 =	vld [tilespmem:$0x0]  }
0x22: {  	_ =	swait.ge [sflag:s10], $0x10000  }
0x23: {  	[sflag:s10] =	ssyncset.done $0x0  }
0x24: {  	s16 =	sadd.s32 s23, s16;
	[sflag:s10] =	ssyncadd.s32 $0xFFFF0000  }
0x25: {  	[hbm4b:s16+s2] =	stream.linear.scatter [tilespmem:s5], [sflag:$0x4], $0x10000, $0x38;
	v63 =	vld [tilespmem:$0x0]  }
0x26: {  	_ =	swait.ge [sflag:s11], $0x10000  }
0x27: {  	s20 =	sor.u32 $0x1A000, s22;
	[sflag:s11] =	ssyncset.done $0x0  }
0x28: {  	s17 =	sadd.s32 s21, s20;
	[sflag:s11] =	ssyncadd.s32 $0xFFFF0000  }
0x29: {  	[tilespmem:s5], [sflag:$0x2] =	stream.linear.gather [hbm4b:s17+s2], $0x10000, $0x38;
	v63 =	vld [tilespmem:$0x0]  }
0x2a: {  	_ =	swait.ge [sflag:s6], $0x10000  }
0x2b: {  	[sflag:s6] =	ssyncset.done $0x0  }
0x2c: {  	s18 =	sadd.s32 s23, s18;
	[sflag:s6] =	ssyncadd.s32 $0xFFFF0000  }
0x2d: {  	[hbm4b:s18+s2] =	stream.linear.scatter [tilespmem:s2], [sflag:$0x3], $0x10000, $0x38;
	v63 =	vld [tilespmem:$0x0]  }
0x2e: {  	_ =	swait.ge [sflag:s8], $0x10000  }
0x2f: {  	s25 =	sor.u32 $0x1C000, s22;
	[sflag:s8] =	ssyncset.done $0x0  }
0x30: {  	s19 =	sadd.s32 s21, s25;
	[sflag:s8] =	ssyncadd.s32 $0xFFFF0000  }
0x31: {  	[tilespmem:s2], [sflag:$0x1] =	stream.linear.gather [hbm4b:s19+s2], $0x10000, $0x38;
	v63 =	vld [tilespmem:$0x0]  }
0x32: {  	_ =	swait.ge [sflag:s10], $0x10000  }
0x33: {  	[sflag:s10] =	ssyncset.done $0x0  }
0x34: {  	s20 =	sadd.s32 s23, s20;
	[sflag:s10] =	ssyncadd.s32 $0xFFFF0000  }
0x35: {  	[hbm4b:s20+s2] =	stream.linear.scatter [tilespmem:s5], [sflag:$0x4], $0x10000, $0x38;
	v63 =	vld [tilespmem:$0x0]  }
0x36: {  	_ =	swait.ge [sflag:s11], $0x10000  }
0x37: {  	s26 =	sor.u32 $0x1E000, s22;
	[sflag:s11] =	ssyncset.done $0x0  }
0x38: {  	s21 =	sadd.s32 s21, s26;
	[sflag:s11] =	ssyncadd.s32 $0xFFFF0000  }
0x39: {  	[tilespmem:s5], [sflag:$0x2] =	stream.linear.gather [hbm4b:s21+s2], $0x10000, $0x38;
	v63 =	vld [tilespmem:$0x0]  }
0x3a: {  	_ =	swait.ge [sflag:s6], $0x10000  }
0x3b: {  	s24 =	ssub.s32 $0x2, s24;
	[sflag:s6] =	ssyncset.done $0x0  }
0x3c: {  	s31 =	sshrl.u32 s24, $0x1;
	s22 =	sadd.s32 s23, s25;
	[sflag:s6] =	ssyncadd.s32 $0xFFFF0000  }
0x3d: {  	[hbm4b:s22+s2] =	stream.linear.scatter [tilespmem:s2], [sflag:$0x3], $0x10000, $0x38;
	v63 =	vld [tilespmem:$0x0]  }
0x3e: {  	s24 =	ssub.s32 s24, s31;
	_ =	swait.ge [sflag:s10], $0x10000  }
0x3f: {  	s24 =	smax.u32 s24, $0x1;
	[sflag:s10] =	ssyncset.done $0x0  }
0x40: {  	s23 =	sadd.s32 s23, s26;
	p0 =	sne.s32 s24, $0x1;
	[sflag:s10] =	ssyncadd.s32 $0xFFFF0000  }
0x41: {  	[hbm4b:s23+s2] =	stream.linear.scatter [tilespmem:s5], [sflag:$0x4], $0x10000, $0x38;
	v63 =	vld [tilespmem:$0x0]  }
.Ltmp0:
0x42: {  	_ =	swait.ge [sflag:s8], $0x10000;
	(pc) =	sbr.rel @!p0 .LBB2_2-.Ltmp0, $4  }
0x43: {  	[sflag:s8] =	ssyncset.done $0x0  }
0x44: {  	[sflag:s8] =	ssyncadd.s32 $0xFFFF0000  }
0x45: {  	_ =	swait.ge [sflag:s11], $0x10000  }
0x46: {  	s24 =	sadd.s32 $0xFFFFFFFF, s24;
	[sflag:s11] =	ssyncset.done $0x0  }
.LBB2_1:
0x47: {  	p0 =	sne.s32 s24, $0x1;
	s24 =	sadd.s32 $0xFFFFFFFF, s24;
	[sflag:s11] =	ssyncadd.s32 $0xFFFF0000  }
0x48: {  	[tilespmem:s2], [sflag:$0x1] =	stream.linear.gather [hbm4b:s3+s2], $0x10000, $0x38;
	v63 =	vld [tilespmem:$0x0]  }
0x49: {  	_ = 	snop  }
0x4a: {  	[tilespmem:s5], [sflag:$0x2] =	stream.linear.gather [hbm4b:s4+s2], $0x10000, $0x38;
	v63 =	vld [tilespmem:$0x0]  }
0x4b: {  	_ =	swait.ge [sflag:s6], $0x10000  }
0x4c: {  	[sflag:s6] =	ssyncset.done $0x0  }
0x4d: {  	[sflag:s6] =	ssyncadd.s32 $0xFFFF0000  }
0x4e: {  	[hbm4b:s7+s2] =	stream.linear.scatter [tilespmem:s2], [sflag:$0x3], $0x10000, $0x38;
	v63 =	vld [tilespmem:$0x0]  }
0x4f: {  	_ =	swait.ge [sflag:s8], $0x10000  }
0x50: {  	[sflag:s8] =	ssyncset.done $0x0  }
0x51: {  	[sflag:s8] =	ssyncadd.s32 $0xFFFF0000  }
0x52: {  	[tilespmem:s2], [sflag:$0x1] =	stream.linear.gather [hbm4b:s9+s2], $0x10000, $0x38;
	v63 =	vld [tilespmem:$0x0]  }
0x53: {  	_ =	swait.ge [sflag:s10], $0x10000  }
0x54: {  	[sflag:s10] =	ssyncset.done $0x0  }
0x55: {  	[sflag:s10] =	ssyncadd.s32 $0xFFFF0000  }
0x56: {  	[hbm4b:s12+s2] =	stream.linear.scatter [tilespmem:s5], [sflag:$0x4], $0x10000, $0x38;
	v63 =	vld [tilespmem:$0x0]  }
0x57: {  	_ =	swait.ge [sflag:s11], $0x10000  }
0x58: {  	[sflag:s11] =	ssyncset.done $0x0  }
0x59: {  	[sflag:s11] =	ssyncadd.s32 $0xFFFF0000  }
0x5a: {  	[tilespmem:s5], [sflag:$0x2] =	stream.linear.gather [hbm4b:s13+s2], $0x10000, $0x38;
	v63 =	vld [tilespmem:$0x0]  }
0x5b: {  	_ =	swait.ge [sflag:s6], $0x10000  }
0x5c: {  	[sflag:s6] =	ssyncset.done $0x0  }
0x5d: {  	[sflag:s6] =	ssyncadd.s32 $0xFFFF0000  }
0x5e: {  	[hbm4b:s14+s2] =	stream.linear.scatter [tilespmem:s2], [sflag:$0x3], $0x10000, $0x38;
	v63 =	vld [tilespmem:$0x0]  }
0x5f: {  	_ =	swait.ge [sflag:s8], $0x10000  }
0x60: {  	[sflag:s8] =	ssyncset.done $0x0  }
0x61: {  	[sflag:s8] =	ssyncadd.s32 $0xFFFF0000  }
0x62: {  	[tilespmem:s2], [sflag:$0x1] =	stream.linear.gather [hbm4b:s15+s2], $0x10000, $0x38;
	v63 =	vld [tilespmem:$0x0]  }
0x63: {  	_ =	swait.ge [sflag:s10], $0x10000  }
0x64: {  	[sflag:s10] =	ssyncset.done $0x0  }
0x65: {  	[sflag:s10] =	ssyncadd.s32 $0xFFFF0000  }
0x66: {  	[hbm4b:s16+s2] =	stream.linear.scatter [tilespmem:s5], [sflag:$0x4], $0x10000, $0x38;
	v63 =	vld [tilespmem:$0x0]  }
0x67: {  	_ =	swait.ge [sflag:s11], $0x10000  }
0x68: {  	[sflag:s11] =	ssyncset.done $0x0  }
0x69: {  	[sflag:s11] =	ssyncadd.s32 $0xFFFF0000  }
0x6a: {  	[tilespmem:s5], [sflag:$0x2] =	stream.linear.gather [hbm4b:s17+s2], $0x10000, $0x38;
	v63 =	vld [tilespmem:$0x0]  }
0x6b: {  	_ =	swait.ge [sflag:s6], $0x10000  }
0x6c: {  	[sflag:s6] =	ssyncset.done $0x0  }
0x6d: {  	[sflag:s6] =	ssyncadd.s32 $0xFFFF0000  }
0x6e: {  	[hbm4b:s18+s2] =	stream.linear.scatter [tilespmem:s2], [sflag:$0x3], $0x10000, $0x38;
	v63 =	vld [tilespmem:$0x0]  }
0x6f: {  	_ =	swait.ge [sflag:s8], $0x10000  }
0x70: {  	[sflag:s8] =	ssyncset.done $0x0  }
0x71: {  	[sflag:s8] =	ssyncadd.s32 $0xFFFF0000  }
0x72: {  	[tilespmem:s2], [sflag:$0x1] =	stream.linear.gather [hbm4b:s19+s2], $0x10000, $0x38;
	v63 =	vld [tilespmem:$0x0]  }
0x73: {  	_ =	swait.ge [sflag:s10], $0x10000  }
0x74: {  	[sflag:s10] =	ssyncset.done $0x0  }
0x75: {  	[sflag:s10] =	ssyncadd.s32 $0xFFFF0000  }
0x76: {  	[hbm4b:s20+s2] =	stream.linear.scatter [tilespmem:s5], [sflag:$0x4], $0x10000, $0x38;
	v63 =	vld [tilespmem:$0x0]  }
0x77: {  	_ =	swait.ge [sflag:s11], $0x10000  }
0x78: {  	[sflag:s11] =	ssyncset.done $0x0  }
0x79: {  	[sflag:s11] =	ssyncadd.s32 $0xFFFF0000  }
0x7a: {  	[tilespmem:s5], [sflag:$0x2] =	stream.linear.gather [hbm4b:s21+s2], $0x10000, $0x38;
	v63 =	vld [tilespmem:$0x0]  }
0x7b: {  	_ =	swait.ge [sflag:s6], $0x10000  }
0x7c: {  	[sflag:s6] =	ssyncset.done $0x0  }
0x7d: {  	[sflag:s6] =	ssyncadd.s32 $0xFFFF0000  }
0x7e: {  	[hbm4b:s22+s2] =	stream.linear.scatter [tilespmem:s2], [sflag:$0x3], $0x10000, $0x38;
	v63 =	vld [tilespmem:$0x0]  }
0x7f: {  	_ =	swait.ge [sflag:s10], $0x10000  }
0x80: {  	[sflag:s10] =	ssyncset.done $0x0  }
0x81: {  	[sflag:s10] =	ssyncadd.s32 $0xFFFF0000  }
0x82: {  	[hbm4b:s23+s2] =	stream.linear.scatter [tilespmem:s5], [sflag:$0x4], $0x10000, $0x38;
	v63 =	vld [tilespmem:$0x0]  }
.Ltmp1:
0x83: {  	_ =	swait.ge [sflag:s8], $0x10000;
	(pc) =	sbr.rel @p0 .LBB2_1-.Ltmp1, $4  }
0x84: {  	[sflag:s8] =	ssyncset.done $0x0  }
0x85: {  	[sflag:s8] =	ssyncadd.s32 $0xFFFF0000  }
0x86: {  	_ =	swait.ge [sflag:s11], $0x10000  }
0x87: {  	[sflag:s11] =	ssyncset.done $0x0  }
.LBB2_2:
0x88: {  	[sflag:s11] =	ssyncadd.s32 $0xFFFF0000  }
0x89: {  	_ =	sfence.sel $0x180000  }
0x8a: {  	[bflag:$0x0] =	sbarrier.arrive $0xFFFF  }
0x8b: {  	p0 =	sne.s32 s0, $0x0;
	_ =	strace $0x9000004D  }
0x8c: {  	s0 =	sadd.s32 @!p0 $0x100000, s1;
	[bflag:$0x2] =	sbarrier.arrive $0xFFFF  }
0x8d: {  	[sflag:s0] =	ssyncadd.tile.s32 @!p0 $0x1;
	_ =	shalt  }
.Lfunc_end2:
_tile_overlayer_lowered:
.L_overlay_start_2:
0x8e: {  	(tag) =	ssettag $0x2  }
0x8f: {  	s0 =	rddreg [dreg:$0x0];
	s2 =	stileid.u32  }
0x90: {  	s1 =	rddreg [dreg:$0x1];
	p0 =	sne.s32 s2, $0x0  }
0x91: {  	s3 =	rddreg [dreg:$0x2];
	[bflag:$0x3] =	sbarrier.arrive $0xFFFF;
	s2 =	simm.s32 @!p0 $0x1C05  }
0x92: {  	[timem:s3], [sflag:s2] =	dma.local @!p0 [hbm:s0], s1  }
0x93: {  	s0 =	simm.s32 @!p0 $0x5  }
0x94: {  	_ =	swait.ge @!p0 [sflag:s0], s1  }
0x95: {  	s1 =	ssub.s32 @!p0 $0x0, s1;
	[sflag:s0] =	ssyncset.done @!p0 $0x0  }
0x96: {  	[sflag:s0] =	ssyncadd.s32 @!p0 s1  }
0x97: {  	[bflag:$0x3] =	sbarrier.arrive $0xFFFF  }
0x98: {  	_ =	shalt  }

</sc_bundles>
